<compile_context>
chip_gen: v7x
topology: tpu7x:2x2x1
jax: 0.10.2.dev20260603
libtpu: 0.0.44.dev20260713+nightly
codegen_flags: <defaults>
</compile_context>

<pallas_src>
import jax
import jax.numpy as jnp
from jax import lax
from jax.experimental import pallas as pl
from jax.experimental.pallas import tpu as pltpu
from jax.experimental.pallas import tpu_sc as plsc

N = 10000
D = 128
E = 320000
NC = 2
NS = 16
NPAD = 10240
RPT = NPAD // NS
EPT = E // (NC * NS)
K = 200
NIT = EPT // K
NBUF = 3
P = next(p for p in range(2, 2 + NBUF) if (NIT - p - 3) % NBUF == 0)
NGROUPS = (NIT - P - 3) // NBUF

_mesh = plsc.VectorSubcoreMesh(core_axis_name="c", subcore_axis_name="s")


def _make_sc_aggregate(compute_deg):
    out_type = [jax.ShapeDtypeStruct((NC, NPAD, D), jnp.bfloat16)]
    if compute_deg:
        out_type.append(jax.ShapeDtypeStruct((NC, NPAD), jnp.float32))

    scratch = [
        pltpu.VMEM((NIT, K), jnp.int32),
        pltpu.VMEM((NIT, K), jnp.int32),
        pltpu.VMEM((NBUF, K, D), jnp.bfloat16),
        pltpu.VMEM((K,), jnp.float32),
        pltpu.VMEM_SHARED((NPAD, D), jnp.bfloat16),
        pltpu.VMEM_SHARED((NPAD,), jnp.float32),
    ] + [pltpu.SemaphoreType.DMA] * (3 * NBUF)

    def body(x_hbm, edge_hbm, zrow_hbm, zdeg_hbm, ones_hbm,
             *refs):
        if compute_deg:
            acc_hbm, deg_hbm = refs[0], refs[1]
            rest = refs[2:]
        else:
            acc_hbm = refs[0]
            rest = refs[1:]
        (srcb, dstb, rows, ones_v, acc_s, deg_s) = rest[:6]
        sem_g = rest[6:6 + NBUF]
        sem_s = rest[6 + NBUF:6 + 2 * NBUF]
        sem_d = rest[6 + 2 * NBUF:6 + 3 * NBUF]

        c = lax.axis_index("c")
        s = lax.axis_index("s")
        wid = c * NS + s

        pltpu.sync_copy(edge_hbm.at[0, wid], srcb)
        pltpu.sync_copy(edge_hbm.at[1, wid], dstb)
        pltpu.sync_copy(zrow_hbm, acc_s.at[pl.ds(s * RPT, RPT)])
        if compute_deg:
            pltpu.sync_copy(ones_hbm, ones_v)

            @pl.when(s == 0)
            def _():
                pltpu.sync_copy(zdeg_hbm, deg_s)

        plsc.subcore_barrier()

        def start_gather(i, b):
            pltpu.async_copy(x_hbm.at[srcb.at[i]], rows.at[b], sem_g[b])

        def wait_gather(i, b):
            pltpu.make_async_copy(x_hbm.at[srcb.at[i]], rows.at[b],
                                  sem_g[b]).wait()

        def start_scatter(i, b):
            pltpu.async_copy(rows.at[b], acc_s.at[dstb.at[i]], sem_s[b],
                             add=True)
            if compute_deg:
                pltpu.async_copy(ones_v, deg_s.at[dstb.at[i]], sem_d[b],
                                 add=True)

        def wait_scatter(i, b):
            pltpu.make_async_copy(rows.at[b], acc_s.at[dstb.at[i]],
                                  sem_s[b]).wait()
            if compute_deg:
                pltpu.make_async_copy(ones_v, deg_s.at[dstb.at[i]],
                                      sem_d[b]).wait()

        def emit_iter(i, b, b2, wait_prev=True, emit_next=True):
            wait_gather(i, b)
            start_scatter(i, b)
            if emit_next:
                if wait_prev:
                    wait_scatter(i - 1, b2)
                start_gather(i + 2, b2)

        start_gather(0, 0)
        start_gather(1, 1 % NBUF)
        for i in range(P):
            emit_iter(i, i % NBUF, (i + 2) % NBUF, wait_prev=(i >= 1))

        def group(g, carry):
            i0 = P + g * NBUF
            for u in range(NBUF):
                emit_iter(i0 + u, (P + u) % NBUF, (P + u + 2) % NBUF)
            return carry

        lax.fori_loop(0, NGROUPS, group, 0)

        emit_iter(NIT - 3, (NIT - 3) % NBUF, (NIT - 1) % NBUF)
        emit_iter(NIT - 2, (NIT - 2) % NBUF, 0, emit_next=False)
        emit_iter(NIT - 1, (NIT - 1) % NBUF, 0, emit_next=False)
        wait_scatter(NIT - 3, (NIT - 3) % NBUF)
        wait_scatter(NIT - 2, (NIT - 2) % NBUF)
        wait_scatter(NIT - 1, (NIT - 1) % NBUF)

        plsc.subcore_barrier()

        pltpu.sync_copy(acc_s.at[pl.ds(s * RPT, RPT)],
                        acc_hbm.at[c, pl.ds(s * RPT, RPT)])
        if compute_deg:
            @pl.when(s == 0)
            def _():
                pltpu.sync_copy(deg_s, deg_hbm.at[c])

    return pl.kernel(
        body,
        out_type=tuple(out_type) if compute_deg else out_type[0],
        mesh=_mesh,
        compiler_params=pltpu.CompilerParams(use_tc_tiling_on_sc=False),
        scratch_types=scratch,
    )


_sc_aggregate_deg = _make_sc_aggregate(True)
_sc_aggregate = _make_sc_aggregate(False)


RB = 2048


def _xr_body(x_ref, wr_ref, b_ref, out_ref):
    out_ref[...] = (
        jnp.dot(x_ref[...], wr_ref[...], preferred_element_type=jnp.float32)
        + b_ref[...]
    )


def _mean(acc_ref, degb_ref):
    d = degb_ref[0].astype(jnp.float32) + degb_ref[1].astype(jnp.float32)
    ssum = acc_ref[0].astype(jnp.float32) + acc_ref[1].astype(jnp.float32)
    return ssum / jnp.maximum(d, 1.0)


def _comb_body(acc_ref, degb_ref, xr_ref, wl_ref, out_ref):
    h = jnp.dot(_mean(acc_ref, degb_ref), wl_ref[...],
                preferred_element_type=jnp.float32) + xr_ref[...]
    out_ref[...] = jnp.maximum(h, 0.0).astype(jnp.bfloat16)


def _final_body(acc_ref, degb_ref, xr_ref, wl_ref, wlin_ref, blin_ref,
                out_ref):
    h = jnp.dot(_mean(acc_ref, degb_ref), wl_ref[...],
                preferred_element_type=jnp.float32) + xr_ref[...]
    h = jnp.maximum(h, 0.0)
    out_ref[...] = (
        jnp.dot(h, wlin_ref[...], preferred_element_type=jnp.float32)
        + blin_ref[...]
    )


_acc_spec = pl.BlockSpec((NC, RB, D), lambda i: (0, i, 0))
_row_spec = pl.BlockSpec((RB, D), lambda i: (i, 0))
_w_spec = pl.BlockSpec((D, D), lambda i: (0, 0))
_b_spec = pl.BlockSpec((1, D), lambda i: (0, 0))

_xr = pl.pallas_call(
    _xr_body,
    grid=(NPAD // RB,),
    in_specs=[_row_spec, _w_spec, _b_spec],
    out_specs=_row_spec,
    out_shape=jax.ShapeDtypeStruct((NPAD, D), jnp.float32),
)

_comb = pl.pallas_call(
    _comb_body,
    grid=(NPAD // RB,),
    in_specs=[_acc_spec, _acc_spec, _row_spec, _w_spec],
    out_specs=_row_spec,
    out_shape=jax.ShapeDtypeStruct((NPAD, D), jnp.bfloat16),
)

_final = pl.pallas_call(
    _final_body,
    grid=(NPAD // RB,),
    in_specs=[_acc_spec, _acc_spec, _row_spec, _w_spec, _w_spec, _b_spec],
    out_specs=_row_spec,
    out_shape=jax.ShapeDtypeStruct((N, D), jnp.float32),
)


def kernel(x, edge_index, W1l, W1r, b1, W2l, W2r, b2, Wlin, blin):
    edges = edge_index.astype(jnp.int32).reshape(2, NC * NS, NIT, K)
    zrow = jnp.zeros((RPT, D), jnp.bfloat16)
    zdeg = jnp.zeros((NPAD,), jnp.float32)
    ones = jnp.ones((K,), jnp.float32)
    x_bf = jnp.pad(x.astype(jnp.bfloat16), ((0, NPAD - N), (0, 0)))

    acc1, deg = _sc_aggregate_deg(x_bf, edges, zrow, zdeg, ones)
    xr1 = _xr(x_bf, W1r, b1.reshape(1, D))
    degb = jnp.broadcast_to(deg.astype(jnp.bfloat16)[:, :, None], (NC, NPAD, D))
    h1_bf = _comb(acc1, degb, xr1, W1l)

    acc2 = _sc_aggregate(h1_bf, edges, zrow, zdeg, ones)
    xr2 = _xr(h1_bf, W2r, b2.reshape(1, D))
    out = _final(acc2, degb, xr2, W2l, Wlin, blin.reshape(1, D))
    return out

# --- scband reference (transcript-rebuilt; emitter-appended) ---
"""Pipeline reference for scband-sage-37366215475944 (READ-ONLY COPY).

The authoritative reference and input builder live on the scoring server;
editing this copy changes nothing except your own understanding.
"""

import jax, jax.numpy as jnp
import numpy as np

N_NODES = 10000
N_EDGES = 320000
D = 128

def setup_inputs(seed: int = 0) -> dict:
    key = jax.random.key(seed)
    ks = jax.random.split(key, 12)
    x = jax.random.normal(ks[0], (N_NODES, D), dtype=jnp.float32)
    edge_index = jax.random.randint(ks[1], (2, N_EDGES), 0, N_NODES, dtype=jnp.int64)
    s = 1.0 / np.sqrt(D)
    W1l = jax.random.uniform(ks[2], (D, D), jnp.float32, -s, s)
    W1r = jax.random.uniform(ks[3], (D, D), jnp.float32, -s, s)
    b1 = jax.random.uniform(ks[4], (D,), jnp.float32, -s, s)
    W2l = jax.random.uniform(ks[5], (D, D), jnp.float32, -s, s)
    W2r = jax.random.uniform(ks[6], (D, D), jnp.float32, -s, s)
    b2 = jax.random.uniform(ks[7], (D,), jnp.float32, -s, s)
    Wlin = jax.random.uniform(ks[8], (D, D), jnp.float32, -s, s)
    blin = jax.random.uniform(ks[9], (D,), jnp.float32, -s, s)
    return {"x": x, "edge_index": edge_index, "W1l": W1l, "W1r": W1r, "b1": b1,
            "W2l": W2l, "W2r": W2r, "b2": b2, "Wlin": Wlin, "blin": blin}

def _sage_conv(x, edge_index, Wl, Wr, b):
    # PyG SAGEConv with mean aggregation:
    # out = lin_l(mean_{j in N(i)} x_j) + lin_r(x_i)
    src = edge_index[0]
    dst = edge_index[1]
    msgs = jnp.take(x, src, axis=0)              # gather (SparseCore)
    agg = jax.ops.segment_sum(msgs, dst, num_segments=x.shape[0])  # scatter-add
    deg = jax.ops.segment_sum(jnp.ones((edge_index.shape[1],), dtype=x.dtype), dst, num_segments=x.shape[0])
    mean = agg / jnp.clip(deg, 1.0)[:, None]
    return mean @ Wl + x @ Wr + b

def reference(x, edge_index, W1l, W1r, b1, W2l, W2r, b2, Wlin, blin):
    h = _sage_conv(x, edge_index, W1l, W1r, b1)
    h = jax.nn.relu(h)
    h = _sage_conv(h, edge_index, W2l, W2r, b2)
    h = jax.nn.relu(h)
    out = h @ Wlin + blin
    return out

if __name__ == "__main__":
    import jax
    _d = setup_inputs()
    print(jax.jit(kernel)(*tuple(_d.values())))

</pallas_src>

<mosaic_0001>
#map = affine_map<(d0, d1) -> (0, 0)>
#map1 = affine_map<(d0, d1) -> (0, 0, 0, 0)>
#map2 = affine_map<(d0, d1) -> (0)>
#map3 = affine_map<(d0, d1) -> (0, 0, 0)>
module attributes {stable_mosaic.version = 14 : i64} {
  func.func @body(%arg0: i32, %arg1: i32, %arg2: memref<10240x128xbf16, #tpu.memory_space<hbm>>, %arg3: memref<2x32x50x200xi32, #tpu.memory_space<hbm>>, %arg4: memref<640x128xbf16, #tpu.memory_space<hbm>>, %arg5: memref<10240xf32, #tpu.memory_space<hbm>>, %arg6: memref<200xf32, #tpu.memory_space<hbm>>, %arg7: memref<2x10240x128xbf16, #tpu.memory_space<hbm>>, %arg8: memref<2x10240xf32, #tpu.memory_space<hbm>>, %arg9: memref<50x200xi32, #tpu.memory_space<vmem>>, %arg10: memref<50x200xi32, #tpu.memory_space<vmem>>, %arg11: memref<3x200x128xbf16, #tpu.memory_space<vmem>>, %arg12: memref<200xf32, #tpu.memory_space<vmem>>, %arg13: memref<10240x128xbf16, #tpu.memory_space<vmem_shared>>, %arg14: memref<10240xf32, #tpu.memory_space<vmem_shared>>, %arg15: memref<!tpu.dma_semaphore, #tpu.memory_space<semaphore_mem>>, %arg16: memref<!tpu.dma_semaphore, #tpu.memory_space<semaphore_mem>>, %arg17: memref<!tpu.dma_semaphore, #tpu.memory_space<semaphore_mem>>, %arg18: memref<!tpu.dma_semaphore, #tpu.memory_space<semaphore_mem>>, %arg19: memref<!tpu.dma_semaphore, #tpu.memory_space<semaphore_mem>>, %arg20: memref<!tpu.dma_semaphore, #tpu.memory_space<semaphore_mem>>, %arg21: memref<!tpu.dma_semaphore, #tpu.memory_space<semaphore_mem>>, %arg22: memref<!tpu.dma_semaphore, #tpu.memory_space<semaphore_mem>>, %arg23: memref<!tpu.dma_semaphore, #tpu.memory_space<semaphore_mem>>) attributes {dimension_semantics = [#tpu.dimension_semantics<core_parallel>, #tpu.dimension_semantics<subcore_parallel>], iteration_bounds = array<i64: 2, 16>, scalar_prefetch = 0 : i64, scratch_operands = 15 : i64, tpu.core_type = #tpu.core_type<sc_vector_subcore>, window_params = [{transform_indices = #map}, {transform_indices = #map1}, {transform_indices = #map}, {transform_indices = #map2}, {transform_indices = #map2}, {transform_indices = #map3}, {transform_indices = #map}]} {
    %mul3A = arith.constant 16 : i32
    %mul3A_0 = arith.muli %arg0, %mul3A : i32
    %add3A = arith.addi %mul3A_0, %arg1 : i32
    %run_scoped3A = arith.constant 0 : i32
    "tpu.region"() ({
      %run_scoped3A_319 = tpu.sem_alloc : memref<!tpu.dma_semaphore, #tpu.memory_space<semaphore_mem>>
      %dma_start3A_320 = arith.constant 0 : i32
      %dma_start3A_321 = arith.constant 0 : i32
      %dma_start3A_322 = tpu.memref_slice %arg3[%run_scoped3A, %add3A, %dma_start3A_320, %dma_start3A_321] : memref<2x32x50x200xi32, #tpu.memory_space<hbm>> -> memref<1x1x50x200xi32, #tpu.memory_space<hbm>>
      %dma_start3A_323 = tpu.memref_squeeze %dma_start3A_322 : memref<1x1x50x200xi32, #tpu.memory_space<hbm>> -> memref<50x200xi32, #tpu.memory_space<hbm>>
      %dma_start3A_324 = arith.constant 0 : i32
      %dma_start3A_325 = arith.constant 0 : i32
      %dma_start3A_326 = tpu.memref_slice %arg3[%run_scoped3A, %add3A, %dma_start3A_324, %dma_start3A_325] : memref<2x32x50x200xi32, #tpu.memory_space<hbm>> -> memref<1x1x50x200xi32, #tpu.memory_space<hbm>>
      %dma_start3A_327 = tpu.memref_squeeze %dma_start3A_326 : memref<1x1x50x200xi32, #tpu.memory_space<hbm>> -> memref<50x200xi32, #tpu.memory_space<hbm>>
      tpu.enqueue_dma source(%dma_start3A_327 : memref<50x200xi32, #tpu.memory_space<hbm>>) target(%arg9 : memref<50x200xi32, #tpu.memory_space<vmem>>) target_semaphore(%run_scoped3A_319 : memref<!tpu.dma_semaphore, #tpu.memory_space<semaphore_mem>>)
      %dma_wait3A_328 = arith.constant 0 : i32
      %dma_wait3A_329 = arith.constant 0 : i32
      %dma_wait3A_330 = tpu.memref_slice %arg3[%run_scoped3A, %add3A, %dma_wait3A_328, %dma_wait3A_329] : memref<2x32x50x200xi32, #tpu.memory_space<hbm>> -> memref<1x1x50x200xi32, #tpu.memory_space<hbm>>
      %dma_wait3A_331 = tpu.memref_squeeze %dma_wait3A_330 : memref<1x1x50x200xi32, #tpu.memory_space<hbm>> -> memref<50x200xi32, #tpu.memory_space<hbm>>
      %dma_wait3A_332 = arith.constant 0 : i32
      %dma_wait3A_333 = arith.constant 0 : i32
      %dma_wait3A_334 = tpu.memref_slice %arg3[%run_scoped3A, %add3A, %dma_wait3A_332, %dma_wait3A_333] : memref<2x32x50x200xi32, #tpu.memory_space<hbm>> -> memref<1x1x50x200xi32, #tpu.memory_space<hbm>>
      %dma_wait3A_335 = tpu.memref_squeeze %dma_wait3A_334 : memref<1x1x50x200xi32, #tpu.memory_space<hbm>> -> memref<50x200xi32, #tpu.memory_space<hbm>>
      tpu.wait_dma2 semaphore(%run_scoped3A_319 : memref<!tpu.dma_semaphore, #tpu.memory_space<semaphore_mem>>) src(%dma_wait3A_335 : memref<50x200xi32, #tpu.memory_space<hbm>>) dst(%arg9 : memref<50x200xi32, #tpu.memory_space<vmem>>)
      tpu.yield
    }) : () -> ()
    %run_scoped3A_1 = arith.constant 1 : i32
    "tpu.region"() ({
      %run_scoped3A_319 = tpu.sem_alloc : memref<!tpu.dma_semaphore, #tpu.memory_space<semaphore_mem>>
      %dma_start3A_320 = arith.constant 0 : i32
      %dma_start3A_321 = arith.constant 0 : i32
      %dma_start3A_322 = tpu.memref_slice %arg3[%run_scoped3A_1, %add3A, %dma_start3A_320, %dma_start3A_321] : memref<2x32x50x200xi32, #tpu.memory_space<hbm>> -> memref<1x1x50x200xi32, #tpu.memory_space<hbm>>
      %dma_start3A_323 = tpu.memref_squeeze %dma_start3A_322 : memref<1x1x50x200xi32, #tpu.memory_space<hbm>> -> memref<50x200xi32, #tpu.memory_space<hbm>>
      %dma_start3A_324 = arith.constant 0 : i32
      %dma_start3A_325 = arith.constant 0 : i32
      %dma_start3A_326 = tpu.memref_slice %arg3[%run_scoped3A_1, %add3A, %dma_start3A_324, %dma_start3A_325] : memref<2x32x50x200xi32, #tpu.memory_space<hbm>> -> memref<1x1x50x200xi32, #tpu.memory_space<hbm>>
      %dma_start3A_327 = tpu.memref_squeeze %dma_start3A_326 : memref<1x1x50x200xi32, #tpu.memory_space<hbm>> -> memref<50x200xi32, #tpu.memory_space<hbm>>
      tpu.enqueue_dma source(%dma_start3A_327 : memref<50x200xi32, #tpu.memory_space<hbm>>) target(%arg10 : memref<50x200xi32, #tpu.memory_space<vmem>>) target_semaphore(%run_scoped3A_319 : memref<!tpu.dma_semaphore, #tpu.memory_space<semaphore_mem>>)
      %dma_wait3A_328 = arith.constant 0 : i32
      %dma_wait3A_329 = arith.constant 0 : i32
      %dma_wait3A_330 = tpu.memref_slice %arg3[%run_scoped3A_1, %add3A, %dma_wait3A_328, %dma_wait3A_329] : memref<2x32x50x200xi32, #tpu.memory_space<hbm>> -> memref<1x1x50x200xi32, #tpu.memory_space<hbm>>
      %dma_wait3A_331 = tpu.memref_squeeze %dma_wait3A_330 : memref<1x1x50x200xi32, #tpu.memory_space<hbm>> -> memref<50x200xi32, #tpu.memory_space<hbm>>
      %dma_wait3A_332 = arith.constant 0 : i32
      %dma_wait3A_333 = arith.constant 0 : i32
      %dma_wait3A_334 = tpu.memref_slice %arg3[%run_scoped3A_1, %add3A, %dma_wait3A_332, %dma_wait3A_333] : memref<2x32x50x200xi32, #tpu.memory_space<hbm>> -> memref<1x1x50x200xi32, #tpu.memory_space<hbm>>
      %dma_wait3A_335 = tpu.memref_squeeze %dma_wait3A_334 : memref<1x1x50x200xi32, #tpu.memory_space<hbm>> -> memref<50x200xi32, #tpu.memory_space<hbm>>
      tpu.wait_dma2 semaphore(%run_scoped3A_319 : memref<!tpu.dma_semaphore, #tpu.memory_space<semaphore_mem>>) src(%dma_wait3A_335 : memref<50x200xi32, #tpu.memory_space<hbm>>) dst(%arg10 : memref<50x200xi32, #tpu.memory_space<vmem>>)
      tpu.yield
    }) : () -> ()
    %mul3A_2 = arith.constant 640 : i32
    %mul3A_3 = arith.muli %arg1, %mul3A_2 : i32
    "tpu.region"() ({
      %run_scoped3A_319 = tpu.sem_alloc : memref<!tpu.dma_semaphore, #tpu.memory_space<semaphore_mem>>
      %dma_start3A_320 = arith.constant 0 : i32
      %dma_start3A_321 = tpu.memref_slice %arg13[%mul3A_3, %dma_start3A_320] : memref<10240x128xbf16, #tpu.memory_space<vmem_shared>> -> memref<640x128xbf16, #tpu.memory_space<vmem_shared>>
      tpu.enqueue_dma source(%arg4 : memref<640x128xbf16, #tpu.memory_space<hbm>>) target(%dma_start3A_321 : memref<640x128xbf16, #tpu.memory_space<vmem_shared>>) target_semaphore(%run_scoped3A_319 : memref<!tpu.dma_semaphore, #tpu.memory_space<semaphore_mem>>)
      %dma_wait3A_322 = arith.constant 0 : i32
      %dma_wait3A_323 = tpu.memref_slice %arg13[%mul3A_3, %dma_wait3A_322] : memref<10240x128xbf16, #tpu.memory_space<vmem_shared>> -> memref<640x128xbf16, #tpu.memory_space<vmem_shared>>
      tpu.wait_dma2 semaphore(%run_scoped3A_319 : memref<!tpu.dma_semaphore, #tpu.memory_space<semaphore_mem>>) src(%arg4 : memref<640x128xbf16, #tpu.memory_space<hbm>>) dst(%dma_wait3A_323 : memref<640x128xbf16, #tpu.memory_space<vmem_shared>>)
      tpu.yield
    }) : () -> ()
    "tpu.region"() ({
      %run_scoped3A_319 = tpu.sem_alloc : memref<!tpu.dma_semaphore, #tpu.memory_space<semaphore_mem>>
      tpu.enqueue_dma source(%arg6 : memref<200xf32, #tpu.memory_space<hbm>>) target(%arg12 : memref<200xf32, #tpu.memory_space<vmem>>) target_semaphore(%run_scoped3A_319 : memref<!tpu.dma_semaphore, #tpu.memory_space<semaphore_mem>>)
      tpu.wait_dma2 semaphore(%run_scoped3A_319 : memref<!tpu.dma_semaphore, #tpu.memory_space<semaphore_mem>>) src(%arg6 : memref<200xf32, #tpu.memory_space<hbm>>) dst(%arg12 : memref<200xf32, #tpu.memory_space<vmem>>)
      tpu.yield
    }) : () -> ()
    %eq3A = arith.constant 0 : i32
    %eq3A_4 = arith.cmpi eq, %arg1, %eq3A : i32
    %convert_element_type3A = arith.extui %eq3A_4 : i1 to i32
    %cond3A = arith.constant 0 : i32
    %cond3A_5 = arith.cmpi ne, %convert_element_type3A, %cond3A : i32
    scf.if %cond3A_5 {
      "tpu.region"() ({
        %run_scoped3A_319 = tpu.sem_alloc : memref<!tpu.dma_semaphore, #tpu.memory_space<semaphore_mem>>
        tpu.enqueue_dma source(%arg5 : memref<10240xf32, #tpu.memory_space<hbm>>) target(%arg14 : memref<10240xf32, #tpu.memory_space<vmem_shared>>) target_semaphore(%run_scoped3A_319 : memref<!tpu.dma_semaphore, #tpu.memory_space<semaphore_mem>>)
        tpu.wait_dma2 semaphore(%run_scoped3A_319 : memref<!tpu.dma_semaphore, #tpu.memory_space<semaphore_mem>>) src(%arg5 : memref<10240xf32, #tpu.memory_space<hbm>>) dst(%arg14 : memref<10240xf32, #tpu.memory_space<vmem_shared>>)
        tpu.yield
      }) : () -> ()
    } else {
    }
    %barrier3A = arith.constant 0 : index
    tpu.barrier barrier_id(%barrier3A)
    %dma_start3A = arith.constant 0 : i32
    %dma_start3A_6 = arith.constant 0 : i32
    %dma_start3A_7 = arith.constant 0 : i32
    %dma_start3A_8 = arith.constant 0 : i32
    %dma_start3A_9 = tpu.memref_slice %arg11[%dma_start3A_6, %dma_start3A_7, %dma_start3A_8] : memref<3x200x128xbf16, #tpu.memory_space<vmem>> -> memref<1x200x128xbf16, #tpu.memory_space<vmem>>
    %dma_start3A_10 = tpu.memref_squeeze %dma_start3A_9 : memref<1x200x128xbf16, #tpu.memory_space<vmem>> -> memref<200x128xbf16, #tpu.memory_space<vmem>>
    %dma_start3A_11 = arith.constant 0 : i32
    %dma_start3A_12 = tpu.memref_slice %arg9[%dma_start3A, %dma_start3A_11] : memref<50x200xi32, #tpu.memory_space<vmem>> -> memref<1x200xi32, #tpu.memory_space<vmem>>
    %dma_start3A_13 = tpu.memref_squeeze %dma_start3A_12 : memref<1x200xi32, #tpu.memory_space<vmem>> -> memref<200xi32, #tpu.memory_space<vmem>>
    %dma_start3A_14 = arith.constant 0 : i32
    %dma_start3A_15 = arith.constant 0 : i32
    %dma_start3A_16 = tpu.memref_slice %arg2[%dma_start3A_14, %dma_start3A_15] : memref<10240x128xbf16, #tpu.memory_space<hbm>> -> memref<10240x128xbf16, #tpu.memory_space<hbm>>
    tpu.enqueue_indirect_dma source(%dma_start3A_16 : memref<10240x128xbf16, #tpu.memory_space<hbm>>) target(%dma_start3A_10 : memref<200x128xbf16, #tpu.memory_space<vmem>>) offsets(%dma_start3A_13 : memref<200xi32, #tpu.memory_space<vmem>>) semaphore(%arg15 : memref<!tpu.dma_semaphore, #tpu.memory_space<semaphore_mem>>)
    %dma_start3A_17 = arith.constant 1 : i32
    %dma_start3A_18 = arith.constant 1 : i32
    %dma_start3A_19 = arith.constant 0 : i32
    %dma_start3A_20 = arith.constant 0 : i32
    %dma_start3A_21 = tpu.memref_slice %arg11[%dma_start3A_18, %dma_start3A_19, %dma_start3A_20] : memref<3x200x128xbf16, #tpu.memory_space<vmem>> -> memref<1x200x128xbf16, #tpu.memory_space<vmem>>
    %dma_start3A_22 = tpu.memref_squeeze %dma_start3A_21 : memref<1x200x128xbf16, #tpu.memory_space<vmem>> -> memref<200x128xbf16, #tpu.memory_space<vmem>>
    %dma_start3A_23 = arith.constant 0 : i32
    %dma_start3A_24 = tpu.memref_slice %arg9[%dma_start3A_17, %dma_start3A_23] : memref<50x200xi32, #tpu.memory_space<vmem>> -> memref<1x200xi32, #tpu.memory_space<vmem>>
    %dma_start3A_25 = tpu.memref_squeeze %dma_start3A_24 : memref<1x200xi32, #tpu.memory_space<vmem>> -> memref<200xi32, #tpu.memory_space<vmem>>
    %dma_start3A_26 = arith.constant 0 : i32
    %dma_start3A_27 = arith.constant 0 : i32
    %dma_start3A_28 = tpu.memref_slice %arg2[%dma_start3A_26, %dma_start3A_27] : memref<10240x128xbf16, #tpu.memory_space<hbm>> -> memref<10240x128xbf16, #tpu.memory_space<hbm>>
    tpu.enqueue_indirect_dma source(%dma_start3A_28 : memref<10240x128xbf16, #tpu.memory_space<hbm>>) target(%dma_start3A_22 : memref<200x128xbf16, #tpu.memory_space<vmem>>) offsets(%dma_start3A_25 : memref<200xi32, #tpu.memory_space<vmem>>) semaphore(%arg16 : memref<!tpu.dma_semaphore, #tpu.memory_space<semaphore_mem>>)
    %dma_wait3A = arith.constant 0 : i32
    %dma_wait3A_29 = arith.constant 0 : i32
    %dma_wait3A_30 = arith.constant 0 : i32
    %dma_wait3A_31 = arith.constant 0 : i32
    %dma_wait3A_32 = tpu.memref_slice %arg11[%dma_wait3A_29, %dma_wait3A_30, %dma_wait3A_31] : memref<3x200x128xbf16, #tpu.memory_space<vmem>> -> memref<1x200x128xbf16, #tpu.memory_space<vmem>>
    %dma_wait3A_33 = tpu.memref_squeeze %dma_wait3A_32 : memref<1x200x128xbf16, #tpu.memory_space<vmem>> -> memref<200x128xbf16, #tpu.memory_space<vmem>>
    %dma_wait3A_34 = arith.constant 0 : i32
    %dma_wait3A_35 = tpu.memref_slice %arg9[%dma_wait3A, %dma_wait3A_34] : memref<50x200xi32, #tpu.memory_space<vmem>> -> memref<1x200xi32, #tpu.memory_space<vmem>>
    %dma_wait3A_36 = tpu.memref_squeeze %dma_wait3A_35 : memref<1x200xi32, #tpu.memory_space<vmem>> -> memref<200xi32, #tpu.memory_space<vmem>>
    %dma_wait3A_37 = arith.constant 0 : i32
    %dma_wait3A_38 = arith.constant 0 : i32
    %dma_wait3A_39 = tpu.memref_slice %arg2[%dma_wait3A_37, %dma_wait3A_38] : memref<10240x128xbf16, #tpu.memory_space<hbm>> -> memref<10240x128xbf16, #tpu.memory_space<hbm>>
    tpu.wait_indirect_dma semaphore(%arg15 : memref<!tpu.dma_semaphore, #tpu.memory_space<semaphore_mem>>) src(%dma_wait3A_39 : memref<10240x128xbf16, #tpu.memory_space<hbm>>) dst(%dma_wait3A_33 : memref<200x128xbf16, #tpu.memory_space<vmem>>)
    %dma_start3A_40 = arith.constant 0 : i32
    %dma_start3A_41 = arith.constant 0 : i32
    %dma_start3A_42 = arith.constant 0 : i32
    %dma_start3A_43 = arith.constant 0 : i32
    %dma_start3A_44 = tpu.memref_slice %arg11[%dma_start3A_40, %dma_start3A_42, %dma_start3A_43] : memref<3x200x128xbf16, #tpu.memory_space<vmem>> -> memref<1x200x128xbf16, #tpu.memory_space<vmem>>
    %dma_start3A_45 = tpu.memref_squeeze %dma_start3A_44 : memref<1x200x128xbf16, #tpu.memory_space<vmem>> -> memref<200x128xbf16, #tpu.memory_space<vmem>>
    %dma_start3A_46 = arith.constant 0 : i32
    %dma_start3A_47 = tpu.memref_slice %arg10[%dma_start3A_41, %dma_start3A_46] : memref<50x200xi32, #tpu.memory_space<vmem>> -> memref<1x200xi32, #tpu.memory_space<vmem>>
    %dma_start3A_48 = tpu.memref_squeeze %dma_start3A_47 : memref<1x200xi32, #tpu.memory_space<vmem>> -> memref<200xi32, #tpu.memory_space<vmem>>
    %dma_start3A_49 = arith.constant 0 : i32
    %dma_start3A_50 = arith.constant 0 : i32
    %dma_start3A_51 = tpu.memref_slice %arg13[%dma_start3A_49, %dma_start3A_50] : memref<10240x128xbf16, #tpu.memory_space<vmem_shared>> -> memref<10240x128xbf16, #tpu.memory_space<vmem_shared>>
    tpu.enqueue_indirect_dma source(%dma_start3A_45 : memref<200x128xbf16, #tpu.memory_space<vmem>>) target(%dma_start3A_51 : memref<10240x128xbf16, #tpu.memory_space<vmem_shared>>) offsets(%dma_start3A_48 : memref<200xi32, #tpu.memory_space<vmem>>) semaphore(%arg18 : memref<!tpu.dma_semaphore, #tpu.memory_space<semaphore_mem>>) {add = true}
    %dma_start3A_52 = arith.constant 0 : i32
    %dma_start3A_53 = arith.constant 0 : i32
    %dma_start3A_54 = tpu.memref_slice %arg10[%dma_start3A_52, %dma_start3A_53] : memref<50x200xi32, #tpu.memory_space<vmem>> -> memref<1x200xi32, #tpu.memory_space<vmem>>
    %dma_start3A_55 = tpu.memref_squeeze %dma_start3A_54 : memref<1x200xi32, #tpu.memory_space<vmem>> -> memref<200xi32, #tpu.memory_space<vmem>>
    %dma_start3A_56 = arith.constant 0 : i32
    %dma_start3A_57 = tpu.memref_slice %arg14[%dma_start3A_56] : memref<10240xf32, #tpu.memory_space<vmem_shared>> -> memref<10240xf32, #tpu.memory_space<vmem_shared>>
    tpu.enqueue_indirect_dma source(%arg12 : memref<200xf32, #tpu.memory_space<vmem>>) target(%dma_start3A_57 : memref<10240xf32, #tpu.memory_space<vmem_shared>>) offsets(%dma_start3A_55 : memref<200xi32, #tpu.memory_space<vmem>>) semaphore(%arg21 : memref<!tpu.dma_semaphore, #tpu.memory_space<semaphore_mem>>) {add = true}
    %dma_start3A_58 = arith.constant 2 : i32
    %dma_start3A_59 = arith.constant 2 : i32
    %dma_start3A_60 = arith.constant 0 : i32
    %dma_start3A_61 = arith.constant 0 : i32
    %dma_start3A_62 = tpu.memref_slice %arg11[%dma_start3A_59, %dma_start3A_60, %dma_start3A_61] : memref<3x200x128xbf16, #tpu.memory_space<vmem>> -> memref<1x200x128xbf16, #tpu.memory_space<vmem>>
    %dma_start3A_63 = tpu.memref_squeeze %dma_start3A_62 : memref<1x200x128xbf16, #tpu.memory_space<vmem>> -> memref<200x128xbf16, #tpu.memory_space<vmem>>
    %dma_start3A_64 = arith.constant 0 : i32
    %dma_start3A_65 = tpu.memref_slice %arg9[%dma_start3A_58, %dma_start3A_64] : memref<50x200xi32, #tpu.memory_space<vmem>> -> memref<1x200xi32, #tpu.memory_space<vmem>>
    %dma_start3A_66 = tpu.memref_squeeze %dma_start3A_65 : memref<1x200xi32, #tpu.memory_space<vmem>> -> memref<200xi32, #tpu.memory_space<vmem>>
    %dma_start3A_67 = arith.constant 0 : i32
    %dma_start3A_68 = arith.constant 0 : i32
    %dma_start3A_69 = tpu.memref_slice %arg2[%dma_start3A_67, %dma_start3A_68] : memref<10240x128xbf16, #tpu.memory_space<hbm>> -> memref<10240x128xbf16, #tpu.memory_space<hbm>>
    tpu.enqueue_indirect_dma source(%dma_start3A_69 : memref<10240x128xbf16, #tpu.memory_space<hbm>>) target(%dma_start3A_63 : memref<200x128xbf16, #tpu.memory_space<vmem>>) offsets(%dma_start3A_66 : memref<200xi32, #tpu.memory_space<vmem>>) semaphore(%arg17 : memref<!tpu.dma_semaphore, #tpu.memory_space<semaphore_mem>>)
    %dma_wait3A_70 = arith.constant 1 : i32
    %dma_wait3A_71 = arith.constant 1 : i32
    %dma_wait3A_72 = arith.constant 0 : i32
    %dma_wait3A_73 = arith.constant 0 : i32
    %dma_wait3A_74 = tpu.memref_slice %arg11[%dma_wait3A_71, %dma_wait3A_72, %dma_wait3A_73] : memref<3x200x128xbf16, #tpu.memory_space<vmem>> -> memref<1x200x128xbf16, #tpu.memory_space<vmem>>
    %dma_wait3A_75 = tpu.memref_squeeze %dma_wait3A_74 : memref<1x200x128xbf16, #tpu.memory_space<vmem>> -> memref<200x128xbf16, #tpu.memory_space<vmem>>
    %dma_wait3A_76 = arith.constant 0 : i32
    %dma_wait3A_77 = tpu.memref_slice %arg9[%dma_wait3A_70, %dma_wait3A_76] : memref<50x200xi32, #tpu.memory_space<vmem>> -> memref<1x200xi32, #tpu.memory_space<vmem>>
    %dma_wait3A_78 = tpu.memref_squeeze %dma_wait3A_77 : memref<1x200xi32, #tpu.memory_space<vmem>> -> memref<200xi32, #tpu.memory_space<vmem>>
    %dma_wait3A_79 = arith.constant 0 : i32
    %dma_wait3A_80 = arith.constant 0 : i32
    %dma_wait3A_81 = tpu.memref_slice %arg2[%dma_wait3A_79, %dma_wait3A_80] : memref<10240x128xbf16, #tpu.memory_space<hbm>> -> memref<10240x128xbf16, #tpu.memory_space<hbm>>
    tpu.wait_indirect_dma semaphore(%arg16 : memref<!tpu.dma_semaphore, #tpu.memory_space<semaphore_mem>>) src(%dma_wait3A_81 : memref<10240x128xbf16, #tpu.memory_space<hbm>>) dst(%dma_wait3A_75 : memref<200x128xbf16, #tpu.memory_space<vmem>>)
    %dma_start3A_82 = arith.constant 1 : i32
    %dma_start3A_83 = arith.constant 1 : i32
    %dma_start3A_84 = arith.constant 0 : i32
    %dma_start3A_85 = arith.constant 0 : i32
    %dma_start3A_86 = tpu.memref_slice %arg11[%dma_start3A_82, %dma_start3A_84, %dma_start3A_85] : memref<3x200x128xbf16, #tpu.memory_space<vmem>> -> memref<1x200x128xbf16, #tpu.memory_space<vmem>>
    %dma_start3A_87 = tpu.memref_squeeze %dma_start3A_86 : memref<1x200x128xbf16, #tpu.memory_space<vmem>> -> memref<200x128xbf16, #tpu.memory_space<vmem>>
    %dma_start3A_88 = arith.constant 0 : i32
    %dma_start3A_89 = tpu.memref_slice %arg10[%dma_start3A_83, %dma_start3A_88] : memref<50x200xi32, #tpu.memory_space<vmem>> -> memref<1x200xi32, #tpu.memory_space<vmem>>
    %dma_start3A_90 = tpu.memref_squeeze %dma_start3A_89 : memref<1x200xi32, #tpu.memory_space<vmem>> -> memref<200xi32, #tpu.memory_space<vmem>>
    %dma_start3A_91 = arith.constant 0 : i32
    %dma_start3A_92 = arith.constant 0 : i32
    %dma_start3A_93 = tpu.memref_slice %arg13[%dma_start3A_91, %dma_start3A_92] : memref<10240x128xbf16, #tpu.memory_space<vmem_shared>> -> memref<10240x128xbf16, #tpu.memory_space<vmem_shared>>
    tpu.enqueue_indirect_dma source(%dma_start3A_87 : memref<200x128xbf16, #tpu.memory_space<vmem>>) target(%dma_start3A_93 : memref<10240x128xbf16, #tpu.memory_space<vmem_shared>>) offsets(%dma_start3A_90 : memref<200xi32, #tpu.memory_space<vmem>>) semaphore(%arg19 : memref<!tpu.dma_semaphore, #tpu.memory_space<semaphore_mem>>) {add = true}
    %dma_start3A_94 = arith.constant 1 : i32
    %dma_start3A_95 = arith.constant 0 : i32
    %dma_start3A_96 = tpu.memref_slice %arg10[%dma_start3A_94, %dma_start3A_95] : memref<50x200xi32, #tpu.memory_space<vmem>> -> memref<1x200xi32, #tpu.memory_space<vmem>>
    %dma_start3A_97 = tpu.memref_squeeze %dma_start3A_96 : memref<1x200xi32, #tpu.memory_space<vmem>> -> memref<200xi32, #tpu.memory_space<vmem>>
    %dma_start3A_98 = arith.constant 0 : i32
    %dma_start3A_99 = tpu.memref_slice %arg14[%dma_start3A_98] : memref<10240xf32, #tpu.memory_space<vmem_shared>> -> memref<10240xf32, #tpu.memory_space<vmem_shared>>
    tpu.enqueue_indirect_dma source(%arg12 : memref<200xf32, #tpu.memory_space<vmem>>) target(%dma_start3A_99 : memref<10240xf32, #tpu.memory_space<vmem_shared>>) offsets(%dma_start3A_97 : memref<200xi32, #tpu.memory_space<vmem>>) semaphore(%arg22 : memref<!tpu.dma_semaphore, #tpu.memory_space<semaphore_mem>>) {add = true}
    %dma_wait3A_100 = arith.constant 0 : i32
    %dma_wait3A_101 = arith.constant 0 : i32
    %dma_wait3A_102 = arith.constant 0 : i32
    %dma_wait3A_103 = arith.constant 0 : i32
    %dma_wait3A_104 = tpu.memref_slice %arg11[%dma_wait3A_100, %dma_wait3A_102, %dma_wait3A_103] : memref<3x200x128xbf16, #tpu.memory_space<vmem>> -> memref<1x200x128xbf16, #tpu.memory_space<vmem>>
    %dma_wait3A_105 = tpu.memref_squeeze %dma_wait3A_104 : memref<1x200x128xbf16, #tpu.memory_space<vmem>> -> memref<200x128xbf16, #tpu.memory_space<vmem>>
    %dma_wait3A_106 = arith.constant 0 : i32
    %dma_wait3A_107 = tpu.memref_slice %arg10[%dma_wait3A_101, %dma_wait3A_106] : memref<50x200xi32, #tpu.memory_space<vmem>> -> memref<1x200xi32, #tpu.memory_space<vmem>>
    %dma_wait3A_108 = tpu.memref_squeeze %dma_wait3A_107 : memref<1x200xi32, #tpu.memory_space<vmem>> -> memref<200xi32, #tpu.memory_space<vmem>>
    %dma_wait3A_109 = arith.constant 0 : i32
    %dma_wait3A_110 = arith.constant 0 : i32
    %dma_wait3A_111 = tpu.memref_slice %arg13[%dma_wait3A_109, %dma_wait3A_110] : memref<10240x128xbf16, #tpu.memory_space<vmem_shared>> -> memref<10240x128xbf16, #tpu.memory_space<vmem_shared>>
    tpu.wait_indirect_dma semaphore(%arg18 : memref<!tpu.dma_semaphore, #tpu.memory_space<semaphore_mem>>) src(%dma_wait3A_105 : memref<200x128xbf16, #tpu.memory_space<vmem>>) dst(%dma_wait3A_111 : memref<10240x128xbf16, #tpu.memory_space<vmem_shared>>)
    %dma_wait3A_112 = arith.constant 0 : i32
    %dma_wait3A_113 = arith.constant 0 : i32
    %dma_wait3A_114 = tpu.memref_slice %arg10[%dma_wait3A_112, %dma_wait3A_113] : memref<50x200xi32, #tpu.memory_space<vmem>> -> memref<1x200xi32, #tpu.memory_space<vmem>>
    %dma_wait3A_115 = tpu.memref_squeeze %dma_wait3A_114 : memref<1x200xi32, #tpu.memory_space<vmem>> -> memref<200xi32, #tpu.memory_space<vmem>>
    %dma_wait3A_116 = arith.constant 0 : i32
    %dma_wait3A_117 = tpu.memref_slice %arg14[%dma_wait3A_116] : memref<10240xf32, #tpu.memory_space<vmem_shared>> -> memref<10240xf32, #tpu.memory_space<vmem_shared>>
    tpu.wait_indirect_dma semaphore(%arg21 : memref<!tpu.dma_semaphore, #tpu.memory_space<semaphore_mem>>) src(%arg12 : memref<200xf32, #tpu.memory_space<vmem>>) dst(%dma_wait3A_117 : memref<10240xf32, #tpu.memory_space<vmem_shared>>)
    %dma_start3A_118 = arith.constant 3 : i32
    %dma_start3A_119 = arith.constant 0 : i32
    %dma_start3A_120 = arith.constant 0 : i32
    %dma_start3A_121 = arith.constant 0 : i32
    %dma_start3A_122 = tpu.memref_slice %arg11[%dma_start3A_119, %dma_start3A_120, %dma_start3A_121] : memref<3x200x128xbf16, #tpu.memory_space<vmem>> -> memref<1x200x128xbf16, #tpu.memory_space<vmem>>
    %dma_start3A_123 = tpu.memref_squeeze %dma_start3A_122 : memref<1x200x128xbf16, #tpu.memory_space<vmem>> -> memref<200x128xbf16, #tpu.memory_space<vmem>>
    %dma_start3A_124 = arith.constant 0 : i32
    %dma_start3A_125 = tpu.memref_slice %arg9[%dma_start3A_118, %dma_start3A_124] : memref<50x200xi32, #tpu.memory_space<vmem>> -> memref<1x200xi32, #tpu.memory_space<vmem>>
    %dma_start3A_126 = tpu.memref_squeeze %dma_start3A_125 : memref<1x200xi32, #tpu.memory_space<vmem>> -> memref<200xi32, #tpu.memory_space<vmem>>
    %dma_start3A_127 = arith.constant 0 : i32
    %dma_start3A_128 = arith.constant 0 : i32
    %dma_start3A_129 = tpu.memref_slice %arg2[%dma_start3A_127, %dma_start3A_128] : memref<10240x128xbf16, #tpu.memory_space<hbm>> -> memref<10240x128xbf16, #tpu.memory_space<hbm>>
    tpu.enqueue_indirect_dma source(%dma_start3A_129 : memref<10240x128xbf16, #tpu.memory_space<hbm>>) target(%dma_start3A_123 : memref<200x128xbf16, #tpu.memory_space<vmem>>) offsets(%dma_start3A_126 : memref<200xi32, #tpu.memory_space<vmem>>) semaphore(%arg15 : memref<!tpu.dma_semaphore, #tpu.memory_space<semaphore_mem>>)
    %scan3A = arith.constant 0 : i32
    %scan3A_130 = arith.constant 0 : i32
    %scan3A_131 = arith.constant 15 : i32
    %scan3A_132 = arith.addi %scan3A_130, %scan3A_131 : i32
    %scan3A_133 = arith.constant 1 : i32
    scf.for %scan3A_319 = %scan3A_130 to %scan3A_132 step %scan3A_133  : i32 {
      %mul3A_320 = arith.constant 3 : i32
      %mul3A_321 = arith.muli %scan3A_319, %mul3A_320 : i32
      %add3A_322 = arith.constant 2 : i32
      %add3A_323 = arith.addi %add3A_322, %mul3A_321 : i32
      %add3A_324 = arith.constant 0 : i32
      %add3A_325 = arith.addi %add3A_323, %add3A_324 : i32
      %dma_wait3A_326 = arith.constant 2 : i32
      %dma_wait3A_327 = arith.constant 0 : i32
      %dma_wait3A_328 = arith.constant 0 : i32
      %dma_wait3A_329 = tpu.memref_slice %arg11[%dma_wait3A_326, %dma_wait3A_327, %dma_wait3A_328] : memref<3x200x128xbf16, #tpu.memory_space<vmem>> -> memref<1x200x128xbf16, #tpu.memory_space<vmem>>
      %dma_wait3A_330 = tpu.memref_squeeze %dma_wait3A_329 : memref<1x200x128xbf16, #tpu.memory_space<vmem>> -> memref<200x128xbf16, #tpu.memory_space<vmem>>
      %dma_wait3A_331 = arith.constant 0 : i32
      %dma_wait3A_332 = tpu.memref_slice %arg9[%add3A_325, %dma_wait3A_331] : memref<50x200xi32, #tpu.memory_space<vmem>> -> memref<1x200xi32, #tpu.memory_space<vmem>>
      %dma_wait3A_333 = tpu.memref_squeeze %dma_wait3A_332 : memref<1x200xi32, #tpu.memory_space<vmem>> -> memref<200xi32, #tpu.memory_space<vmem>>
      %dma_wait3A_334 = arith.constant 0 : i32
      %dma_wait3A_335 = arith.constant 0 : i32
      %dma_wait3A_336 = tpu.memref_slice %arg2[%dma_wait3A_334, %dma_wait3A_335] : memref<10240x128xbf16, #tpu.memory_space<hbm>> -> memref<10240x128xbf16, #tpu.memory_space<hbm>>
      tpu.wait_indirect_dma semaphore(%arg17 : memref<!tpu.dma_semaphore, #tpu.memory_space<semaphore_mem>>) src(%dma_wait3A_336 : memref<10240x128xbf16, #tpu.memory_space<hbm>>) dst(%dma_wait3A_330 : memref<200x128xbf16, #tpu.memory_space<vmem>>)
      %dma_start3A_337 = arith.constant 2 : i32
      %dma_start3A_338 = arith.constant 0 : i32
      %dma_start3A_339 = arith.constant 0 : i32
      %dma_start3A_340 = tpu.memref_slice %arg11[%dma_start3A_337, %dma_start3A_338, %dma_start3A_339] : memref<3x200x128xbf16, #tpu.memory_space<vmem>> -> memref<1x200x128xbf16, #tpu.memory_space<vmem>>
      %dma_start3A_341 = tpu.memref_squeeze %dma_start3A_340 : memref<1x200x128xbf16, #tpu.memory_space<vmem>> -> memref<200x128xbf16, #tpu.memory_space<vmem>>
      %dma_start3A_342 = arith.constant 0 : i32
      %dma_start3A_343 = tpu.memref_slice %arg10[%add3A_325, %dma_start3A_342] : memref<50x200xi32, #tpu.memory_space<vmem>> -> memref<1x200xi32, #tpu.memory_space<vmem>>
      %dma_start3A_344 = tpu.memref_squeeze %dma_start3A_343 : memref<1x200xi32, #tpu.memory_space<vmem>> -> memref<200xi32, #tpu.memory_space<vmem>>
      %dma_start3A_345 = arith.constant 0 : i32
      %dma_start3A_346 = arith.constant 0 : i32
      %dma_start3A_347 = tpu.memref_slice %arg13[%dma_start3A_345, %dma_start3A_346] : memref<10240x128xbf16, #tpu.memory_space<vmem_shared>> -> memref<10240x128xbf16, #tpu.memory_space<vmem_shared>>
      tpu.enqueue_indirect_dma source(%dma_start3A_341 : memref<200x128xbf16, #tpu.memory_space<vmem>>) target(%dma_start3A_347 : memref<10240x128xbf16, #tpu.memory_space<vmem_shared>>) offsets(%dma_start3A_344 : memref<200xi32, #tpu.memory_space<vmem>>) semaphore(%arg20 : memref<!tpu.dma_semaphore, #tpu.memory_space<semaphore_mem>>) {add = true}
      %dma_start3A_348 = arith.constant 0 : i32
      %dma_start3A_349 = tpu.memref_slice %arg10[%add3A_325, %dma_start3A_348] : memref<50x200xi32, #tpu.memory_space<vmem>> -> memref<1x200xi32, #tpu.memory_space<vmem>>
      %dma_start3A_350 = tpu.memref_squeeze %dma_start3A_349 : memref<1x200xi32, #tpu.memory_space<vmem>> -> memref<200xi32, #tpu.memory_space<vmem>>
      %dma_start3A_351 = arith.constant 0 : i32
      %dma_start3A_352 = tpu.memref_slice %arg14[%dma_start3A_351] : memref<10240xf32, #tpu.memory_space<vmem_shared>> -> memref<10240xf32, #tpu.memory_space<vmem_shared>>
      tpu.enqueue_indirect_dma source(%arg12 : memref<200xf32, #tpu.memory_space<vmem>>) target(%dma_start3A_352 : memref<10240xf32, #tpu.memory_space<vmem_shared>>) offsets(%dma_start3A_350 : memref<200xi32, #tpu.memory_space<vmem>>) semaphore(%arg23 : memref<!tpu.dma_semaphore, #tpu.memory_space<semaphore_mem>>) {add = true}
      %sub3A = arith.constant 1 : i32
      %sub3A_353 = arith.subi %add3A_325, %sub3A : i32
      %dma_wait3A_354 = arith.constant 1 : i32
      %dma_wait3A_355 = arith.constant 0 : i32
      %dma_wait3A_356 = arith.constant 0 : i32
      %dma_wait3A_357 = tpu.memref_slice %arg11[%dma_wait3A_354, %dma_wait3A_355, %dma_wait3A_356] : memref<3x200x128xbf16, #tpu.memory_space<vmem>> -> memref<1x200x128xbf16, #tpu.memory_space<vmem>>
      %dma_wait3A_358 = tpu.memref_squeeze %dma_wait3A_357 : memref<1x200x128xbf16, #tpu.memory_space<vmem>> -> memref<200x128xbf16, #tpu.memory_space<vmem>>
      %dma_wait3A_359 = arith.constant 0 : i32
      %dma_wait3A_360 = tpu.memref_slice %arg10[%sub3A_353, %dma_wait3A_359] : memref<50x200xi32, #tpu.memory_space<vmem>> -> memref<1x200xi32, #tpu.memory_space<vmem>>
      %dma_wait3A_361 = tpu.memref_squeeze %dma_wait3A_360 : memref<1x200xi32, #tpu.memory_space<vmem>> -> memref<200xi32, #tpu.memory_space<vmem>>
      %dma_wait3A_362 = arith.constant 0 : i32
      %dma_wait3A_363 = arith.constant 0 : i32
      %dma_wait3A_364 = tpu.memref_slice %arg13[%dma_wait3A_362, %dma_wait3A_363] : memref<10240x128xbf16, #tpu.memory_space<vmem_shared>> -> memref<10240x128xbf16, #tpu.memory_space<vmem_shared>>
      tpu.wait_indirect_dma semaphore(%arg19 : memref<!tpu.dma_semaphore, #tpu.memory_space<semaphore_mem>>) src(%dma_wait3A_358 : memref<200x128xbf16, #tpu.memory_space<vmem>>) dst(%dma_wait3A_364 : memref<10240x128xbf16, #tpu.memory_space<vmem_shared>>)
      %dma_wait3A_365 = arith.constant 0 : i32
      %dma_wait3A_366 = tpu.memref_slice %arg10[%sub3A_353, %dma_wait3A_365] : memref<50x200xi32, #tpu.memory_space<vmem>> -> memref<1x200xi32, #tpu.memory_space<vmem>>
      %dma_wait3A_367 = tpu.memref_squeeze %dma_wait3A_366 : memref<1x200xi32, #tpu.memory_space<vmem>> -> memref<200xi32, #tpu.memory_space<vmem>>
      %dma_wait3A_368 = arith.constant 0 : i32
      %dma_wait3A_369 = tpu.memref_slice %arg14[%dma_wait3A_368] : memref<10240xf32, #tpu.memory_space<vmem_shared>> -> memref<10240xf32, #tpu.memory_space<vmem_shared>>
      tpu.wait_indirect_dma semaphore(%arg22 : memref<!tpu.dma_semaphore, #tpu.memory_space<semaphore_mem>>) src(%arg12 : memref<200xf32, #tpu.memory_space<vmem>>) dst(%dma_wait3A_369 : memref<10240xf32, #tpu.memory_space<vmem_shared>>)
      %add3A_370 = arith.constant 2 : i32
      %add3A_371 = arith.addi %add3A_325, %add3A_370 : i32
      %dma_start3A_372 = arith.constant 1 : i32
      %dma_start3A_373 = arith.constant 0 : i32
      %dma_start3A_374 = arith.constant 0 : i32
      %dma_start3A_375 = tpu.memref_slice %arg11[%dma_start3A_372, %dma_start3A_373, %dma_start3A_374] : memref<3x200x128xbf16, #tpu.memory_space<vmem>> -> memref<1x200x128xbf16, #tpu.memory_space<vmem>>
      %dma_start3A_376 = tpu.memref_squeeze %dma_start3A_375 : memref<1x200x128xbf16, #tpu.memory_space<vmem>> -> memref<200x128xbf16, #tpu.memory_space<vmem>>
      %dma_start3A_377 = arith.constant 0 : i32
      %dma_start3A_378 = tpu.memref_slice %arg9[%add3A_371, %dma_start3A_377] : memref<50x200xi32, #tpu.memory_space<vmem>> -> memref<1x200xi32, #tpu.memory_space<vmem>>
      %dma_start3A_379 = tpu.memref_squeeze %dma_start3A_378 : memref<1x200xi32, #tpu.memory_space<vmem>> -> memref<200xi32, #tpu.memory_space<vmem>>
      %dma_start3A_380 = arith.constant 0 : i32
      %dma_start3A_381 = arith.constant 0 : i32
      %dma_start3A_382 = tpu.memref_slice %arg2[%dma_start3A_380, %dma_start3A_381] : memref<10240x128xbf16, #tpu.memory_space<hbm>> -> memref<10240x128xbf16, #tpu.memory_space<hbm>>
      tpu.enqueue_indirect_dma source(%dma_start3A_382 : memref<10240x128xbf16, #tpu.memory_space<hbm>>) target(%dma_start3A_376 : memref<200x128xbf16, #tpu.memory_space<vmem>>) offsets(%dma_start3A_379 : memref<200xi32, #tpu.memory_space<vmem>>) semaphore(%arg16 : memref<!tpu.dma_semaphore, #tpu.memory_space<semaphore_mem>>)
      %add3A_383 = arith.constant 1 : i32
      %add3A_384 = arith.addi %add3A_323, %add3A_383 : i32
      %dma_wait3A_385 = arith.constant 0 : i32
      %dma_wait3A_386 = arith.constant 0 : i32
      %dma_wait3A_387 = arith.constant 0 : i32
      %dma_wait3A_388 = tpu.memref_slice %arg11[%dma_wait3A_385, %dma_wait3A_386, %dma_wait3A_387] : memref<3x200x128xbf16, #tpu.memory_space<vmem>> -> memref<1x200x128xbf16, #tpu.memory_space<vmem>>
      %dma_wait3A_389 = tpu.memref_squeeze %dma_wait3A_388 : memref<1x200x128xbf16, #tpu.memory_space<vmem>> -> memref<200x128xbf16, #tpu.memory_space<vmem>>
      %dma_wait3A_390 = arith.constant 0 : i32
      %dma_wait3A_391 = tpu.memref_slice %arg9[%add3A_384, %dma_wait3A_390] : memref<50x200xi32, #tpu.memory_space<vmem>> -> memref<1x200xi32, #tpu.memory_space<vmem>>
      %dma_wait3A_392 = tpu.memref_squeeze %dma_wait3A_391 : memref<1x200xi32, #tpu.memory_space<vmem>> -> memref<200xi32, #tpu.memory_space<vmem>>
      %dma_wait3A_393 = arith.constant 0 : i32
      %dma_wait3A_394 = arith.constant 0 : i32
      %dma_wait3A_395 = tpu.memref_slice %arg2[%dma_wait3A_393, %dma_wait3A_394] : memref<10240x128xbf16, #tpu.memory_space<hbm>> -> memref<10240x128xbf16, #tpu.memory_space<hbm>>
      tpu.wait_indirect_dma semaphore(%arg15 : memref<!tpu.dma_semaphore, #tpu.memory_space<semaphore_mem>>) src(%dma_wait3A_395 : memref<10240x128xbf16, #tpu.memory_space<hbm>>) dst(%dma_wait3A_389 : memref<200x128xbf16, #tpu.memory_space<vmem>>)
      %dma_start3A_396 = arith.constant 0 : i32
      %dma_start3A_397 = arith.constant 0 : i32
      %dma_start3A_398 = arith.constant 0 : i32
      %dma_start3A_399 = tpu.memref_slice %arg11[%dma_start3A_396, %dma_start3A_397, %dma_start3A_398] : memref<3x200x128xbf16, #tpu.memory_space<vmem>> -> memref<1x200x128xbf16, #tpu.memory_space<vmem>>
      %dma_start3A_400 = tpu.memref_squeeze %dma_start3A_399 : memref<1x200x128xbf16, #tpu.memory_space<vmem>> -> memref<200x128xbf16, #tpu.memory_space<vmem>>
      %dma_start3A_401 = arith.constant 0 : i32
      %dma_start3A_402 = tpu.memref_slice %arg10[%add3A_384, %dma_start3A_401] : memref<50x200xi32, #tpu.memory_space<vmem>> -> memref<1x200xi32, #tpu.memory_space<vmem>>
      %dma_start3A_403 = tpu.memref_squeeze %dma_start3A_402 : memref<1x200xi32, #tpu.memory_space<vmem>> -> memref<200xi32, #tpu.memory_space<vmem>>
      %dma_start3A_404 = arith.constant 0 : i32
      %dma_start3A_405 = arith.constant 0 : i32
      %dma_start3A_406 = tpu.memref_slice %arg13[%dma_start3A_404, %dma_start3A_405] : memref<10240x128xbf16, #tpu.memory_space<vmem_shared>> -> memref<10240x128xbf16, #tpu.memory_space<vmem_shared>>
      tpu.enqueue_indirect_dma source(%dma_start3A_400 : memref<200x128xbf16, #tpu.memory_space<vmem>>) target(%dma_start3A_406 : memref<10240x128xbf16, #tpu.memory_space<vmem_shared>>) offsets(%dma_start3A_403 : memref<200xi32, #tpu.memory_space<vmem>>) semaphore(%arg18 : memref<!tpu.dma_semaphore, #tpu.memory_space<semaphore_mem>>) {add = true}
      %dma_start3A_407 = arith.constant 0 : i32
      %dma_start3A_408 = tpu.memref_slice %arg10[%add3A_384, %dma_start3A_407] : memref<50x200xi32, #tpu.memory_space<vmem>> -> memref<1x200xi32, #tpu.memory_space<vmem>>
      %dma_start3A_409 = tpu.memref_squeeze %dma_start3A_408 : memref<1x200xi32, #tpu.memory_space<vmem>> -> memref<200xi32, #tpu.memory_space<vmem>>
      %dma_start3A_410 = arith.constant 0 : i32
      %dma_start3A_411 = tpu.memref_slice %arg14[%dma_start3A_410] : memref<10240xf32, #tpu.memory_space<vmem_shared>> -> memref<10240xf32, #tpu.memory_space<vmem_shared>>
      tpu.enqueue_indirect_dma source(%arg12 : memref<200xf32, #tpu.memory_space<vmem>>) target(%dma_start3A_411 : memref<10240xf32, #tpu.memory_space<vmem_shared>>) offsets(%dma_start3A_409 : memref<200xi32, #tpu.memory_space<vmem>>) semaphore(%arg21 : memref<!tpu.dma_semaphore, #tpu.memory_space<semaphore_mem>>) {add = true}
      %sub3A_412 = arith.constant 1 : i32
      %sub3A_413 = arith.subi %add3A_384, %sub3A_412 : i32
      %dma_wait3A_414 = arith.constant 2 : i32
      %dma_wait3A_415 = arith.constant 0 : i32
      %dma_wait3A_416 = arith.constant 0 : i32
      %dma_wait3A_417 = tpu.memref_slice %arg11[%dma_wait3A_414, %dma_wait3A_415, %dma_wait3A_416] : memref<3x200x128xbf16, #tpu.memory_space<vmem>> -> memref<1x200x128xbf16, #tpu.memory_space<vmem>>
      %dma_wait3A_418 = tpu.memref_squeeze %dma_wait3A_417 : memref<1x200x128xbf16, #tpu.memory_space<vmem>> -> memref<200x128xbf16, #tpu.memory_space<vmem>>
      %dma_wait3A_419 = arith.constant 0 : i32
      %dma_wait3A_420 = tpu.memref_slice %arg10[%sub3A_413, %dma_wait3A_419] : memref<50x200xi32, #tpu.memory_space<vmem>> -> memref<1x200xi32, #tpu.memory_space<vmem>>
      %dma_wait3A_421 = tpu.memref_squeeze %dma_wait3A_420 : memref<1x200xi32, #tpu.memory_space<vmem>> -> memref<200xi32, #tpu.memory_space<vmem>>
      %dma_wait3A_422 = arith.constant 0 : i32
      %dma_wait3A_423 = arith.constant 0 : i32
      %dma_wait3A_424 = tpu.memref_slice %arg13[%dma_wait3A_422, %dma_wait3A_423] : memref<10240x128xbf16, #tpu.memory_space<vmem_shared>> -> memref<10240x128xbf16, #tpu.memory_space<vmem_shared>>
      tpu.wait_indirect_dma semaphore(%arg20 : memref<!tpu.dma_semaphore, #tpu.memory_space<semaphore_mem>>) src(%dma_wait3A_418 : memref<200x128xbf16, #tpu.memory_space<vmem>>) dst(%dma_wait3A_424 : memref<10240x128xbf16, #tpu.memory_space<vmem_shared>>)
      %dma_wait3A_425 = arith.constant 0 : i32
      %dma_wait3A_426 = tpu.memref_slice %arg10[%sub3A_413, %dma_wait3A_425] : memref<50x200xi32, #tpu.memory_space<vmem>> -> memref<1x200xi32, #tpu.memory_space<vmem>>
      %dma_wait3A_427 = tpu.memref_squeeze %dma_wait3A_426 : memref<1x200xi32, #tpu.memory_space<vmem>> -> memref<200xi32, #tpu.memory_space<vmem>>
      %dma_wait3A_428 = arith.constant 0 : i32
      %dma_wait3A_429 = tpu.memref_slice %arg14[%dma_wait3A_428] : memref<10240xf32, #tpu.memory_space<vmem_shared>> -> memref<10240xf32, #tpu.memory_space<vmem_shared>>
      tpu.wait_indirect_dma semaphore(%arg23 : memref<!tpu.dma_semaphore, #tpu.memory_space<semaphore_mem>>) src(%arg12 : memref<200xf32, #tpu.memory_space<vmem>>) dst(%dma_wait3A_429 : memref<10240xf32, #tpu.memory_space<vmem_shared>>)
      %add3A_430 = arith.constant 2 : i32
      %add3A_431 = arith.addi %add3A_384, %add3A_430 : i32
      %dma_start3A_432 = arith.constant 2 : i32
      %dma_start3A_433 = arith.constant 0 : i32
      %dma_start3A_434 = arith.constant 0 : i32
      %dma_start3A_435 = tpu.memref_slice %arg11[%dma_start3A_432, %dma_start3A_433, %dma_start3A_434] : memref<3x200x128xbf16, #tpu.memory_space<vmem>> -> memref<1x200x128xbf16, #tpu.memory_space<vmem>>
      %dma_start3A_436 = tpu.memref_squeeze %dma_start3A_435 : memref<1x200x128xbf16, #tpu.memory_space<vmem>> -> memref<200x128xbf16, #tpu.memory_space<vmem>>
      %dma_start3A_437 = arith.constant 0 : i32
      %dma_start3A_438 = tpu.memref_slice %arg9[%add3A_431, %dma_start3A_437] : memref<50x200xi32, #tpu.memory_space<vmem>> -> memref<1x200xi32, #tpu.memory_space<vmem>>
      %dma_start3A_439 = tpu.memref_squeeze %dma_start3A_438 : memref<1x200xi32, #tpu.memory_space<vmem>> -> memref<200xi32, #tpu.memory_space<vmem>>
      %dma_start3A_440 = arith.constant 0 : i32
      %dma_start3A_441 = arith.constant 0 : i32
      %dma_start3A_442 = tpu.memref_slice %arg2[%dma_start3A_440, %dma_start3A_441] : memref<10240x128xbf16, #tpu.memory_space<hbm>> -> memref<10240x128xbf16, #tpu.memory_space<hbm>>
      tpu.enqueue_indirect_dma source(%dma_start3A_442 : memref<10240x128xbf16, #tpu.memory_space<hbm>>) target(%dma_start3A_436 : memref<200x128xbf16, #tpu.memory_space<vmem>>) offsets(%dma_start3A_439 : memref<200xi32, #tpu.memory_space<vmem>>) semaphore(%arg17 : memref<!tpu.dma_semaphore, #tpu.memory_space<semaphore_mem>>)
      %add3A_443 = arith.constant 2 : i32
      %add3A_444 = arith.addi %add3A_323, %add3A_443 : i32
      %dma_wait3A_445 = arith.constant 1 : i32
      %dma_wait3A_446 = arith.constant 0 : i32
      %dma_wait3A_447 = arith.constant 0 : i32
      %dma_wait3A_448 = tpu.memref_slice %arg11[%dma_wait3A_445, %dma_wait3A_446, %dma_wait3A_447] : memref<3x200x128xbf16, #tpu.memory_space<vmem>> -> memref<1x200x128xbf16, #tpu.memory_space<vmem>>
      %dma_wait3A_449 = tpu.memref_squeeze %dma_wait3A_448 : memref<1x200x128xbf16, #tpu.memory_space<vmem>> -> memref<200x128xbf16, #tpu.memory_space<vmem>>
      %dma_wait3A_450 = arith.constant 0 : i32
      %dma_wait3A_451 = tpu.memref_slice %arg9[%add3A_444, %dma_wait3A_450] : memref<50x200xi32, #tpu.memory_space<vmem>> -> memref<1x200xi32, #tpu.memory_space<vmem>>
      %dma_wait3A_452 = tpu.memref_squeeze %dma_wait3A_451 : memref<1x200xi32, #tpu.memory_space<vmem>> -> memref<200xi32, #tpu.memory_space<vmem>>
      %dma_wait3A_453 = arith.constant 0 : i32
      %dma_wait3A_454 = arith.constant 0 : i32
      %dma_wait3A_455 = tpu.memref_slice %arg2[%dma_wait3A_453, %dma_wait3A_454] : memref<10240x128xbf16, #tpu.memory_space<hbm>> -> memref<10240x128xbf16, #tpu.memory_space<hbm>>
      tpu.wait_indirect_dma semaphore(%arg16 : memref<!tpu.dma_semaphore, #tpu.memory_space<semaphore_mem>>) src(%dma_wait3A_455 : memref<10240x128xbf16, #tpu.memory_space<hbm>>) dst(%dma_wait3A_449 : memref<200x128xbf16, #tpu.memory_space<vmem>>)
      %dma_start3A_456 = arith.constant 1 : i32
      %dma_start3A_457 = arith.constant 0 : i32
      %dma_start3A_458 = arith.constant 0 : i32
      %dma_start3A_459 = tpu.memref_slice %arg11[%dma_start3A_456, %dma_start3A_457, %dma_start3A_458] : memref<3x200x128xbf16, #tpu.memory_space<vmem>> -> memref<1x200x128xbf16, #tpu.memory_space<vmem>>
      %dma_start3A_460 = tpu.memref_squeeze %dma_start3A_459 : memref<1x200x128xbf16, #tpu.memory_space<vmem>> -> memref<200x128xbf16, #tpu.memory_space<vmem>>
      %dma_start3A_461 = arith.constant 0 : i32
      %dma_start3A_462 = tpu.memref_slice %arg10[%add3A_444, %dma_start3A_461] : memref<50x200xi32, #tpu.memory_space<vmem>> -> memref<1x200xi32, #tpu.memory_space<vmem>>
      %dma_start3A_463 = tpu.memref_squeeze %dma_start3A_462 : memref<1x200xi32, #tpu.memory_space<vmem>> -> memref<200xi32, #tpu.memory_space<vmem>>
      %dma_start3A_464 = arith.constant 0 : i32
      %dma_start3A_465 = arith.constant 0 : i32
      %dma_start3A_466 = tpu.memref_slice %arg13[%dma_start3A_464, %dma_start3A_465] : memref<10240x128xbf16, #tpu.memory_space<vmem_shared>> -> memref<10240x128xbf16, #tpu.memory_space<vmem_shared>>
      tpu.enqueue_indirect_dma source(%dma_start3A_460 : memref<200x128xbf16, #tpu.memory_space<vmem>>) target(%dma_start3A_466 : memref<10240x128xbf16, #tpu.memory_space<vmem_shared>>) offsets(%dma_start3A_463 : memref<200xi32, #tpu.memory_space<vmem>>) semaphore(%arg19 : memref<!tpu.dma_semaphore, #tpu.memory_space<semaphore_mem>>) {add = true}
      %dma_start3A_467 = arith.constant 0 : i32
      %dma_start3A_468 = tpu.memref_slice %arg10[%add3A_444, %dma_start3A_467] : memref<50x200xi32, #tpu.memory_space<vmem>> -> memref<1x200xi32, #tpu.memory_space<vmem>>
      %dma_start3A_469 = tpu.memref_squeeze %dma_start3A_468 : memref<1x200xi32, #tpu.memory_space<vmem>> -> memref<200xi32, #tpu.memory_space<vmem>>
      %dma_start3A_470 = arith.constant 0 : i32
      %dma_start3A_471 = tpu.memref_slice %arg14[%dma_start3A_470] : memref<10240xf32, #tpu.memory_space<vmem_shared>> -> memref<10240xf32, #tpu.memory_space<vmem_shared>>
      tpu.enqueue_indirect_dma source(%arg12 : memref<200xf32, #tpu.memory_space<vmem>>) target(%dma_start3A_471 : memref<10240xf32, #tpu.memory_space<vmem_shared>>) offsets(%dma_start3A_469 : memref<200xi32, #tpu.memory_space<vmem>>) semaphore(%arg22 : memref<!tpu.dma_semaphore, #tpu.memory_space<semaphore_mem>>) {add = true}
      %sub3A_472 = arith.constant 1 : i32
      %sub3A_473 = arith.subi %add3A_444, %sub3A_472 : i32
      %dma_wait3A_474 = arith.constant 0 : i32
      %dma_wait3A_475 = arith.constant 0 : i32
      %dma_wait3A_476 = arith.constant 0 : i32
      %dma_wait3A_477 = tpu.memref_slice %arg11[%dma_wait3A_474, %dma_wait3A_475, %dma_wait3A_476] : memref<3x200x128xbf16, #tpu.memory_space<vmem>> -> memref<1x200x128xbf16, #tpu.memory_space<vmem>>
      %dma_wait3A_478 = tpu.memref_squeeze %dma_wait3A_477 : memref<1x200x128xbf16, #tpu.memory_space<vmem>> -> memref<200x128xbf16, #tpu.memory_space<vmem>>
      %dma_wait3A_479 = arith.constant 0 : i32
      %dma_wait3A_480 = tpu.memref_slice %arg10[%sub3A_473, %dma_wait3A_479] : memref<50x200xi32, #tpu.memory_space<vmem>> -> memref<1x200xi32, #tpu.memory_space<vmem>>
      %dma_wait3A_481 = tpu.memref_squeeze %dma_wait3A_480 : memref<1x200xi32, #tpu.memory_space<vmem>> -> memref<200xi32, #tpu.memory_space<vmem>>
      %dma_wait3A_482 = arith.constant 0 : i32
      %dma_wait3A_483 = arith.constant 0 : i32
      %dma_wait3A_484 = tpu.memref_slice %arg13[%dma_wait3A_482, %dma_wait3A_483] : memref<10240x128xbf16, #tpu.memory_space<vmem_shared>> -> memref<10240x128xbf16, #tpu.memory_space<vmem_shared>>
      tpu.wait_indirect_dma semaphore(%arg18 : memref<!tpu.dma_semaphore, #tpu.memory_space<semaphore_mem>>) src(%dma_wait3A_478 : memref<200x128xbf16, #tpu.memory_space<vmem>>) dst(%dma_wait3A_484 : memref<10240x128xbf16, #tpu.memory_space<vmem_shared>>)
      %dma_wait3A_485 = arith.constant 0 : i32
      %dma_wait3A_486 = tpu.memref_slice %arg10[%sub3A_473, %dma_wait3A_485] : memref<50x200xi32, #tpu.memory_space<vmem>> -> memref<1x200xi32, #tpu.memory_space<vmem>>
      %dma_wait3A_487 = tpu.memref_squeeze %dma_wait3A_486 : memref<1x200xi32, #tpu.memory_space<vmem>> -> memref<200xi32, #tpu.memory_space<vmem>>
      %dma_wait3A_488 = arith.constant 0 : i32
      %dma_wait3A_489 = tpu.memref_slice %arg14[%dma_wait3A_488] : memref<10240xf32, #tpu.memory_space<vmem_shared>> -> memref<10240xf32, #tpu.memory_space<vmem_shared>>
      tpu.wait_indirect_dma semaphore(%arg21 : memref<!tpu.dma_semaphore, #tpu.memory_space<semaphore_mem>>) src(%arg12 : memref<200xf32, #tpu.memory_space<vmem>>) dst(%dma_wait3A_489 : memref<10240xf32, #tpu.memory_space<vmem_shared>>)
      %add3A_490 = arith.constant 2 : i32
      %add3A_491 = arith.addi %add3A_444, %add3A_490 : i32
      %dma_start3A_492 = arith.constant 0 : i32
      %dma_start3A_493 = arith.constant 0 : i32
      %dma_start3A_494 = arith.constant 0 : i32
      %dma_start3A_495 = tpu.memref_slice %arg11[%dma_start3A_492, %dma_start3A_493, %dma_start3A_494] : memref<3x200x128xbf16, #tpu.memory_space<vmem>> -> memref<1x200x128xbf16, #tpu.memory_space<vmem>>
      %dma_start3A_496 = tpu.memref_squeeze %dma_start3A_495 : memref<1x200x128xbf16, #tpu.memory_space<vmem>> -> memref<200x128xbf16, #tpu.memory_space<vmem>>
      %dma_start3A_497 = arith.constant 0 : i32
      %dma_start3A_498 = tpu.memref_slice %arg9[%add3A_491, %dma_start3A_497] : memref<50x200xi32, #tpu.memory_space<vmem>> -> memref<1x200xi32, #tpu.memory_space<vmem>>
      %dma_start3A_499 = tpu.memref_squeeze %dma_start3A_498 : memref<1x200xi32, #tpu.memory_space<vmem>> -> memref<200xi32, #tpu.memory_space<vmem>>
      %dma_start3A_500 = arith.constant 0 : i32
      %dma_start3A_501 = arith.constant 0 : i32
      %dma_start3A_502 = tpu.memref_slice %arg2[%dma_start3A_500, %dma_start3A_501] : memref<10240x128xbf16, #tpu.memory_space<hbm>> -> memref<10240x128xbf16, #tpu.memory_space<hbm>>
      tpu.enqueue_indirect_dma source(%dma_start3A_502 : memref<10240x128xbf16, #tpu.memory_space<hbm>>) target(%dma_start3A_496 : memref<200x128xbf16, #tpu.memory_space<vmem>>) offsets(%dma_start3A_499 : memref<200xi32, #tpu.memory_space<vmem>>) semaphore(%arg15 : memref<!tpu.dma_semaphore, #tpu.memory_space<semaphore_mem>>)
    }
    %scan3A_134 = arith.constant 15 : i32
    %dma_wait3A_135 = arith.constant 47 : i32
    %dma_wait3A_136 = arith.constant 2 : i32
    %dma_wait3A_137 = arith.constant 0 : i32
    %dma_wait3A_138 = arith.constant 0 : i32
    %dma_wait3A_139 = tpu.memref_slice %arg11[%dma_wait3A_136, %dma_wait3A_137, %dma_wait3A_138] : memref<3x200x128xbf16, #tpu.memory_space<vmem>> -> memref<1x200x128xbf16, #tpu.memory_space<vmem>>
    %dma_wait3A_140 = tpu.memref_squeeze %dma_wait3A_139 : memref<1x200x128xbf16, #tpu.memory_space<vmem>> -> memref<200x128xbf16, #tpu.memory_space<vmem>>
    %dma_wait3A_141 = arith.constant 0 : i32
    %dma_wait3A_142 = tpu.memref_slice %arg9[%dma_wait3A_135, %dma_wait3A_141] : memref<50x200xi32, #tpu.memory_space<vmem>> -> memref<1x200xi32, #tpu.memory_space<vmem>>
    %dma_wait3A_143 = tpu.memref_squeeze %dma_wait3A_142 : memref<1x200xi32, #tpu.memory_space<vmem>> -> memref<200xi32, #tpu.memory_space<vmem>>
    %dma_wait3A_144 = arith.constant 0 : i32
    %dma_wait3A_145 = arith.constant 0 : i32
    %dma_wait3A_146 = tpu.memref_slice %arg2[%dma_wait3A_144, %dma_wait3A_145] : memref<10240x128xbf16, #tpu.memory_space<hbm>> -> memref<10240x128xbf16, #tpu.memory_space<hbm>>
    tpu.wait_indirect_dma semaphore(%arg17 : memref<!tpu.dma_semaphore, #tpu.memory_space<semaphore_mem>>) src(%dma_wait3A_146 : memref<10240x128xbf16, #tpu.memory_space<hbm>>) dst(%dma_wait3A_140 : memref<200x128xbf16, #tpu.memory_space<vmem>>)
    %dma_start3A_147 = arith.constant 2 : i32
    %dma_start3A_148 = arith.constant 47 : i32
    %dma_start3A_149 = arith.constant 0 : i32
    %dma_start3A_150 = arith.constant 0 : i32
    %dma_start3A_151 = tpu.memref_slice %arg11[%dma_start3A_147, %dma_start3A_149, %dma_start3A_150] : memref<3x200x128xbf16, #tpu.memory_space<vmem>> -> memref<1x200x128xbf16, #tpu.memory_space<vmem>>
    %dma_start3A_152 = tpu.memref_squeeze %dma_start3A_151 : memref<1x200x128xbf16, #tpu.memory_space<vmem>> -> memref<200x128xbf16, #tpu.memory_space<vmem>>
    %dma_start3A_153 = arith.constant 0 : i32
    %dma_start3A_154 = tpu.memref_slice %arg10[%dma_start3A_148, %dma_start3A_153] : memref<50x200xi32, #tpu.memory_space<vmem>> -> memref<1x200xi32, #tpu.memory_space<vmem>>
    %dma_start3A_155 = tpu.memref_squeeze %dma_start3A_154 : memref<1x200xi32, #tpu.memory_space<vmem>> -> memref<200xi32, #tpu.memory_space<vmem>>
    %dma_start3A_156 = arith.constant 0 : i32
    %dma_start3A_157 = arith.constant 0 : i32
    %dma_start3A_158 = tpu.memref_slice %arg13[%dma_start3A_156, %dma_start3A_157] : memref<10240x128xbf16, #tpu.memory_space<vmem_shared>> -> memref<10240x128xbf16, #tpu.memory_space<vmem_shared>>
    tpu.enqueue_indirect_dma source(%dma_start3A_152 : memref<200x128xbf16, #tpu.memory_space<vmem>>) target(%dma_start3A_158 : memref<10240x128xbf16, #tpu.memory_space<vmem_shared>>) offsets(%dma_start3A_155 : memref<200xi32, #tpu.memory_space<vmem>>) semaphore(%arg20 : memref<!tpu.dma_semaphore, #tpu.memory_space<semaphore_mem>>) {add = true}
    %dma_start3A_159 = arith.constant 47 : i32
    %dma_start3A_160 = arith.constant 0 : i32
    %dma_start3A_161 = tpu.memref_slice %arg10[%dma_start3A_159, %dma_start3A_160] : memref<50x200xi32, #tpu.memory_space<vmem>> -> memref<1x200xi32, #tpu.memory_space<vmem>>
    %dma_start3A_162 = tpu.memref_squeeze %dma_start3A_161 : memref<1x200xi32, #tpu.memory_space<vmem>> -> memref<200xi32, #tpu.memory_space<vmem>>
    %dma_start3A_163 = arith.constant 0 : i32
    %dma_start3A_164 = tpu.memref_slice %arg14[%dma_start3A_163] : memref<10240xf32, #tpu.memory_space<vmem_shared>> -> memref<10240xf32, #tpu.memory_space<vmem_shared>>
    tpu.enqueue_indirect_dma source(%arg12 : memref<200xf32, #tpu.memory_space<vmem>>) target(%dma_start3A_164 : memref<10240xf32, #tpu.memory_space<vmem_shared>>) offsets(%dma_start3A_162 : memref<200xi32, #tpu.memory_space<vmem>>) semaphore(%arg23 : memref<!tpu.dma_semaphore, #tpu.memory_space<semaphore_mem>>) {add = true}
    %dma_wait3A_165 = arith.constant 1 : i32
    %dma_wait3A_166 = arith.constant 46 : i32
    %dma_wait3A_167 = arith.constant 0 : i32
    %dma_wait3A_168 = arith.constant 0 : i32
    %dma_wait3A_169 = tpu.memref_slice %arg11[%dma_wait3A_165, %dma_wait3A_167, %dma_wait3A_168] : memref<3x200x128xbf16, #tpu.memory_space<vmem>> -> memref<1x200x128xbf16, #tpu.memory_space<vmem>>
    %dma_wait3A_170 = tpu.memref_squeeze %dma_wait3A_169 : memref<1x200x128xbf16, #tpu.memory_space<vmem>> -> memref<200x128xbf16, #tpu.memory_space<vmem>>
    %dma_wait3A_171 = arith.constant 0 : i32
    %dma_wait3A_172 = tpu.memref_slice %arg10[%dma_wait3A_166, %dma_wait3A_171] : memref<50x200xi32, #tpu.memory_space<vmem>> -> memref<1x200xi32, #tpu.memory_space<vmem>>
    %dma_wait3A_173 = tpu.memref_squeeze %dma_wait3A_172 : memref<1x200xi32, #tpu.memory_space<vmem>> -> memref<200xi32, #tpu.memory_space<vmem>>
    %dma_wait3A_174 = arith.constant 0 : i32
    %dma_wait3A_175 = arith.constant 0 : i32
    %dma_wait3A_176 = tpu.memref_slice %arg13[%dma_wait3A_174, %dma_wait3A_175] : memref<10240x128xbf16, #tpu.memory_space<vmem_shared>> -> memref<10240x128xbf16, #tpu.memory_space<vmem_shared>>
    tpu.wait_indirect_dma semaphore(%arg19 : memref<!tpu.dma_semaphore, #tpu.memory_space<semaphore_mem>>) src(%dma_wait3A_170 : memref<200x128xbf16, #tpu.memory_space<vmem>>) dst(%dma_wait3A_176 : memref<10240x128xbf16, #tpu.memory_space<vmem_shared>>)
    %dma_wait3A_177 = arith.constant 46 : i32
    %dma_wait3A_178 = arith.constant 0 : i32
    %dma_wait3A_179 = tpu.memref_slice %arg10[%dma_wait3A_177, %dma_wait3A_178] : memref<50x200xi32, #tpu.memory_space<vmem>> -> memref<1x200xi32, #tpu.memory_space<vmem>>
    %dma_wait3A_180 = tpu.memref_squeeze %dma_wait3A_179 : memref<1x200xi32, #tpu.memory_space<vmem>> -> memref<200xi32, #tpu.memory_space<vmem>>
    %dma_wait3A_181 = arith.constant 0 : i32
    %dma_wait3A_182 = tpu.memref_slice %arg14[%dma_wait3A_181] : memref<10240xf32, #tpu.memory_space<vmem_shared>> -> memref<10240xf32, #tpu.memory_space<vmem_shared>>
    tpu.wait_indirect_dma semaphore(%arg22 : memref<!tpu.dma_semaphore, #tpu.memory_space<semaphore_mem>>) src(%arg12 : memref<200xf32, #tpu.memory_space<vmem>>) dst(%dma_wait3A_182 : memref<10240xf32, #tpu.memory_space<vmem_shared>>)
    %dma_start3A_183 = arith.constant 49 : i32
    %dma_start3A_184 = arith.constant 1 : i32
    %dma_start3A_185 = arith.constant 0 : i32
    %dma_start3A_186 = arith.constant 0 : i32
    %dma_start3A_187 = tpu.memref_slice %arg11[%dma_start3A_184, %dma_start3A_185, %dma_start3A_186] : memref<3x200x128xbf16, #tpu.memory_space<vmem>> -> memref<1x200x128xbf16, #tpu.memory_space<vmem>>
    %dma_start3A_188 = tpu.memref_squeeze %dma_start3A_187 : memref<1x200x128xbf16, #tpu.memory_space<vmem>> -> memref<200x128xbf16, #tpu.memory_space<vmem>>
    %dma_start3A_189 = arith.constant 0 : i32
    %dma_start3A_190 = tpu.memref_slice %arg9[%dma_start3A_183, %dma_start3A_189] : memref<50x200xi32, #tpu.memory_space<vmem>> -> memref<1x200xi32, #tpu.memory_space<vmem>>
    %dma_start3A_191 = tpu.memref_squeeze %dma_start3A_190 : memref<1x200xi32, #tpu.memory_space<vmem>> -> memref<200xi32, #tpu.memory_space<vmem>>
    %dma_start3A_192 = arith.constant 0 : i32
    %dma_start3A_193 = arith.constant 0 : i32
    %dma_start3A_194 = tpu.memref_slice %arg2[%dma_start3A_192, %dma_start3A_193] : memref<10240x128xbf16, #tpu.memory_space<hbm>> -> memref<10240x128xbf16, #tpu.memory_space<hbm>>
    tpu.enqueue_indirect_dma source(%dma_start3A_194 : memref<10240x128xbf16, #tpu.memory_space<hbm>>) target(%dma_start3A_188 : memref<200x128xbf16, #tpu.memory_space<vmem>>) offsets(%dma_start3A_191 : memref<200xi32, #tpu.memory_space<vmem>>) semaphore(%arg16 : memref<!tpu.dma_semaphore, #tpu.memory_space<semaphore_mem>>)
    %dma_wait3A_195 = arith.constant 48 : i32
    %dma_wait3A_196 = arith.constant 0 : i32
    %dma_wait3A_197 = arith.constant 0 : i32
    %dma_wait3A_198 = arith.constant 0 : i32
    %dma_wait3A_199 = tpu.memref_slice %arg11[%dma_wait3A_196, %dma_wait3A_197, %dma_wait3A_198] : memref<3x200x128xbf16, #tpu.memory_space<vmem>> -> memref<1x200x128xbf16, #tpu.memory_space<vmem>>
    %dma_wait3A_200 = tpu.memref_squeeze %dma_wait3A_199 : memref<1x200x128xbf16, #tpu.memory_space<vmem>> -> memref<200x128xbf16, #tpu.memory_space<vmem>>
    %dma_wait3A_201 = arith.constant 0 : i32
    %dma_wait3A_202 = tpu.memref_slice %arg9[%dma_wait3A_195, %dma_wait3A_201] : memref<50x200xi32, #tpu.memory_space<vmem>> -> memref<1x200xi32, #tpu.memory_space<vmem>>
    %dma_wait3A_203 = tpu.memref_squeeze %dma_wait3A_202 : memref<1x200xi32, #tpu.memory_space<vmem>> -> memref<200xi32, #tpu.memory_space<vmem>>
    %dma_wait3A_204 = arith.constant 0 : i32
    %dma_wait3A_205 = arith.constant 0 : i32
    %dma_wait3A_206 = tpu.memref_slice %arg2[%dma_wait3A_204, %dma_wait3A_205] : memref<10240x128xbf16, #tpu.memory_space<hbm>> -> memref<10240x128xbf16, #tpu.memory_space<hbm>>
    tpu.wait_indirect_dma semaphore(%arg15 : memref<!tpu.dma_semaphore, #tpu.memory_space<semaphore_mem>>) src(%dma_wait3A_206 : memref<10240x128xbf16, #tpu.memory_space<hbm>>) dst(%dma_wait3A_200 : memref<200x128xbf16, #tpu.memory_space<vmem>>)
    %dma_start3A_207 = arith.constant 0 : i32
    %dma_start3A_208 = arith.constant 48 : i32
    %dma_start3A_209 = arith.constant 0 : i32
    %dma_start3A_210 = arith.constant 0 : i32
    %dma_start3A_211 = tpu.memref_slice %arg11[%dma_start3A_207, %dma_start3A_209, %dma_start3A_210] : memref<3x200x128xbf16, #tpu.memory_space<vmem>> -> memref<1x200x128xbf16, #tpu.memory_space<vmem>>
    %dma_start3A_212 = tpu.memref_squeeze %dma_start3A_211 : memref<1x200x128xbf16, #tpu.memory_space<vmem>> -> memref<200x128xbf16, #tpu.memory_space<vmem>>
    %dma_start3A_213 = arith.constant 0 : i32
    %dma_start3A_214 = tpu.memref_slice %arg10[%dma_start3A_208, %dma_start3A_213] : memref<50x200xi32, #tpu.memory_space<vmem>> -> memref<1x200xi32, #tpu.memory_space<vmem>>
    %dma_start3A_215 = tpu.memref_squeeze %dma_start3A_214 : memref<1x200xi32, #tpu.memory_space<vmem>> -> memref<200xi32, #tpu.memory_space<vmem>>
    %dma_start3A_216 = arith.constant 0 : i32
    %dma_start3A_217 = arith.constant 0 : i32
    %dma_start3A_218 = tpu.memref_slice %arg13[%dma_start3A_216, %dma_start3A_217] : memref<10240x128xbf16, #tpu.memory_space<vmem_shared>> -> memref<10240x128xbf16, #tpu.memory_space<vmem_shared>>
    tpu.enqueue_indirect_dma source(%dma_start3A_212 : memref<200x128xbf16, #tpu.memory_space<vmem>>) target(%dma_start3A_218 : memref<10240x128xbf16, #tpu.memory_space<vmem_shared>>) offsets(%dma_start3A_215 : memref<200xi32, #tpu.memory_space<vmem>>) semaphore(%arg18 : memref<!tpu.dma_semaphore, #tpu.memory_space<semaphore_mem>>) {add = true}
    %dma_start3A_219 = arith.constant 48 : i32
    %dma_start3A_220 = arith.constant 0 : i32
    %dma_start3A_221 = tpu.memref_slice %arg10[%dma_start3A_219, %dma_start3A_220] : memref<50x200xi32, #tpu.memory_space<vmem>> -> memref<1x200xi32, #tpu.memory_space<vmem>>
    %dma_start3A_222 = tpu.memref_squeeze %dma_start3A_221 : memref<1x200xi32, #tpu.memory_space<vmem>> -> memref<200xi32, #tpu.memory_space<vmem>>
    %dma_start3A_223 = arith.constant 0 : i32
    %dma_start3A_224 = tpu.memref_slice %arg14[%dma_start3A_223] : memref<10240xf32, #tpu.memory_space<vmem_shared>> -> memref<10240xf32, #tpu.memory_space<vmem_shared>>
    tpu.enqueue_indirect_dma source(%arg12 : memref<200xf32, #tpu.memory_space<vmem>>) target(%dma_start3A_224 : memref<10240xf32, #tpu.memory_space<vmem_shared>>) offsets(%dma_start3A_222 : memref<200xi32, #tpu.memory_space<vmem>>) semaphore(%arg21 : memref<!tpu.dma_semaphore, #tpu.memory_space<semaphore_mem>>) {add = true}
    %dma_wait3A_225 = arith.constant 49 : i32
    %dma_wait3A_226 = arith.constant 1 : i32
    %dma_wait3A_227 = arith.constant 0 : i32
    %dma_wait3A_228 = arith.constant 0 : i32
    %dma_wait3A_229 = tpu.memref_slice %arg11[%dma_wait3A_226, %dma_wait3A_227, %dma_wait3A_228] : memref<3x200x128xbf16, #tpu.memory_space<vmem>> -> memref<1x200x128xbf16, #tpu.memory_space<vmem>>
    %dma_wait3A_230 = tpu.memref_squeeze %dma_wait3A_229 : memref<1x200x128xbf16, #tpu.memory_space<vmem>> -> memref<200x128xbf16, #tpu.memory_space<vmem>>
    %dma_wait3A_231 = arith.constant 0 : i32
    %dma_wait3A_232 = tpu.memref_slice %arg9[%dma_wait3A_225, %dma_wait3A_231] : memref<50x200xi32, #tpu.memory_space<vmem>> -> memref<1x200xi32, #tpu.memory_space<vmem>>
    %dma_wait3A_233 = tpu.memref_squeeze %dma_wait3A_232 : memref<1x200xi32, #tpu.memory_space<vmem>> -> memref<200xi32, #tpu.memory_space<vmem>>
    %dma_wait3A_234 = arith.constant 0 : i32
    %dma_wait3A_235 = arith.constant 0 : i32
    %dma_wait3A_236 = tpu.memref_slice %arg2[%dma_wait3A_234, %dma_wait3A_235] : memref<10240x128xbf16, #tpu.memory_space<hbm>> -> memref<10240x128xbf16, #tpu.memory_space<hbm>>
    tpu.wait_indirect_dma semaphore(%arg16 : memref<!tpu.dma_semaphore, #tpu.memory_space<semaphore_mem>>) src(%dma_wait3A_236 : memref<10240x128xbf16, #tpu.memory_space<hbm>>) dst(%dma_wait3A_230 : memref<200x128xbf16, #tpu.memory_space<vmem>>)
    %dma_start3A_237 = arith.constant 1 : i32
    %dma_start3A_238 = arith.constant 49 : i32
    %dma_start3A_239 = arith.constant 0 : i32
    %dma_start3A_240 = arith.constant 0 : i32
    %dma_start3A_241 = tpu.memref_slice %arg11[%dma_start3A_237, %dma_start3A_239, %dma_start3A_240] : memref<3x200x128xbf16, #tpu.memory_space<vmem>> -> memref<1x200x128xbf16, #tpu.memory_space<vmem>>
    %dma_start3A_242 = tpu.memref_squeeze %dma_start3A_241 : memref<1x200x128xbf16, #tpu.memory_space<vmem>> -> memref<200x128xbf16, #tpu.memory_space<vmem>>
    %dma_start3A_243 = arith.constant 0 : i32
    %dma_start3A_244 = tpu.memref_slice %arg10[%dma_start3A_238, %dma_start3A_243] : memref<50x200xi32, #tpu.memory_space<vmem>> -> memref<1x200xi32, #tpu.memory_space<vmem>>
    %dma_start3A_245 = tpu.memref_squeeze %dma_start3A_244 : memref<1x200xi32, #tpu.memory_space<vmem>> -> memref<200xi32, #tpu.memory_space<vmem>>
    %dma_start3A_246 = arith.constant 0 : i32
    %dma_start3A_247 = arith.constant 0 : i32
    %dma_start3A_248 = tpu.memref_slice %arg13[%dma_start3A_246, %dma_start3A_247] : memref<10240x128xbf16, #tpu.memory_space<vmem_shared>> -> memref<10240x128xbf16, #tpu.memory_space<vmem_shared>>
    tpu.enqueue_indirect_dma source(%dma_start3A_242 : memref<200x128xbf16, #tpu.memory_space<vmem>>) target(%dma_start3A_248 : memref<10240x128xbf16, #tpu.memory_space<vmem_shared>>) offsets(%dma_start3A_245 : memref<200xi32, #tpu.memory_space<vmem>>) semaphore(%arg19 : memref<!tpu.dma_semaphore, #tpu.memory_space<semaphore_mem>>) {add = true}
    %dma_start3A_249 = arith.constant 49 : i32
    %dma_start3A_250 = arith.constant 0 : i32
    %dma_start3A_251 = tpu.memref_slice %arg10[%dma_start3A_249, %dma_start3A_250] : memref<50x200xi32, #tpu.memory_space<vmem>> -> memref<1x200xi32, #tpu.memory_space<vmem>>
    %dma_start3A_252 = tpu.memref_squeeze %dma_start3A_251 : memref<1x200xi32, #tpu.memory_space<vmem>> -> memref<200xi32, #tpu.memory_space<vmem>>
    %dma_start3A_253 = arith.constant 0 : i32
    %dma_start3A_254 = tpu.memref_slice %arg14[%dma_start3A_253] : memref<10240xf32, #tpu.memory_space<vmem_shared>> -> memref<10240xf32, #tpu.memory_space<vmem_shared>>
    tpu.enqueue_indirect_dma source(%arg12 : memref<200xf32, #tpu.memory_space<vmem>>) target(%dma_start3A_254 : memref<10240xf32, #tpu.memory_space<vmem_shared>>) offsets(%dma_start3A_252 : memref<200xi32, #tpu.memory_space<vmem>>) semaphore(%arg22 : memref<!tpu.dma_semaphore, #tpu.memory_space<semaphore_mem>>) {add = true}
    %dma_wait3A_255 = arith.constant 2 : i32
    %dma_wait3A_256 = arith.constant 47 : i32
    %dma_wait3A_257 = arith.constant 0 : i32
    %dma_wait3A_258 = arith.constant 0 : i32
    %dma_wait3A_259 = tpu.memref_slice %arg11[%dma_wait3A_255, %dma_wait3A_257, %dma_wait3A_258] : memref<3x200x128xbf16, #tpu.memory_space<vmem>> -> memref<1x200x128xbf16, #tpu.memory_space<vmem>>
    %dma_wait3A_260 = tpu.memref_squeeze %dma_wait3A_259 : memref<1x200x128xbf16, #tpu.memory_space<vmem>> -> memref<200x128xbf16, #tpu.memory_space<vmem>>
    %dma_wait3A_261 = arith.constant 0 : i32
    %dma_wait3A_262 = tpu.memref_slice %arg10[%dma_wait3A_256, %dma_wait3A_261] : memref<50x200xi32, #tpu.memory_space<vmem>> -> memref<1x200xi32, #tpu.memory_space<vmem>>
    %dma_wait3A_263 = tpu.memref_squeeze %dma_wait3A_262 : memref<1x200xi32, #tpu.memory_space<vmem>> -> memref<200xi32, #tpu.memory_space<vmem>>
    %dma_wait3A_264 = arith.constant 0 : i32
    %dma_wait3A_265 = arith.constant 0 : i32
    %dma_wait3A_266 = tpu.memref_slice %arg13[%dma_wait3A_264, %dma_wait3A_265] : memref<10240x128xbf16, #tpu.memory_space<vmem_shared>> -> memref<10240x128xbf16, #tpu.memory_space<vmem_shared>>
    tpu.wait_indirect_dma semaphore(%arg20 : memref<!tpu.dma_semaphore, #tpu.memory_space<semaphore_mem>>) src(%dma_wait3A_260 : memref<200x128xbf16, #tpu.memory_space<vmem>>) dst(%dma_wait3A_266 : memref<10240x128xbf16, #tpu.memory_space<vmem_shared>>)
    %dma_wait3A_267 = arith.constant 47 : i32
    %dma_wait3A_268 = arith.constant 0 : i32
    %dma_wait3A_269 = tpu.memref_slice %arg10[%dma_wait3A_267, %dma_wait3A_268] : memref<50x200xi32, #tpu.memory_space<vmem>> -> memref<1x200xi32, #tpu.memory_space<vmem>>
    %dma_wait3A_270 = tpu.memref_squeeze %dma_wait3A_269 : memref<1x200xi32, #tpu.memory_space<vmem>> -> memref<200xi32, #tpu.memory_space<vmem>>
    %dma_wait3A_271 = arith.constant 0 : i32
    %dma_wait3A_272 = tpu.memref_slice %arg14[%dma_wait3A_271] : memref<10240xf32, #tpu.memory_space<vmem_shared>> -> memref<10240xf32, #tpu.memory_space<vmem_shared>>
    tpu.wait_indirect_dma semaphore(%arg23 : memref<!tpu.dma_semaphore, #tpu.memory_space<semaphore_mem>>) src(%arg12 : memref<200xf32, #tpu.memory_space<vmem>>) dst(%dma_wait3A_272 : memref<10240xf32, #tpu.memory_space<vmem_shared>>)
    %dma_wait3A_273 = arith.constant 0 : i32
    %dma_wait3A_274 = arith.constant 48 : i32
    %dma_wait3A_275 = arith.constant 0 : i32
    %dma_wait3A_276 = arith.constant 0 : i32
    %dma_wait3A_277 = tpu.memref_slice %arg11[%dma_wait3A_273, %dma_wait3A_275, %dma_wait3A_276] : memref<3x200x128xbf16, #tpu.memory_space<vmem>> -> memref<1x200x128xbf16, #tpu.memory_space<vmem>>
    %dma_wait3A_278 = tpu.memref_squeeze %dma_wait3A_277 : memref<1x200x128xbf16, #tpu.memory_space<vmem>> -> memref<200x128xbf16, #tpu.memory_space<vmem>>
    %dma_wait3A_279 = arith.constant 0 : i32
    %dma_wait3A_280 = tpu.memref_slice %arg10[%dma_wait3A_274, %dma_wait3A_279] : memref<50x200xi32, #tpu.memory_space<vmem>> -> memref<1x200xi32, #tpu.memory_space<vmem>>
    %dma_wait3A_281 = tpu.memref_squeeze %dma_wait3A_280 : memref<1x200xi32, #tpu.memory_space<vmem>> -> memref<200xi32, #tpu.memory_space<vmem>>
    %dma_wait3A_282 = arith.constant 0 : i32
    %dma_wait3A_283 = arith.constant 0 : i32
    %dma_wait3A_284 = tpu.memref_slice %arg13[%dma_wait3A_282, %dma_wait3A_283] : memref<10240x128xbf16, #tpu.memory_space<vmem_shared>> -> memref<10240x128xbf16, #tpu.memory_space<vmem_shared>>
    tpu.wait_indirect_dma semaphore(%arg18 : memref<!tpu.dma_semaphore, #tpu.memory_space<semaphore_mem>>) src(%dma_wait3A_278 : memref<200x128xbf16, #tpu.memory_space<vmem>>) dst(%dma_wait3A_284 : memref<10240x128xbf16, #tpu.memory_space<vmem_shared>>)
    %dma_wait3A_285 = arith.constant 48 : i32
    %dma_wait3A_286 = arith.constant 0 : i32
    %dma_wait3A_287 = tpu.memref_slice %arg10[%dma_wait3A_285, %dma_wait3A_286] : memref<50x200xi32, #tpu.memory_space<vmem>> -> memref<1x200xi32, #tpu.memory_space<vmem>>
    %dma_wait3A_288 = tpu.memref_squeeze %dma_wait3A_287 : memref<1x200xi32, #tpu.memory_space<vmem>> -> memref<200xi32, #tpu.memory_space<vmem>>
    %dma_wait3A_289 = arith.constant 0 : i32
    %dma_wait3A_290 = tpu.memref_slice %arg14[%dma_wait3A_289] : memref<10240xf32, #tpu.memory_space<vmem_shared>> -> memref<10240xf32, #tpu.memory_space<vmem_shared>>
    tpu.wait_indirect_dma semaphore(%arg21 : memref<!tpu.dma_semaphore, #tpu.memory_space<semaphore_mem>>) src(%arg12 : memref<200xf32, #tpu.memory_space<vmem>>) dst(%dma_wait3A_290 : memref<10240xf32, #tpu.memory_space<vmem_shared>>)
    %dma_wait3A_291 = arith.constant 1 : i32
    %dma_wait3A_292 = arith.constant 49 : i32
    %dma_wait3A_293 = arith.constant 0 : i32
    %dma_wait3A_294 = arith.constant 0 : i32
    %dma_wait3A_295 = tpu.memref_slice %arg11[%dma_wait3A_291, %dma_wait3A_293, %dma_wait3A_294] : memref<3x200x128xbf16, #tpu.memory_space<vmem>> -> memref<1x200x128xbf16, #tpu.memory_space<vmem>>
    %dma_wait3A_296 = tpu.memref_squeeze %dma_wait3A_295 : memref<1x200x128xbf16, #tpu.memory_space<vmem>> -> memref<200x128xbf16, #tpu.memory_space<vmem>>
    %dma_wait3A_297 = arith.constant 0 : i32
    %dma_wait3A_298 = tpu.memref_slice %arg10[%dma_wait3A_292, %dma_wait3A_297] : memref<50x200xi32, #tpu.memory_space<vmem>> -> memref<1x200xi32, #tpu.memory_space<vmem>>
    %dma_wait3A_299 = tpu.memref_squeeze %dma_wait3A_298 : memref<1x200xi32, #tpu.memory_space<vmem>> -> memref<200xi32, #tpu.memory_space<vmem>>
    %dma_wait3A_300 = arith.constant 0 : i32
    %dma_wait3A_301 = arith.constant 0 : i32
    %dma_wait3A_302 = tpu.memref_slice %arg13[%dma_wait3A_300, %dma_wait3A_301] : memref<10240x128xbf16, #tpu.memory_space<vmem_shared>> -> memref<10240x128xbf16, #tpu.memory_space<vmem_shared>>
    tpu.wait_indirect_dma semaphore(%arg19 : memref<!tpu.dma_semaphore, #tpu.memory_space<semaphore_mem>>) src(%dma_wait3A_296 : memref<200x128xbf16, #tpu.memory_space<vmem>>) dst(%dma_wait3A_302 : memref<10240x128xbf16, #tpu.memory_space<vmem_shared>>)
    %dma_wait3A_303 = arith.constant 49 : i32
    %dma_wait3A_304 = arith.constant 0 : i32
    %dma_wait3A_305 = tpu.memref_slice %arg10[%dma_wait3A_303, %dma_wait3A_304] : memref<50x200xi32, #tpu.memory_space<vmem>> -> memref<1x200xi32, #tpu.memory_space<vmem>>
    %dma_wait3A_306 = tpu.memref_squeeze %dma_wait3A_305 : memref<1x200xi32, #tpu.memory_space<vmem>> -> memref<200xi32, #tpu.memory_space<vmem>>
    %dma_wait3A_307 = arith.constant 0 : i32
    %dma_wait3A_308 = tpu.memref_slice %arg14[%dma_wait3A_307] : memref<10240xf32, #tpu.memory_space<vmem_shared>> -> memref<10240xf32, #tpu.memory_space<vmem_shared>>
    tpu.wait_indirect_dma semaphore(%arg22 : memref<!tpu.dma_semaphore, #tpu.memory_space<semaphore_mem>>) src(%arg12 : memref<200xf32, #tpu.memory_space<vmem>>) dst(%dma_wait3A_308 : memref<10240xf32, #tpu.memory_space<vmem_shared>>)
    %barrier3A_309 = arith.constant 0 : index
    tpu.barrier barrier_id(%barrier3A_309)
    %mul3A_310 = arith.constant 640 : i32
    %mul3A_311 = arith.muli %arg1, %mul3A_310 : i32
    %mul3A_312 = arith.constant 640 : i32
    %mul3A_313 = arith.muli %arg1, %mul3A_312 : i32
    "tpu.region"() ({
      %run_scoped3A_319 = tpu.sem_alloc : memref<!tpu.dma_semaphore, #tpu.memory_space<semaphore_mem>>
      %dma_start3A_320 = arith.constant 0 : i32
      %dma_start3A_321 = tpu.memref_slice %arg7[%arg0, %mul3A_313, %dma_start3A_320] : memref<2x10240x128xbf16, #tpu.memory_space<hbm>> -> memref<1x640x128xbf16, #tpu.memory_space<hbm>>
      %dma_start3A_322 = tpu.memref_squeeze %dma_start3A_321 : memref<1x640x128xbf16, #tpu.memory_space<hbm>> -> memref<640x128xbf16, #tpu.memory_space<hbm>>
      %dma_start3A_323 = arith.constant 0 : i32
      %dma_start3A_324 = tpu.memref_slice %arg13[%mul3A_311, %dma_start3A_323] : memref<10240x128xbf16, #tpu.memory_space<vmem_shared>> -> memref<640x128xbf16, #tpu.memory_space<vmem_shared>>
      tpu.enqueue_dma source(%dma_start3A_324 : memref<640x128xbf16, #tpu.memory_space<vmem_shared>>) target(%dma_start3A_322 : memref<640x128xbf16, #tpu.memory_space<hbm>>) target_semaphore(%run_scoped3A_319 : memref<!tpu.dma_semaphore, #tpu.memory_space<semaphore_mem>>)
      %dma_wait3A_325 = arith.constant 0 : i32
      %dma_wait3A_326 = tpu.memref_slice %arg7[%arg0, %mul3A_313, %dma_wait3A_325] : memref<2x10240x128xbf16, #tpu.memory_space<hbm>> -> memref<1x640x128xbf16, #tpu.memory_space<hbm>>
      %dma_wait3A_327 = tpu.memref_squeeze %dma_wait3A_326 : memref<1x640x128xbf16, #tpu.memory_space<hbm>> -> memref<640x128xbf16, #tpu.memory_space<hbm>>
      %dma_wait3A_328 = arith.constant 0 : i32
      %dma_wait3A_329 = tpu.memref_slice %arg13[%mul3A_311, %dma_wait3A_328] : memref<10240x128xbf16, #tpu.memory_space<vmem_shared>> -> memref<640x128xbf16, #tpu.memory_space<vmem_shared>>
      tpu.wait_dma2 semaphore(%run_scoped3A_319 : memref<!tpu.dma_semaphore, #tpu.memory_space<semaphore_mem>>) src(%dma_wait3A_329 : memref<640x128xbf16, #tpu.memory_space<vmem_shared>>) dst(%dma_wait3A_327 : memref<640x128xbf16, #tpu.memory_space<hbm>>)
      tpu.yield
    }) : () -> ()
    %eq3A_314 = arith.constant 0 : i32
    %eq3A_315 = arith.cmpi eq, %arg1, %eq3A_314 : i32
    %convert_element_type3A_316 = arith.extui %eq3A_315 : i1 to i32
    %cond3A_317 = arith.constant 0 : i32
    %cond3A_318 = arith.cmpi ne, %convert_element_type3A_316, %cond3A_317 : i32
    scf.if %cond3A_318 {
      "tpu.region"() ({
        %run_scoped3A_319 = tpu.sem_alloc : memref<!tpu.dma_semaphore, #tpu.memory_space<semaphore_mem>>
        %dma_start3A_320 = arith.constant 0 : i32
        %dma_start3A_321 = tpu.memref_slice %arg8[%arg0, %dma_start3A_320] : memref<2x10240xf32, #tpu.memory_space<hbm>> -> memref<1x10240xf32, #tpu.memory_space<hbm>>
        %dma_start3A_322 = tpu.memref_squeeze %dma_start3A_321 : memref<1x10240xf32, #tpu.memory_space<hbm>> -> memref<10240xf32, #tpu.memory_space<hbm>>
        tpu.enqueue_dma source(%arg14 : memref<10240xf32, #tpu.memory_space<vmem_shared>>) target(%dma_start3A_322 : memref<10240xf32, #tpu.memory_space<hbm>>) target_semaphore(%run_scoped3A_319 : memref<!tpu.dma_semaphore, #tpu.memory_space<semaphore_mem>>)
        %dma_wait3A_323 = arith.constant 0 : i32
        %dma_wait3A_324 = tpu.memref_slice %arg8[%arg0, %dma_wait3A_323] : memref<2x10240xf32, #tpu.memory_space<hbm>> -> memref<1x10240xf32, #tpu.memory_space<hbm>>
        %dma_wait3A_325 = tpu.memref_squeeze %dma_wait3A_324 : memref<1x10240xf32, #tpu.memory_space<hbm>> -> memref<10240xf32, #tpu.memory_space<hbm>>
        tpu.wait_dma2 semaphore(%run_scoped3A_319 : memref<!tpu.dma_semaphore, #tpu.memory_space<semaphore_mem>>) src(%arg14 : memref<10240xf32, #tpu.memory_space<vmem_shared>>) dst(%dma_wait3A_325 : memref<10240xf32, #tpu.memory_space<hbm>>)
        tpu.yield
      }) : () -> ()
    } else {
    }
    return
  }
}

#map = affine_map<(d0, d1) -> (0, 0)>
#map1 = affine_map<(d0, d1) -> (0, 0, 0, 0)>
#map2 = affine_map<(d0, d1) -> (0)>
#map3 = affine_map<(d0, d1) -> (0, 0, 0)>
module attributes {stable_mosaic.version = 14 : i64} {
  func.func @body(%arg0: i32, %arg1: i32, %arg2: memref<10240x128xbf16, #tpu.memory_space<hbm>>, %arg3: memref<2x32x50x200xi32, #tpu.memory_space<hbm>>, %arg4: memref<640x128xbf16, #tpu.memory_space<hbm>>, %arg5: memref<10240xf32, #tpu.memory_space<hbm>>, %arg6: memref<200xf32, #tpu.memory_space<hbm>>, %arg7: memref<2x10240x128xbf16, #tpu.memory_space<hbm>>, %arg8: memref<50x200xi32, #tpu.memory_space<vmem>>, %arg9: memref<50x200xi32, #tpu.memory_space<vmem>>, %arg10: memref<3x200x128xbf16, #tpu.memory_space<vmem>>, %arg11: memref<200xf32, #tpu.memory_space<vmem>>, %arg12: memref<10240x128xbf16, #tpu.memory_space<vmem_shared>>, %arg13: memref<10240xf32, #tpu.memory_space<vmem_shared>>, %arg14: memref<!tpu.dma_semaphore, #tpu.memory_space<semaphore_mem>>, %arg15: memref<!tpu.dma_semaphore, #tpu.memory_space<semaphore_mem>>, %arg16: memref<!tpu.dma_semaphore, #tpu.memory_space<semaphore_mem>>, %arg17: memref<!tpu.dma_semaphore, #tpu.memory_space<semaphore_mem>>, %arg18: memref<!tpu.dma_semaphore, #tpu.memory_space<semaphore_mem>>, %arg19: memref<!tpu.dma_semaphore, #tpu.memory_space<semaphore_mem>>, %arg20: memref<!tpu.dma_semaphore, #tpu.memory_space<semaphore_mem>>, %arg21: memref<!tpu.dma_semaphore, #tpu.memory_space<semaphore_mem>>, %arg22: memref<!tpu.dma_semaphore, #tpu.memory_space<semaphore_mem>>) attributes {dimension_semantics = [#tpu.dimension_semantics<core_parallel>, #tpu.dimension_semantics<subcore_parallel>], iteration_bounds = array<i64: 2, 16>, scalar_prefetch = 0 : i64, scratch_operands = 15 : i64, tpu.core_type = #tpu.core_type<sc_vector_subcore>, window_params = [{transform_indices = #map}, {transform_indices = #map1}, {transform_indices = #map}, {transform_indices = #map2}, {transform_indices = #map2}, {transform_indices = #map3}]} {
    %mul3A = arith.constant 16 : i32
    %mul3A_0 = arith.muli %arg0, %mul3A : i32
    %add3A = arith.addi %mul3A_0, %arg1 : i32
    %run_scoped3A = arith.constant 0 : i32
    "tpu.region"() ({
      %run_scoped3A_252 = tpu.sem_alloc : memref<!tpu.dma_semaphore, #tpu.memory_space<semaphore_mem>>
      %dma_start3A_253 = arith.constant 0 : i32
      %dma_start3A_254 = arith.constant 0 : i32
      %dma_start3A_255 = tpu.memref_slice %arg3[%run_scoped3A, %add3A, %dma_start3A_253, %dma_start3A_254] : memref<2x32x50x200xi32, #tpu.memory_space<hbm>> -> memref<1x1x50x200xi32, #tpu.memory_space<hbm>>
      %dma_start3A_256 = tpu.memref_squeeze %dma_start3A_255 : memref<1x1x50x200xi32, #tpu.memory_space<hbm>> -> memref<50x200xi32, #tpu.memory_space<hbm>>
      %dma_start3A_257 = arith.constant 0 : i32
      %dma_start3A_258 = arith.constant 0 : i32
      %dma_start3A_259 = tpu.memref_slice %arg3[%run_scoped3A, %add3A, %dma_start3A_257, %dma_start3A_258] : memref<2x32x50x200xi32, #tpu.memory_space<hbm>> -> memref<1x1x50x200xi32, #tpu.memory_space<hbm>>
      %dma_start3A_260 = tpu.memref_squeeze %dma_start3A_259 : memref<1x1x50x200xi32, #tpu.memory_space<hbm>> -> memref<50x200xi32, #tpu.memory_space<hbm>>
      tpu.enqueue_dma source(%dma_start3A_260 : memref<50x200xi32, #tpu.memory_space<hbm>>) target(%arg8 : memref<50x200xi32, #tpu.memory_space<vmem>>) target_semaphore(%run_scoped3A_252 : memref<!tpu.dma_semaphore, #tpu.memory_space<semaphore_mem>>)
      %dma_wait3A_261 = arith.constant 0 : i32
      %dma_wait3A_262 = arith.constant 0 : i32
      %dma_wait3A_263 = tpu.memref_slice %arg3[%run_scoped3A, %add3A, %dma_wait3A_261, %dma_wait3A_262] : memref<2x32x50x200xi32, #tpu.memory_space<hbm>> -> memref<1x1x50x200xi32, #tpu.memory_space<hbm>>
      %dma_wait3A_264 = tpu.memref_squeeze %dma_wait3A_263 : memref<1x1x50x200xi32, #tpu.memory_space<hbm>> -> memref<50x200xi32, #tpu.memory_space<hbm>>
      %dma_wait3A_265 = arith.constant 0 : i32
      %dma_wait3A_266 = arith.constant 0 : i32
      %dma_wait3A_267 = tpu.memref_slice %arg3[%run_scoped3A, %add3A, %dma_wait3A_265, %dma_wait3A_266] : memref<2x32x50x200xi32, #tpu.memory_space<hbm>> -> memref<1x1x50x200xi32, #tpu.memory_space<hbm>>
      %dma_wait3A_268 = tpu.memref_squeeze %dma_wait3A_267 : memref<1x1x50x200xi32, #tpu.memory_space<hbm>> -> memref<50x200xi32, #tpu.memory_space<hbm>>
      tpu.wait_dma2 semaphore(%run_scoped3A_252 : memref<!tpu.dma_semaphore, #tpu.memory_space<semaphore_mem>>) src(%dma_wait3A_268 : memref<50x200xi32, #tpu.memory_space<hbm>>) dst(%arg8 : memref<50x200xi32, #tpu.memory_space<vmem>>)
      tpu.yield
    }) : () -> ()
    %run_scoped3A_1 = arith.constant 1 : i32
    "tpu.region"() ({
      %run_scoped3A_252 = tpu.sem_alloc : memref<!tpu.dma_semaphore, #tpu.memory_space<semaphore_mem>>
      %dma_start3A_253 = arith.constant 0 : i32
      %dma_start3A_254 = arith.constant 0 : i32
      %dma_start3A_255 = tpu.memref_slice %arg3[%run_scoped3A_1, %add3A, %dma_start3A_253, %dma_start3A_254] : memref<2x32x50x200xi32, #tpu.memory_space<hbm>> -> memref<1x1x50x200xi32, #tpu.memory_space<hbm>>
      %dma_start3A_256 = tpu.memref_squeeze %dma_start3A_255 : memref<1x1x50x200xi32, #tpu.memory_space<hbm>> -> memref<50x200xi32, #tpu.memory_space<hbm>>
      %dma_start3A_257 = arith.constant 0 : i32
      %dma_start3A_258 = arith.constant 0 : i32
      %dma_start3A_259 = tpu.memref_slice %arg3[%run_scoped3A_1, %add3A, %dma_start3A_257, %dma_start3A_258] : memref<2x32x50x200xi32, #tpu.memory_space<hbm>> -> memref<1x1x50x200xi32, #tpu.memory_space<hbm>>
      %dma_start3A_260 = tpu.memref_squeeze %dma_start3A_259 : memref<1x1x50x200xi32, #tpu.memory_space<hbm>> -> memref<50x200xi32, #tpu.memory_space<hbm>>
      tpu.enqueue_dma source(%dma_start3A_260 : memref<50x200xi32, #tpu.memory_space<hbm>>) target(%arg9 : memref<50x200xi32, #tpu.memory_space<vmem>>) target_semaphore(%run_scoped3A_252 : memref<!tpu.dma_semaphore, #tpu.memory_space<semaphore_mem>>)
      %dma_wait3A_261 = arith.constant 0 : i32
      %dma_wait3A_262 = arith.constant 0 : i32
      %dma_wait3A_263 = tpu.memref_slice %arg3[%run_scoped3A_1, %add3A, %dma_wait3A_261, %dma_wait3A_262] : memref<2x32x50x200xi32, #tpu.memory_space<hbm>> -> memref<1x1x50x200xi32, #tpu.memory_space<hbm>>
      %dma_wait3A_264 = tpu.memref_squeeze %dma_wait3A_263 : memref<1x1x50x200xi32, #tpu.memory_space<hbm>> -> memref<50x200xi32, #tpu.memory_space<hbm>>
      %dma_wait3A_265 = arith.constant 0 : i32
      %dma_wait3A_266 = arith.constant 0 : i32
      %dma_wait3A_267 = tpu.memref_slice %arg3[%run_scoped3A_1, %add3A, %dma_wait3A_265, %dma_wait3A_266] : memref<2x32x50x200xi32, #tpu.memory_space<hbm>> -> memref<1x1x50x200xi32, #tpu.memory_space<hbm>>
      %dma_wait3A_268 = tpu.memref_squeeze %dma_wait3A_267 : memref<1x1x50x200xi32, #tpu.memory_space<hbm>> -> memref<50x200xi32, #tpu.memory_space<hbm>>
      tpu.wait_dma2 semaphore(%run_scoped3A_252 : memref<!tpu.dma_semaphore, #tpu.memory_space<semaphore_mem>>) src(%dma_wait3A_268 : memref<50x200xi32, #tpu.memory_space<hbm>>) dst(%arg9 : memref<50x200xi32, #tpu.memory_space<vmem>>)
      tpu.yield
    }) : () -> ()
    %mul3A_2 = arith.constant 640 : i32
    %mul3A_3 = arith.muli %arg1, %mul3A_2 : i32
    "tpu.region"() ({
      %run_scoped3A_252 = tpu.sem_alloc : memref<!tpu.dma_semaphore, #tpu.memory_space<semaphore_mem>>
      %dma_start3A_253 = arith.constant 0 : i32
      %dma_start3A_254 = tpu.memref_slice %arg12[%mul3A_3, %dma_start3A_253] : memref<10240x128xbf16, #tpu.memory_space<vmem_shared>> -> memref<640x128xbf16, #tpu.memory_space<vmem_shared>>
      tpu.enqueue_dma source(%arg4 : memref<640x128xbf16, #tpu.memory_space<hbm>>) target(%dma_start3A_254 : memref<640x128xbf16, #tpu.memory_space<vmem_shared>>) target_semaphore(%run_scoped3A_252 : memref<!tpu.dma_semaphore, #tpu.memory_space<semaphore_mem>>)
      %dma_wait3A_255 = arith.constant 0 : i32
      %dma_wait3A_256 = tpu.memref_slice %arg12[%mul3A_3, %dma_wait3A_255] : memref<10240x128xbf16, #tpu.memory_space<vmem_shared>> -> memref<640x128xbf16, #tpu.memory_space<vmem_shared>>
      tpu.wait_dma2 semaphore(%run_scoped3A_252 : memref<!tpu.dma_semaphore, #tpu.memory_space<semaphore_mem>>) src(%arg4 : memref<640x128xbf16, #tpu.memory_space<hbm>>) dst(%dma_wait3A_256 : memref<640x128xbf16, #tpu.memory_space<vmem_shared>>)
      tpu.yield
    }) : () -> ()
    %barrier3A = arith.constant 0 : index
    tpu.barrier barrier_id(%barrier3A)
    %dma_start3A = arith.constant 0 : i32
    %dma_start3A_4 = arith.constant 0 : i32
    %dma_start3A_5 = arith.constant 0 : i32
    %dma_start3A_6 = arith.constant 0 : i32
    %dma_start3A_7 = tpu.memref_slice %arg10[%dma_start3A_4, %dma_start3A_5, %dma_start3A_6] : memref<3x200x128xbf16, #tpu.memory_space<vmem>> -> memref<1x200x128xbf16, #tpu.memory_space<vmem>>
    %dma_start3A_8 = tpu.memref_squeeze %dma_start3A_7 : memref<1x200x128xbf16, #tpu.memory_space<vmem>> -> memref<200x128xbf16, #tpu.memory_space<vmem>>
    %dma_start3A_9 = arith.constant 0 : i32
    %dma_start3A_10 = tpu.memref_slice %arg8[%dma_start3A, %dma_start3A_9] : memref<50x200xi32, #tpu.memory_space<vmem>> -> memref<1x200xi32, #tpu.memory_space<vmem>>
    %dma_start3A_11 = tpu.memref_squeeze %dma_start3A_10 : memref<1x200xi32, #tpu.memory_space<vmem>> -> memref<200xi32, #tpu.memory_space<vmem>>
    %dma_start3A_12 = arith.constant 0 : i32
    %dma_start3A_13 = arith.constant 0 : i32
    %dma_start3A_14 = tpu.memref_slice %arg2[%dma_start3A_12, %dma_start3A_13] : memref<10240x128xbf16, #tpu.memory_space<hbm>> -> memref<10240x128xbf16, #tpu.memory_space<hbm>>
    tpu.enqueue_indirect_dma source(%dma_start3A_14 : memref<10240x128xbf16, #tpu.memory_space<hbm>>) target(%dma_start3A_8 : memref<200x128xbf16, #tpu.memory_space<vmem>>) offsets(%dma_start3A_11 : memref<200xi32, #tpu.memory_space<vmem>>) semaphore(%arg14 : memref<!tpu.dma_semaphore, #tpu.memory_space<semaphore_mem>>)
    %dma_start3A_15 = arith.constant 1 : i32
    %dma_start3A_16 = arith.constant 1 : i32
    %dma_start3A_17 = arith.constant 0 : i32
    %dma_start3A_18 = arith.constant 0 : i32
    %dma_start3A_19 = tpu.memref_slice %arg10[%dma_start3A_16, %dma_start3A_17, %dma_start3A_18] : memref<3x200x128xbf16, #tpu.memory_space<vmem>> -> memref<1x200x128xbf16, #tpu.memory_space<vmem>>
    %dma_start3A_20 = tpu.memref_squeeze %dma_start3A_19 : memref<1x200x128xbf16, #tpu.memory_space<vmem>> -> memref<200x128xbf16, #tpu.memory_space<vmem>>
    %dma_start3A_21 = arith.constant 0 : i32
    %dma_start3A_22 = tpu.memref_slice %arg8[%dma_start3A_15, %dma_start3A_21] : memref<50x200xi32, #tpu.memory_space<vmem>> -> memref<1x200xi32, #tpu.memory_space<vmem>>
    %dma_start3A_23 = tpu.memref_squeeze %dma_start3A_22 : memref<1x200xi32, #tpu.memory_space<vmem>> -> memref<200xi32, #tpu.memory_space<vmem>>
    %dma_start3A_24 = arith.constant 0 : i32
    %dma_start3A_25 = arith.constant 0 : i32
    %dma_start3A_26 = tpu.memref_slice %arg2[%dma_start3A_24, %dma_start3A_25] : memref<10240x128xbf16, #tpu.memory_space<hbm>> -> memref<10240x128xbf16, #tpu.memory_space<hbm>>
    tpu.enqueue_indirect_dma source(%dma_start3A_26 : memref<10240x128xbf16, #tpu.memory_space<hbm>>) target(%dma_start3A_20 : memref<200x128xbf16, #tpu.memory_space<vmem>>) offsets(%dma_start3A_23 : memref<200xi32, #tpu.memory_space<vmem>>) semaphore(%arg15 : memref<!tpu.dma_semaphore, #tpu.memory_space<semaphore_mem>>)
    %dma_wait3A = arith.constant 0 : i32
    %dma_wait3A_27 = arith.constant 0 : i32
    %dma_wait3A_28 = arith.constant 0 : i32
    %dma_wait3A_29 = arith.constant 0 : i32
    %dma_wait3A_30 = tpu.memref_slice %arg10[%dma_wait3A_27, %dma_wait3A_28, %dma_wait3A_29] : memref<3x200x128xbf16, #tpu.memory_space<vmem>> -> memref<1x200x128xbf16, #tpu.memory_space<vmem>>
    %dma_wait3A_31 = tpu.memref_squeeze %dma_wait3A_30 : memref<1x200x128xbf16, #tpu.memory_space<vmem>> -> memref<200x128xbf16, #tpu.memory_space<vmem>>
    %dma_wait3A_32 = arith.constant 0 : i32
    %dma_wait3A_33 = tpu.memref_slice %arg8[%dma_wait3A, %dma_wait3A_32] : memref<50x200xi32, #tpu.memory_space<vmem>> -> memref<1x200xi32, #tpu.memory_space<vmem>>
    %dma_wait3A_34 = tpu.memref_squeeze %dma_wait3A_33 : memref<1x200xi32, #tpu.memory_space<vmem>> -> memref<200xi32, #tpu.memory_space<vmem>>
    %dma_wait3A_35 = arith.constant 0 : i32
    %dma_wait3A_36 = arith.constant 0 : i32
    %dma_wait3A_37 = tpu.memref_slice %arg2[%dma_wait3A_35, %dma_wait3A_36] : memref<10240x128xbf16, #tpu.memory_space<hbm>> -> memref<10240x128xbf16, #tpu.memory_space<hbm>>
    tpu.wait_indirect_dma semaphore(%arg14 : memref<!tpu.dma_semaphore, #tpu.memory_space<semaphore_mem>>) src(%dma_wait3A_37 : memref<10240x128xbf16, #tpu.memory_space<hbm>>) dst(%dma_wait3A_31 : memref<200x128xbf16, #tpu.memory_space<vmem>>)
    %dma_start3A_38 = arith.constant 0 : i32
    %dma_start3A_39 = arith.constant 0 : i32
    %dma_start3A_40 = arith.constant 0 : i32
    %dma_start3A_41 = arith.constant 0 : i32
    %dma_start3A_42 = tpu.memref_slice %arg10[%dma_start3A_38, %dma_start3A_40, %dma_start3A_41] : memref<3x200x128xbf16, #tpu.memory_space<vmem>> -> memref<1x200x128xbf16, #tpu.memory_space<vmem>>
    %dma_start3A_43 = tpu.memref_squeeze %dma_start3A_42 : memref<1x200x128xbf16, #tpu.memory_space<vmem>> -> memref<200x128xbf16, #tpu.memory_space<vmem>>
    %dma_start3A_44 = arith.constant 0 : i32
    %dma_start3A_45 = tpu.memref_slice %arg9[%dma_start3A_39, %dma_start3A_44] : memref<50x200xi32, #tpu.memory_space<vmem>> -> memref<1x200xi32, #tpu.memory_space<vmem>>
    %dma_start3A_46 = tpu.memref_squeeze %dma_start3A_45 : memref<1x200xi32, #tpu.memory_space<vmem>> -> memref<200xi32, #tpu.memory_space<vmem>>
    %dma_start3A_47 = arith.constant 0 : i32
    %dma_start3A_48 = arith.constant 0 : i32
    %dma_start3A_49 = tpu.memref_slice %arg12[%dma_start3A_47, %dma_start3A_48] : memref<10240x128xbf16, #tpu.memory_space<vmem_shared>> -> memref<10240x128xbf16, #tpu.memory_space<vmem_shared>>
    tpu.enqueue_indirect_dma source(%dma_start3A_43 : memref<200x128xbf16, #tpu.memory_space<vmem>>) target(%dma_start3A_49 : memref<10240x128xbf16, #tpu.memory_space<vmem_shared>>) offsets(%dma_start3A_46 : memref<200xi32, #tpu.memory_space<vmem>>) semaphore(%arg17 : memref<!tpu.dma_semaphore, #tpu.memory_space<semaphore_mem>>) {add = true}
    %dma_start3A_50 = arith.constant 2 : i32
    %dma_start3A_51 = arith.constant 2 : i32
    %dma_start3A_52 = arith.constant 0 : i32
    %dma_start3A_53 = arith.constant 0 : i32
    %dma_start3A_54 = tpu.memref_slice %arg10[%dma_start3A_51, %dma_start3A_52, %dma_start3A_53] : memref<3x200x128xbf16, #tpu.memory_space<vmem>> -> memref<1x200x128xbf16, #tpu.memory_space<vmem>>
    %dma_start3A_55 = tpu.memref_squeeze %dma_start3A_54 : memref<1x200x128xbf16, #tpu.memory_space<vmem>> -> memref<200x128xbf16, #tpu.memory_space<vmem>>
    %dma_start3A_56 = arith.constant 0 : i32
    %dma_start3A_57 = tpu.memref_slice %arg8[%dma_start3A_50, %dma_start3A_56] : memref<50x200xi32, #tpu.memory_space<vmem>> -> memref<1x200xi32, #tpu.memory_space<vmem>>
    %dma_start3A_58 = tpu.memref_squeeze %dma_start3A_57 : memref<1x200xi32, #tpu.memory_space<vmem>> -> memref<200xi32, #tpu.memory_space<vmem>>
    %dma_start3A_59 = arith.constant 0 : i32
    %dma_start3A_60 = arith.constant 0 : i32
    %dma_start3A_61 = tpu.memref_slice %arg2[%dma_start3A_59, %dma_start3A_60] : memref<10240x128xbf16, #tpu.memory_space<hbm>> -> memref<10240x128xbf16, #tpu.memory_space<hbm>>
    tpu.enqueue_indirect_dma source(%dma_start3A_61 : memref<10240x128xbf16, #tpu.memory_space<hbm>>) target(%dma_start3A_55 : memref<200x128xbf16, #tpu.memory_space<vmem>>) offsets(%dma_start3A_58 : memref<200xi32, #tpu.memory_space<vmem>>) semaphore(%arg16 : memref<!tpu.dma_semaphore, #tpu.memory_space<semaphore_mem>>)
    %dma_wait3A_62 = arith.constant 1 : i32
    %dma_wait3A_63 = arith.constant 1 : i32
    %dma_wait3A_64 = arith.constant 0 : i32
    %dma_wait3A_65 = arith.constant 0 : i32
    %dma_wait3A_66 = tpu.memref_slice %arg10[%dma_wait3A_63, %dma_wait3A_64, %dma_wait3A_65] : memref<3x200x128xbf16, #tpu.memory_space<vmem>> -> memref<1x200x128xbf16, #tpu.memory_space<vmem>>
    %dma_wait3A_67 = tpu.memref_squeeze %dma_wait3A_66 : memref<1x200x128xbf16, #tpu.memory_space<vmem>> -> memref<200x128xbf16, #tpu.memory_space<vmem>>
    %dma_wait3A_68 = arith.constant 0 : i32
    %dma_wait3A_69 = tpu.memref_slice %arg8[%dma_wait3A_62, %dma_wait3A_68] : memref<50x200xi32, #tpu.memory_space<vmem>> -> memref<1x200xi32, #tpu.memory_space<vmem>>
    %dma_wait3A_70 = tpu.memref_squeeze %dma_wait3A_69 : memref<1x200xi32, #tpu.memory_space<vmem>> -> memref<200xi32, #tpu.memory_space<vmem>>
    %dma_wait3A_71 = arith.constant 0 : i32
    %dma_wait3A_72 = arith.constant 0 : i32
    %dma_wait3A_73 = tpu.memref_slice %arg2[%dma_wait3A_71, %dma_wait3A_72] : memref<10240x128xbf16, #tpu.memory_space<hbm>> -> memref<10240x128xbf16, #tpu.memory_space<hbm>>
    tpu.wait_indirect_dma semaphore(%arg15 : memref<!tpu.dma_semaphore, #tpu.memory_space<semaphore_mem>>) src(%dma_wait3A_73 : memref<10240x128xbf16, #tpu.memory_space<hbm>>) dst(%dma_wait3A_67 : memref<200x128xbf16, #tpu.memory_space<vmem>>)
    %dma_start3A_74 = arith.constant 1 : i32
    %dma_start3A_75 = arith.constant 1 : i32
    %dma_start3A_76 = arith.constant 0 : i32
    %dma_start3A_77 = arith.constant 0 : i32
    %dma_start3A_78 = tpu.memref_slice %arg10[%dma_start3A_74, %dma_start3A_76, %dma_start3A_77] : memref<3x200x128xbf16, #tpu.memory_space<vmem>> -> memref<1x200x128xbf16, #tpu.memory_space<vmem>>
    %dma_start3A_79 = tpu.memref_squeeze %dma_start3A_78 : memref<1x200x128xbf16, #tpu.memory_space<vmem>> -> memref<200x128xbf16, #tpu.memory_space<vmem>>
    %dma_start3A_80 = arith.constant 0 : i32
    %dma_start3A_81 = tpu.memref_slice %arg9[%dma_start3A_75, %dma_start3A_80] : memref<50x200xi32, #tpu.memory_space<vmem>> -> memref<1x200xi32, #tpu.memory_space<vmem>>
    %dma_start3A_82 = tpu.memref_squeeze %dma_start3A_81 : memref<1x200xi32, #tpu.memory_space<vmem>> -> memref<200xi32, #tpu.memory_space<vmem>>
    %dma_start3A_83 = arith.constant 0 : i32
    %dma_start3A_84 = arith.constant 0 : i32
    %dma_start3A_85 = tpu.memref_slice %arg12[%dma_start3A_83, %dma_start3A_84] : memref<10240x128xbf16, #tpu.memory_space<vmem_shared>> -> memref<10240x128xbf16, #tpu.memory_space<vmem_shared>>
    tpu.enqueue_indirect_dma source(%dma_start3A_79 : memref<200x128xbf16, #tpu.memory_space<vmem>>) target(%dma_start3A_85 : memref<10240x128xbf16, #tpu.memory_space<vmem_shared>>) offsets(%dma_start3A_82 : memref<200xi32, #tpu.memory_space<vmem>>) semaphore(%arg18 : memref<!tpu.dma_semaphore, #tpu.memory_space<semaphore_mem>>) {add = true}
    %dma_wait3A_86 = arith.constant 0 : i32
    %dma_wait3A_87 = arith.constant 0 : i32
    %dma_wait3A_88 = arith.constant 0 : i32
    %dma_wait3A_89 = arith.constant 0 : i32
    %dma_wait3A_90 = tpu.memref_slice %arg10[%dma_wait3A_86, %dma_wait3A_88, %dma_wait3A_89] : memref<3x200x128xbf16, #tpu.memory_space<vmem>> -> memref<1x200x128xbf16, #tpu.memory_space<vmem>>
    %dma_wait3A_91 = tpu.memref_squeeze %dma_wait3A_90 : memref<1x200x128xbf16, #tpu.memory_space<vmem>> -> memref<200x128xbf16, #tpu.memory_space<vmem>>
    %dma_wait3A_92 = arith.constant 0 : i32
    %dma_wait3A_93 = tpu.memref_slice %arg9[%dma_wait3A_87, %dma_wait3A_92] : memref<50x200xi32, #tpu.memory_space<vmem>> -> memref<1x200xi32, #tpu.memory_space<vmem>>
    %dma_wait3A_94 = tpu.memref_squeeze %dma_wait3A_93 : memref<1x200xi32, #tpu.memory_space<vmem>> -> memref<200xi32, #tpu.memory_space<vmem>>
    %dma_wait3A_95 = arith.constant 0 : i32
    %dma_wait3A_96 = arith.constant 0 : i32
    %dma_wait3A_97 = tpu.memref_slice %arg12[%dma_wait3A_95, %dma_wait3A_96] : memref<10240x128xbf16, #tpu.memory_space<vmem_shared>> -> memref<10240x128xbf16, #tpu.memory_space<vmem_shared>>
    tpu.wait_indirect_dma semaphore(%arg17 : memref<!tpu.dma_semaphore, #tpu.memory_space<semaphore_mem>>) src(%dma_wait3A_91 : memref<200x128xbf16, #tpu.memory_space<vmem>>) dst(%dma_wait3A_97 : memref<10240x128xbf16, #tpu.memory_space<vmem_shared>>)
    %dma_start3A_98 = arith.constant 3 : i32
    %dma_start3A_99 = arith.constant 0 : i32
    %dma_start3A_100 = arith.constant 0 : i32
    %dma_start3A_101 = arith.constant 0 : i32
    %dma_start3A_102 = tpu.memref_slice %arg10[%dma_start3A_99, %dma_start3A_100, %dma_start3A_101] : memref<3x200x128xbf16, #tpu.memory_space<vmem>> -> memref<1x200x128xbf16, #tpu.memory_space<vmem>>
    %dma_start3A_103 = tpu.memref_squeeze %dma_start3A_102 : memref<1x200x128xbf16, #tpu.memory_space<vmem>> -> memref<200x128xbf16, #tpu.memory_space<vmem>>
    %dma_start3A_104 = arith.constant 0 : i32
    %dma_start3A_105 = tpu.memref_slice %arg8[%dma_start3A_98, %dma_start3A_104] : memref<50x200xi32, #tpu.memory_space<vmem>> -> memref<1x200xi32, #tpu.memory_space<vmem>>
    %dma_start3A_106 = tpu.memref_squeeze %dma_start3A_105 : memref<1x200xi32, #tpu.memory_space<vmem>> -> memref<200xi32, #tpu.memory_space<vmem>>
    %dma_start3A_107 = arith.constant 0 : i32
    %dma_start3A_108 = arith.constant 0 : i32
    %dma_start3A_109 = tpu.memref_slice %arg2[%dma_start3A_107, %dma_start3A_108] : memref<10240x128xbf16, #tpu.memory_space<hbm>> -> memref<10240x128xbf16, #tpu.memory_space<hbm>>
    tpu.enqueue_indirect_dma source(%dma_start3A_109 : memref<10240x128xbf16, #tpu.memory_space<hbm>>) target(%dma_start3A_103 : memref<200x128xbf16, #tpu.memory_space<vmem>>) offsets(%dma_start3A_106 : memref<200xi32, #tpu.memory_space<vmem>>) semaphore(%arg14 : memref<!tpu.dma_semaphore, #tpu.memory_space<semaphore_mem>>)
    %scan3A = arith.constant 0 : i32
    %scan3A_110 = arith.constant 0 : i32
    %scan3A_111 = arith.constant 15 : i32
    %scan3A_112 = arith.addi %scan3A_110, %scan3A_111 : i32
    %scan3A_113 = arith.constant 1 : i32
    scf.for %scan3A_252 = %scan3A_110 to %scan3A_112 step %scan3A_113  : i32 {
      %mul3A_253 = arith.constant 3 : i32
      %mul3A_254 = arith.muli %scan3A_252, %mul3A_253 : i32
      %add3A_255 = arith.constant 2 : i32
      %add3A_256 = arith.addi %add3A_255, %mul3A_254 : i32
      %add3A_257 = arith.constant 0 : i32
      %add3A_258 = arith.addi %add3A_256, %add3A_257 : i32
      %dma_wait3A_259 = arith.constant 2 : i32
      %dma_wait3A_260 = arith.constant 0 : i32
      %dma_wait3A_261 = arith.constant 0 : i32
      %dma_wait3A_262 = tpu.memref_slice %arg10[%dma_wait3A_259, %dma_wait3A_260, %dma_wait3A_261] : memref<3x200x128xbf16, #tpu.memory_space<vmem>> -> memref<1x200x128xbf16, #tpu.memory_space<vmem>>
      %dma_wait3A_263 = tpu.memref_squeeze %dma_wait3A_262 : memref<1x200x128xbf16, #tpu.memory_space<vmem>> -> memref<200x128xbf16, #tpu.memory_space<vmem>>
      %dma_wait3A_264 = arith.constant 0 : i32
      %dma_wait3A_265 = tpu.memref_slice %arg8[%add3A_258, %dma_wait3A_264] : memref<50x200xi32, #tpu.memory_space<vmem>> -> memref<1x200xi32, #tpu.memory_space<vmem>>
      %dma_wait3A_266 = tpu.memref_squeeze %dma_wait3A_265 : memref<1x200xi32, #tpu.memory_space<vmem>> -> memref<200xi32, #tpu.memory_space<vmem>>
      %dma_wait3A_267 = arith.constant 0 : i32
      %dma_wait3A_268 = arith.constant 0 : i32
      %dma_wait3A_269 = tpu.memref_slice %arg2[%dma_wait3A_267, %dma_wait3A_268] : memref<10240x128xbf16, #tpu.memory_space<hbm>> -> memref<10240x128xbf16, #tpu.memory_space<hbm>>
      tpu.wait_indirect_dma semaphore(%arg16 : memref<!tpu.dma_semaphore, #tpu.memory_space<semaphore_mem>>) src(%dma_wait3A_269 : memref<10240x128xbf16, #tpu.memory_space<hbm>>) dst(%dma_wait3A_263 : memref<200x128xbf16, #tpu.memory_space<vmem>>)
      %dma_start3A_270 = arith.constant 2 : i32
      %dma_start3A_271 = arith.constant 0 : i32
      %dma_start3A_272 = arith.constant 0 : i32
      %dma_start3A_273 = tpu.memref_slice %arg10[%dma_start3A_270, %dma_start3A_271, %dma_start3A_272] : memref<3x200x128xbf16, #tpu.memory_space<vmem>> -> memref<1x200x128xbf16, #tpu.memory_space<vmem>>
      %dma_start3A_274 = tpu.memref_squeeze %dma_start3A_273 : memref<1x200x128xbf16, #tpu.memory_space<vmem>> -> memref<200x128xbf16, #tpu.memory_space<vmem>>
      %dma_start3A_275 = arith.constant 0 : i32
      %dma_start3A_276 = tpu.memref_slice %arg9[%add3A_258, %dma_start3A_275] : memref<50x200xi32, #tpu.memory_space<vmem>> -> memref<1x200xi32, #tpu.memory_space<vmem>>
      %dma_start3A_277 = tpu.memref_squeeze %dma_start3A_276 : memref<1x200xi32, #tpu.memory_space<vmem>> -> memref<200xi32, #tpu.memory_space<vmem>>
      %dma_start3A_278 = arith.constant 0 : i32
      %dma_start3A_279 = arith.constant 0 : i32
      %dma_start3A_280 = tpu.memref_slice %arg12[%dma_start3A_278, %dma_start3A_279] : memref<10240x128xbf16, #tpu.memory_space<vmem_shared>> -> memref<10240x128xbf16, #tpu.memory_space<vmem_shared>>
      tpu.enqueue_indirect_dma source(%dma_start3A_274 : memref<200x128xbf16, #tpu.memory_space<vmem>>) target(%dma_start3A_280 : memref<10240x128xbf16, #tpu.memory_space<vmem_shared>>) offsets(%dma_start3A_277 : memref<200xi32, #tpu.memory_space<vmem>>) semaphore(%arg19 : memref<!tpu.dma_semaphore, #tpu.memory_space<semaphore_mem>>) {add = true}
      %sub3A = arith.constant 1 : i32
      %sub3A_281 = arith.subi %add3A_258, %sub3A : i32
      %dma_wait3A_282 = arith.constant 1 : i32
      %dma_wait3A_283 = arith.constant 0 : i32
      %dma_wait3A_284 = arith.constant 0 : i32
      %dma_wait3A_285 = tpu.memref_slice %arg10[%dma_wait3A_282, %dma_wait3A_283, %dma_wait3A_284] : memref<3x200x128xbf16, #tpu.memory_space<vmem>> -> memref<1x200x128xbf16, #tpu.memory_space<vmem>>
      %dma_wait3A_286 = tpu.memref_squeeze %dma_wait3A_285 : memref<1x200x128xbf16, #tpu.memory_space<vmem>> -> memref<200x128xbf16, #tpu.memory_space<vmem>>
      %dma_wait3A_287 = arith.constant 0 : i32
      %dma_wait3A_288 = tpu.memref_slice %arg9[%sub3A_281, %dma_wait3A_287] : memref<50x200xi32, #tpu.memory_space<vmem>> -> memref<1x200xi32, #tpu.memory_space<vmem>>
      %dma_wait3A_289 = tpu.memref_squeeze %dma_wait3A_288 : memref<1x200xi32, #tpu.memory_space<vmem>> -> memref<200xi32, #tpu.memory_space<vmem>>
      %dma_wait3A_290 = arith.constant 0 : i32
      %dma_wait3A_291 = arith.constant 0 : i32
      %dma_wait3A_292 = tpu.memref_slice %arg12[%dma_wait3A_290, %dma_wait3A_291] : memref<10240x128xbf16, #tpu.memory_space<vmem_shared>> -> memref<10240x128xbf16, #tpu.memory_space<vmem_shared>>
      tpu.wait_indirect_dma semaphore(%arg18 : memref<!tpu.dma_semaphore, #tpu.memory_space<semaphore_mem>>) src(%dma_wait3A_286 : memref<200x128xbf16, #tpu.memory_space<vmem>>) dst(%dma_wait3A_292 : memref<10240x128xbf16, #tpu.memory_space<vmem_shared>>)
      %add3A_293 = arith.constant 2 : i32
      %add3A_294 = arith.addi %add3A_258, %add3A_293 : i32
      %dma_start3A_295 = arith.constant 1 : i32
      %dma_start3A_296 = arith.constant 0 : i32
      %dma_start3A_297 = arith.constant 0 : i32
      %dma_start3A_298 = tpu.memref_slice %arg10[%dma_start3A_295, %dma_start3A_296, %dma_start3A_297] : memref<3x200x128xbf16, #tpu.memory_space<vmem>> -> memref<1x200x128xbf16, #tpu.memory_space<vmem>>
      %dma_start3A_299 = tpu.memref_squeeze %dma_start3A_298 : memref<1x200x128xbf16, #tpu.memory_space<vmem>> -> memref<200x128xbf16, #tpu.memory_space<vmem>>
      %dma_start3A_300 = arith.constant 0 : i32
      %dma_start3A_301 = tpu.memref_slice %arg8[%add3A_294, %dma_start3A_300] : memref<50x200xi32, #tpu.memory_space<vmem>> -> memref<1x200xi32, #tpu.memory_space<vmem>>
      %dma_start3A_302 = tpu.memref_squeeze %dma_start3A_301 : memref<1x200xi32, #tpu.memory_space<vmem>> -> memref<200xi32, #tpu.memory_space<vmem>>
      %dma_start3A_303 = arith.constant 0 : i32
      %dma_start3A_304 = arith.constant 0 : i32
      %dma_start3A_305 = tpu.memref_slice %arg2[%dma_start3A_303, %dma_start3A_304] : memref<10240x128xbf16, #tpu.memory_space<hbm>> -> memref<10240x128xbf16, #tpu.memory_space<hbm>>
      tpu.enqueue_indirect_dma source(%dma_start3A_305 : memref<10240x128xbf16, #tpu.memory_space<hbm>>) target(%dma_start3A_299 : memref<200x128xbf16, #tpu.memory_space<vmem>>) offsets(%dma_start3A_302 : memref<200xi32, #tpu.memory_space<vmem>>) semaphore(%arg15 : memref<!tpu.dma_semaphore, #tpu.memory_space<semaphore_mem>>)
      %add3A_306 = arith.constant 1 : i32
      %add3A_307 = arith.addi %add3A_256, %add3A_306 : i32
      %dma_wait3A_308 = arith.constant 0 : i32
      %dma_wait3A_309 = arith.constant 0 : i32
      %dma_wait3A_310 = arith.constant 0 : i32
      %dma_wait3A_311 = tpu.memref_slice %arg10[%dma_wait3A_308, %dma_wait3A_309, %dma_wait3A_310] : memref<3x200x128xbf16, #tpu.memory_space<vmem>> -> memref<1x200x128xbf16, #tpu.memory_space<vmem>>
      %dma_wait3A_312 = tpu.memref_squeeze %dma_wait3A_311 : memref<1x200x128xbf16, #tpu.memory_space<vmem>> -> memref<200x128xbf16, #tpu.memory_space<vmem>>
      %dma_wait3A_313 = arith.constant 0 : i32
      %dma_wait3A_314 = tpu.memref_slice %arg8[%add3A_307, %dma_wait3A_313] : memref<50x200xi32, #tpu.memory_space<vmem>> -> memref<1x200xi32, #tpu.memory_space<vmem>>
      %dma_wait3A_315 = tpu.memref_squeeze %dma_wait3A_314 : memref<1x200xi32, #tpu.memory_space<vmem>> -> memref<200xi32, #tpu.memory_space<vmem>>
      %dma_wait3A_316 = arith.constant 0 : i32
      %dma_wait3A_317 = arith.constant 0 : i32
      %dma_wait3A_318 = tpu.memref_slice %arg2[%dma_wait3A_316, %dma_wait3A_317] : memref<10240x128xbf16, #tpu.memory_space<hbm>> -> memref<10240x128xbf16, #tpu.memory_space<hbm>>
      tpu.wait_indirect_dma semaphore(%arg14 : memref<!tpu.dma_semaphore, #tpu.memory_space<semaphore_mem>>) src(%dma_wait3A_318 : memref<10240x128xbf16, #tpu.memory_space<hbm>>) dst(%dma_wait3A_312 : memref<200x128xbf16, #tpu.memory_space<vmem>>)
      %dma_start3A_319 = arith.constant 0 : i32
      %dma_start3A_320 = arith.constant 0 : i32
      %dma_start3A_321 = arith.constant 0 : i32
      %dma_start3A_322 = tpu.memref_slice %arg10[%dma_start3A_319, %dma_start3A_320, %dma_start3A_321] : memref<3x200x128xbf16, #tpu.memory_space<vmem>> -> memref<1x200x128xbf16, #tpu.memory_space<vmem>>
      %dma_start3A_323 = tpu.memref_squeeze %dma_start3A_322 : memref<1x200x128xbf16, #tpu.memory_space<vmem>> -> memref<200x128xbf16, #tpu.memory_space<vmem>>
      %dma_start3A_324 = arith.constant 0 : i32
      %dma_start3A_325 = tpu.memref_slice %arg9[%add3A_307, %dma_start3A_324] : memref<50x200xi32, #tpu.memory_space<vmem>> -> memref<1x200xi32, #tpu.memory_space<vmem>>
      %dma_start3A_326 = tpu.memref_squeeze %dma_start3A_325 : memref<1x200xi32, #tpu.memory_space<vmem>> -> memref<200xi32, #tpu.memory_space<vmem>>
      %dma_start3A_327 = arith.constant 0 : i32
      %dma_start3A_328 = arith.constant 0 : i32
      %dma_start3A_329 = tpu.memref_slice %arg12[%dma_start3A_327, %dma_start3A_328] : memref<10240x128xbf16, #tpu.memory_space<vmem_shared>> -> memref<10240x128xbf16, #tpu.memory_space<vmem_shared>>
      tpu.enqueue_indirect_dma source(%dma_start3A_323 : memref<200x128xbf16, #tpu.memory_space<vmem>>) target(%dma_start3A_329 : memref<10240x128xbf16, #tpu.memory_space<vmem_shared>>) offsets(%dma_start3A_326 : memref<200xi32, #tpu.memory_space<vmem>>) semaphore(%arg17 : memref<!tpu.dma_semaphore, #tpu.memory_space<semaphore_mem>>) {add = true}
      %sub3A_330 = arith.constant 1 : i32
      %sub3A_331 = arith.subi %add3A_307, %sub3A_330 : i32
      %dma_wait3A_332 = arith.constant 2 : i32
      %dma_wait3A_333 = arith.constant 0 : i32
      %dma_wait3A_334 = arith.constant 0 : i32
      %dma_wait3A_335 = tpu.memref_slice %arg10[%dma_wait3A_332, %dma_wait3A_333, %dma_wait3A_334] : memref<3x200x128xbf16, #tpu.memory_space<vmem>> -> memref<1x200x128xbf16, #tpu.memory_space<vmem>>
      %dma_wait3A_336 = tpu.memref_squeeze %dma_wait3A_335 : memref<1x200x128xbf16, #tpu.memory_space<vmem>> -> memref<200x128xbf16, #tpu.memory_space<vmem>>
      %dma_wait3A_337 = arith.constant 0 : i32
      %dma_wait3A_338 = tpu.memref_slice %arg9[%sub3A_331, %dma_wait3A_337] : memref<50x200xi32, #tpu.memory_space<vmem>> -> memref<1x200xi32, #tpu.memory_space<vmem>>
      %dma_wait3A_339 = tpu.memref_squeeze %dma_wait3A_338 : memref<1x200xi32, #tpu.memory_space<vmem>> -> memref<200xi32, #tpu.memory_space<vmem>>
      %dma_wait3A_340 = arith.constant 0 : i32
      %dma_wait3A_341 = arith.constant 0 : i32
      %dma_wait3A_342 = tpu.memref_slice %arg12[%dma_wait3A_340, %dma_wait3A_341] : memref<10240x128xbf16, #tpu.memory_space<vmem_shared>> -> memref<10240x128xbf16, #tpu.memory_space<vmem_shared>>
      tpu.wait_indirect_dma semaphore(%arg19 : memref<!tpu.dma_semaphore, #tpu.memory_space<semaphore_mem>>) src(%dma_wait3A_336 : memref<200x128xbf16, #tpu.memory_space<vmem>>) dst(%dma_wait3A_342 : memref<10240x128xbf16, #tpu.memory_space<vmem_shared>>)
      %add3A_343 = arith.constant 2 : i32
      %add3A_344 = arith.addi %add3A_307, %add3A_343 : i32
      %dma_start3A_345 = arith.constant 2 : i32
      %dma_start3A_346 = arith.constant 0 : i32
      %dma_start3A_347 = arith.constant 0 : i32
      %dma_start3A_348 = tpu.memref_slice %arg10[%dma_start3A_345, %dma_start3A_346, %dma_start3A_347] : memref<3x200x128xbf16, #tpu.memory_space<vmem>> -> memref<1x200x128xbf16, #tpu.memory_space<vmem>>
      %dma_start3A_349 = tpu.memref_squeeze %dma_start3A_348 : memref<1x200x128xbf16, #tpu.memory_space<vmem>> -> memref<200x128xbf16, #tpu.memory_space<vmem>>
      %dma_start3A_350 = arith.constant 0 : i32
      %dma_start3A_351 = tpu.memref_slice %arg8[%add3A_344, %dma_start3A_350] : memref<50x200xi32, #tpu.memory_space<vmem>> -> memref<1x200xi32, #tpu.memory_space<vmem>>
      %dma_start3A_352 = tpu.memref_squeeze %dma_start3A_351 : memref<1x200xi32, #tpu.memory_space<vmem>> -> memref<200xi32, #tpu.memory_space<vmem>>
      %dma_start3A_353 = arith.constant 0 : i32
      %dma_start3A_354 = arith.constant 0 : i32
      %dma_start3A_355 = tpu.memref_slice %arg2[%dma_start3A_353, %dma_start3A_354] : memref<10240x128xbf16, #tpu.memory_space<hbm>> -> memref<10240x128xbf16, #tpu.memory_space<hbm>>
      tpu.enqueue_indirect_dma source(%dma_start3A_355 : memref<10240x128xbf16, #tpu.memory_space<hbm>>) target(%dma_start3A_349 : memref<200x128xbf16, #tpu.memory_space<vmem>>) offsets(%dma_start3A_352 : memref<200xi32, #tpu.memory_space<vmem>>) semaphore(%arg16 : memref<!tpu.dma_semaphore, #tpu.memory_space<semaphore_mem>>)
      %add3A_356 = arith.constant 2 : i32
      %add3A_357 = arith.addi %add3A_256, %add3A_356 : i32
      %dma_wait3A_358 = arith.constant 1 : i32
      %dma_wait3A_359 = arith.constant 0 : i32
      %dma_wait3A_360 = arith.constant 0 : i32
      %dma_wait3A_361 = tpu.memref_slice %arg10[%dma_wait3A_358, %dma_wait3A_359, %dma_wait3A_360] : memref<3x200x128xbf16, #tpu.memory_space<vmem>> -> memref<1x200x128xbf16, #tpu.memory_space<vmem>>
      %dma_wait3A_362 = tpu.memref_squeeze %dma_wait3A_361 : memref<1x200x128xbf16, #tpu.memory_space<vmem>> -> memref<200x128xbf16, #tpu.memory_space<vmem>>
      %dma_wait3A_363 = arith.constant 0 : i32
      %dma_wait3A_364 = tpu.memref_slice %arg8[%add3A_357, %dma_wait3A_363] : memref<50x200xi32, #tpu.memory_space<vmem>> -> memref<1x200xi32, #tpu.memory_space<vmem>>
      %dma_wait3A_365 = tpu.memref_squeeze %dma_wait3A_364 : memref<1x200xi32, #tpu.memory_space<vmem>> -> memref<200xi32, #tpu.memory_space<vmem>>
      %dma_wait3A_366 = arith.constant 0 : i32
      %dma_wait3A_367 = arith.constant 0 : i32
      %dma_wait3A_368 = tpu.memref_slice %arg2[%dma_wait3A_366, %dma_wait3A_367] : memref<10240x128xbf16, #tpu.memory_space<hbm>> -> memref<10240x128xbf16, #tpu.memory_space<hbm>>
      tpu.wait_indirect_dma semaphore(%arg15 : memref<!tpu.dma_semaphore, #tpu.memory_space<semaphore_mem>>) src(%dma_wait3A_368 : memref<10240x128xbf16, #tpu.memory_space<hbm>>) dst(%dma_wait3A_362 : memref<200x128xbf16, #tpu.memory_space<vmem>>)
      %dma_start3A_369 = arith.constant 1 : i32
      %dma_start3A_370 = arith.constant 0 : i32
      %dma_start3A_371 = arith.constant 0 : i32
      %dma_start3A_372 = tpu.memref_slice %arg10[%dma_start3A_369, %dma_start3A_370, %dma_start3A_371] : memref<3x200x128xbf16, #tpu.memory_space<vmem>> -> memref<1x200x128xbf16, #tpu.memory_space<vmem>>
      %dma_start3A_373 = tpu.memref_squeeze %dma_start3A_372 : memref<1x200x128xbf16, #tpu.memory_space<vmem>> -> memref<200x128xbf16, #tpu.memory_space<vmem>>
      %dma_start3A_374 = arith.constant 0 : i32
      %dma_start3A_375 = tpu.memref_slice %arg9[%add3A_357, %dma_start3A_374] : memref<50x200xi32, #tpu.memory_space<vmem>> -> memref<1x200xi32, #tpu.memory_space<vmem>>
      %dma_start3A_376 = tpu.memref_squeeze %dma_start3A_375 : memref<1x200xi32, #tpu.memory_space<vmem>> -> memref<200xi32, #tpu.memory_space<vmem>>
      %dma_start3A_377 = arith.constant 0 : i32
      %dma_start3A_378 = arith.constant 0 : i32
      %dma_start3A_379 = tpu.memref_slice %arg12[%dma_start3A_377, %dma_start3A_378] : memref<10240x128xbf16, #tpu.memory_space<vmem_shared>> -> memref<10240x128xbf16, #tpu.memory_space<vmem_shared>>
      tpu.enqueue_indirect_dma source(%dma_start3A_373 : memref<200x128xbf16, #tpu.memory_space<vmem>>) target(%dma_start3A_379 : memref<10240x128xbf16, #tpu.memory_space<vmem_shared>>) offsets(%dma_start3A_376 : memref<200xi32, #tpu.memory_space<vmem>>) semaphore(%arg18 : memref<!tpu.dma_semaphore, #tpu.memory_space<semaphore_mem>>) {add = true}
      %sub3A_380 = arith.constant 1 : i32
      %sub3A_381 = arith.subi %add3A_357, %sub3A_380 : i32
      %dma_wait3A_382 = arith.constant 0 : i32
      %dma_wait3A_383 = arith.constant 0 : i32
      %dma_wait3A_384 = arith.constant 0 : i32
      %dma_wait3A_385 = tpu.memref_slice %arg10[%dma_wait3A_382, %dma_wait3A_383, %dma_wait3A_384] : memref<3x200x128xbf16, #tpu.memory_space<vmem>> -> memref<1x200x128xbf16, #tpu.memory_space<vmem>>
      %dma_wait3A_386 = tpu.memref_squeeze %dma_wait3A_385 : memref<1x200x128xbf16, #tpu.memory_space<vmem>> -> memref<200x128xbf16, #tpu.memory_space<vmem>>
      %dma_wait3A_387 = arith.constant 0 : i32
      %dma_wait3A_388 = tpu.memref_slice %arg9[%sub3A_381, %dma_wait3A_387] : memref<50x200xi32, #tpu.memory_space<vmem>> -> memref<1x200xi32, #tpu.memory_space<vmem>>
      %dma_wait3A_389 = tpu.memref_squeeze %dma_wait3A_388 : memref<1x200xi32, #tpu.memory_space<vmem>> -> memref<200xi32, #tpu.memory_space<vmem>>
      %dma_wait3A_390 = arith.constant 0 : i32
      %dma_wait3A_391 = arith.constant 0 : i32
      %dma_wait3A_392 = tpu.memref_slice %arg12[%dma_wait3A_390, %dma_wait3A_391] : memref<10240x128xbf16, #tpu.memory_space<vmem_shared>> -> memref<10240x128xbf16, #tpu.memory_space<vmem_shared>>
      tpu.wait_indirect_dma semaphore(%arg17 : memref<!tpu.dma_semaphore, #tpu.memory_space<semaphore_mem>>) src(%dma_wait3A_386 : memref<200x128xbf16, #tpu.memory_space<vmem>>) dst(%dma_wait3A_392 : memref<10240x128xbf16, #tpu.memory_space<vmem_shared>>)
      %add3A_393 = arith.constant 2 : i32
      %add3A_394 = arith.addi %add3A_357, %add3A_393 : i32
      %dma_start3A_395 = arith.constant 0 : i32
      %dma_start3A_396 = arith.constant 0 : i32
      %dma_start3A_397 = arith.constant 0 : i32
      %dma_start3A_398 = tpu.memref_slice %arg10[%dma_start3A_395, %dma_start3A_396, %dma_start3A_397] : memref<3x200x128xbf16, #tpu.memory_space<vmem>> -> memref<1x200x128xbf16, #tpu.memory_space<vmem>>
      %dma_start3A_399 = tpu.memref_squeeze %dma_start3A_398 : memref<1x200x128xbf16, #tpu.memory_space<vmem>> -> memref<200x128xbf16, #tpu.memory_space<vmem>>
      %dma_start3A_400 = arith.constant 0 : i32
      %dma_start3A_401 = tpu.memref_slice %arg8[%add3A_394, %dma_start3A_400] : memref<50x200xi32, #tpu.memory_space<vmem>> -> memref<1x200xi32, #tpu.memory_space<vmem>>
      %dma_start3A_402 = tpu.memref_squeeze %dma_start3A_401 : memref<1x200xi32, #tpu.memory_space<vmem>> -> memref<200xi32, #tpu.memory_space<vmem>>
      %dma_start3A_403 = arith.constant 0 : i32
      %dma_start3A_404 = arith.constant 0 : i32
      %dma_start3A_405 = tpu.memref_slice %arg2[%dma_start3A_403, %dma_start3A_404] : memref<10240x128xbf16, #tpu.memory_space<hbm>> -> memref<10240x128xbf16, #tpu.memory_space<hbm>>
      tpu.enqueue_indirect_dma source(%dma_start3A_405 : memref<10240x128xbf16, #tpu.memory_space<hbm>>) target(%dma_start3A_399 : memref<200x128xbf16, #tpu.memory_space<vmem>>) offsets(%dma_start3A_402 : memref<200xi32, #tpu.memory_space<vmem>>) semaphore(%arg14 : memref<!tpu.dma_semaphore, #tpu.memory_space<semaphore_mem>>)
    }
    %scan3A_114 = arith.constant 15 : i32
    %dma_wait3A_115 = arith.constant 47 : i32
    %dma_wait3A_116 = arith.constant 2 : i32
    %dma_wait3A_117 = arith.constant 0 : i32
    %dma_wait3A_118 = arith.constant 0 : i32
    %dma_wait3A_119 = tpu.memref_slice %arg10[%dma_wait3A_116, %dma_wait3A_117, %dma_wait3A_118] : memref<3x200x128xbf16, #tpu.memory_space<vmem>> -> memref<1x200x128xbf16, #tpu.memory_space<vmem>>
    %dma_wait3A_120 = tpu.memref_squeeze %dma_wait3A_119 : memref<1x200x128xbf16, #tpu.memory_space<vmem>> -> memref<200x128xbf16, #tpu.memory_space<vmem>>
    %dma_wait3A_121 = arith.constant 0 : i32
    %dma_wait3A_122 = tpu.memref_slice %arg8[%dma_wait3A_115, %dma_wait3A_121] : memref<50x200xi32, #tpu.memory_space<vmem>> -> memref<1x200xi32, #tpu.memory_space<vmem>>
    %dma_wait3A_123 = tpu.memref_squeeze %dma_wait3A_122 : memref<1x200xi32, #tpu.memory_space<vmem>> -> memref<200xi32, #tpu.memory_space<vmem>>
    %dma_wait3A_124 = arith.constant 0 : i32
    %dma_wait3A_125 = arith.constant 0 : i32
    %dma_wait3A_126 = tpu.memref_slice %arg2[%dma_wait3A_124, %dma_wait3A_125] : memref<10240x128xbf16, #tpu.memory_space<hbm>> -> memref<10240x128xbf16, #tpu.memory_space<hbm>>
    tpu.wait_indirect_dma semaphore(%arg16 : memref<!tpu.dma_semaphore, #tpu.memory_space<semaphore_mem>>) src(%dma_wait3A_126 : memref<10240x128xbf16, #tpu.memory_space<hbm>>) dst(%dma_wait3A_120 : memref<200x128xbf16, #tpu.memory_space<vmem>>)
    %dma_start3A_127 = arith.constant 2 : i32
    %dma_start3A_128 = arith.constant 47 : i32
    %dma_start3A_129 = arith.constant 0 : i32
    %dma_start3A_130 = arith.constant 0 : i32
    %dma_start3A_131 = tpu.memref_slice %arg10[%dma_start3A_127, %dma_start3A_129, %dma_start3A_130] : memref<3x200x128xbf16, #tpu.memory_space<vmem>> -> memref<1x200x128xbf16, #tpu.memory_space<vmem>>
    %dma_start3A_132 = tpu.memref_squeeze %dma_start3A_131 : memref<1x200x128xbf16, #tpu.memory_space<vmem>> -> memref<200x128xbf16, #tpu.memory_space<vmem>>
    %dma_start3A_133 = arith.constant 0 : i32
    %dma_start3A_134 = tpu.memref_slice %arg9[%dma_start3A_128, %dma_start3A_133] : memref<50x200xi32, #tpu.memory_space<vmem>> -> memref<1x200xi32, #tpu.memory_space<vmem>>
    %dma_start3A_135 = tpu.memref_squeeze %dma_start3A_134 : memref<1x200xi32, #tpu.memory_space<vmem>> -> memref<200xi32, #tpu.memory_space<vmem>>
    %dma_start3A_136 = arith.constant 0 : i32
    %dma_start3A_137 = arith.constant 0 : i32
    %dma_start3A_138 = tpu.memref_slice %arg12[%dma_start3A_136, %dma_start3A_137] : memref<10240x128xbf16, #tpu.memory_space<vmem_shared>> -> memref<10240x128xbf16, #tpu.memory_space<vmem_shared>>
    tpu.enqueue_indirect_dma source(%dma_start3A_132 : memref<200x128xbf16, #tpu.memory_space<vmem>>) target(%dma_start3A_138 : memref<10240x128xbf16, #tpu.memory_space<vmem_shared>>) offsets(%dma_start3A_135 : memref<200xi32, #tpu.memory_space<vmem>>) semaphore(%arg19 : memref<!tpu.dma_semaphore, #tpu.memory_space<semaphore_mem>>) {add = true}
    %dma_wait3A_139 = arith.constant 1 : i32
    %dma_wait3A_140 = arith.constant 46 : i32
    %dma_wait3A_141 = arith.constant 0 : i32
    %dma_wait3A_142 = arith.constant 0 : i32
    %dma_wait3A_143 = tpu.memref_slice %arg10[%dma_wait3A_139, %dma_wait3A_141, %dma_wait3A_142] : memref<3x200x128xbf16, #tpu.memory_space<vmem>> -> memref<1x200x128xbf16, #tpu.memory_space<vmem>>
    %dma_wait3A_144 = tpu.memref_squeeze %dma_wait3A_143 : memref<1x200x128xbf16, #tpu.memory_space<vmem>> -> memref<200x128xbf16, #tpu.memory_space<vmem>>
    %dma_wait3A_145 = arith.constant 0 : i32
    %dma_wait3A_146 = tpu.memref_slice %arg9[%dma_wait3A_140, %dma_wait3A_145] : memref<50x200xi32, #tpu.memory_space<vmem>> -> memref<1x200xi32, #tpu.memory_space<vmem>>
    %dma_wait3A_147 = tpu.memref_squeeze %dma_wait3A_146 : memref<1x200xi32, #tpu.memory_space<vmem>> -> memref<200xi32, #tpu.memory_space<vmem>>
    %dma_wait3A_148 = arith.constant 0 : i32
    %dma_wait3A_149 = arith.constant 0 : i32
    %dma_wait3A_150 = tpu.memref_slice %arg12[%dma_wait3A_148, %dma_wait3A_149] : memref<10240x128xbf16, #tpu.memory_space<vmem_shared>> -> memref<10240x128xbf16, #tpu.memory_space<vmem_shared>>
    tpu.wait_indirect_dma semaphore(%arg18 : memref<!tpu.dma_semaphore, #tpu.memory_space<semaphore_mem>>) src(%dma_wait3A_144 : memref<200x128xbf16, #tpu.memory_space<vmem>>) dst(%dma_wait3A_150 : memref<10240x128xbf16, #tpu.memory_space<vmem_shared>>)
    %dma_start3A_151 = arith.constant 49 : i32
    %dma_start3A_152 = arith.constant 1 : i32
    %dma_start3A_153 = arith.constant 0 : i32
    %dma_start3A_154 = arith.constant 0 : i32
    %dma_start3A_155 = tpu.memref_slice %arg10[%dma_start3A_152, %dma_start3A_153, %dma_start3A_154] : memref<3x200x128xbf16, #tpu.memory_space<vmem>> -> memref<1x200x128xbf16, #tpu.memory_space<vmem>>
    %dma_start3A_156 = tpu.memref_squeeze %dma_start3A_155 : memref<1x200x128xbf16, #tpu.memory_space<vmem>> -> memref<200x128xbf16, #tpu.memory_space<vmem>>
    %dma_start3A_157 = arith.constant 0 : i32
    %dma_start3A_158 = tpu.memref_slice %arg8[%dma_start3A_151, %dma_start3A_157] : memref<50x200xi32, #tpu.memory_space<vmem>> -> memref<1x200xi32, #tpu.memory_space<vmem>>
    %dma_start3A_159 = tpu.memref_squeeze %dma_start3A_158 : memref<1x200xi32, #tpu.memory_space<vmem>> -> memref<200xi32, #tpu.memory_space<vmem>>
    %dma_start3A_160 = arith.constant 0 : i32
    %dma_start3A_161 = arith.constant 0 : i32
    %dma_start3A_162 = tpu.memref_slice %arg2[%dma_start3A_160, %dma_start3A_161] : memref<10240x128xbf16, #tpu.memory_space<hbm>> -> memref<10240x128xbf16, #tpu.memory_space<hbm>>
    tpu.enqueue_indirect_dma source(%dma_start3A_162 : memref<10240x128xbf16, #tpu.memory_space<hbm>>) target(%dma_start3A_156 : memref<200x128xbf16, #tpu.memory_space<vmem>>) offsets(%dma_start3A_159 : memref<200xi32, #tpu.memory_space<vmem>>) semaphore(%arg15 : memref<!tpu.dma_semaphore, #tpu.memory_space<semaphore_mem>>)
    %dma_wait3A_163 = arith.constant 48 : i32
    %dma_wait3A_164 = arith.constant 0 : i32
    %dma_wait3A_165 = arith.constant 0 : i32
    %dma_wait3A_166 = arith.constant 0 : i32
    %dma_wait3A_167 = tpu.memref_slice %arg10[%dma_wait3A_164, %dma_wait3A_165, %dma_wait3A_166] : memref<3x200x128xbf16, #tpu.memory_space<vmem>> -> memref<1x200x128xbf16, #tpu.memory_space<vmem>>
    %dma_wait3A_168 = tpu.memref_squeeze %dma_wait3A_167 : memref<1x200x128xbf16, #tpu.memory_space<vmem>> -> memref<200x128xbf16, #tpu.memory_space<vmem>>
    %dma_wait3A_169 = arith.constant 0 : i32
    %dma_wait3A_170 = tpu.memref_slice %arg8[%dma_wait3A_163, %dma_wait3A_169] : memref<50x200xi32, #tpu.memory_space<vmem>> -> memref<1x200xi32, #tpu.memory_space<vmem>>
    %dma_wait3A_171 = tpu.memref_squeeze %dma_wait3A_170 : memref<1x200xi32, #tpu.memory_space<vmem>> -> memref<200xi32, #tpu.memory_space<vmem>>
    %dma_wait3A_172 = arith.constant 0 : i32
    %dma_wait3A_173 = arith.constant 0 : i32
    %dma_wait3A_174 = tpu.memref_slice %arg2[%dma_wait3A_172, %dma_wait3A_173] : memref<10240x128xbf16, #tpu.memory_space<hbm>> -> memref<10240x128xbf16, #tpu.memory_space<hbm>>
    tpu.wait_indirect_dma semaphore(%arg14 : memref<!tpu.dma_semaphore, #tpu.memory_space<semaphore_mem>>) src(%dma_wait3A_174 : memref<10240x128xbf16, #tpu.memory_space<hbm>>) dst(%dma_wait3A_168 : memref<200x128xbf16, #tpu.memory_space<vmem>>)
    %dma_start3A_175 = arith.constant 0 : i32
    %dma_start3A_176 = arith.constant 48 : i32
    %dma_start3A_177 = arith.constant 0 : i32
    %dma_start3A_178 = arith.constant 0 : i32
    %dma_start3A_179 = tpu.memref_slice %arg10[%dma_start3A_175, %dma_start3A_177, %dma_start3A_178] : memref<3x200x128xbf16, #tpu.memory_space<vmem>> -> memref<1x200x128xbf16, #tpu.memory_space<vmem>>
    %dma_start3A_180 = tpu.memref_squeeze %dma_start3A_179 : memref<1x200x128xbf16, #tpu.memory_space<vmem>> -> memref<200x128xbf16, #tpu.memory_space<vmem>>
    %dma_start3A_181 = arith.constant 0 : i32
    %dma_start3A_182 = tpu.memref_slice %arg9[%dma_start3A_176, %dma_start3A_181] : memref<50x200xi32, #tpu.memory_space<vmem>> -> memref<1x200xi32, #tpu.memory_space<vmem>>
    %dma_start3A_183 = tpu.memref_squeeze %dma_start3A_182 : memref<1x200xi32, #tpu.memory_space<vmem>> -> memref<200xi32, #tpu.memory_space<vmem>>
    %dma_start3A_184 = arith.constant 0 : i32
    %dma_start3A_185 = arith.constant 0 : i32
    %dma_start3A_186 = tpu.memref_slice %arg12[%dma_start3A_184, %dma_start3A_185] : memref<10240x128xbf16, #tpu.memory_space<vmem_shared>> -> memref<10240x128xbf16, #tpu.memory_space<vmem_shared>>
    tpu.enqueue_indirect_dma source(%dma_start3A_180 : memref<200x128xbf16, #tpu.memory_space<vmem>>) target(%dma_start3A_186 : memref<10240x128xbf16, #tpu.memory_space<vmem_shared>>) offsets(%dma_start3A_183 : memref<200xi32, #tpu.memory_space<vmem>>) semaphore(%arg17 : memref<!tpu.dma_semaphore, #tpu.memory_space<semaphore_mem>>) {add = true}
    %dma_wait3A_187 = arith.constant 49 : i32
    %dma_wait3A_188 = arith.constant 1 : i32
    %dma_wait3A_189 = arith.constant 0 : i32
    %dma_wait3A_190 = arith.constant 0 : i32
    %dma_wait3A_191 = tpu.memref_slice %arg10[%dma_wait3A_188, %dma_wait3A_189, %dma_wait3A_190] : memref<3x200x128xbf16, #tpu.memory_space<vmem>> -> memref<1x200x128xbf16, #tpu.memory_space<vmem>>
    %dma_wait3A_192 = tpu.memref_squeeze %dma_wait3A_191 : memref<1x200x128xbf16, #tpu.memory_space<vmem>> -> memref<200x128xbf16, #tpu.memory_space<vmem>>
    %dma_wait3A_193 = arith.constant 0 : i32
    %dma_wait3A_194 = tpu.memref_slice %arg8[%dma_wait3A_187, %dma_wait3A_193] : memref<50x200xi32, #tpu.memory_space<vmem>> -> memref<1x200xi32, #tpu.memory_space<vmem>>
    %dma_wait3A_195 = tpu.memref_squeeze %dma_wait3A_194 : memref<1x200xi32, #tpu.memory_space<vmem>> -> memref<200xi32, #tpu.memory_space<vmem>>
    %dma_wait3A_196 = arith.constant 0 : i32
    %dma_wait3A_197 = arith.constant 0 : i32
    %dma_wait3A_198 = tpu.memref_slice %arg2[%dma_wait3A_196, %dma_wait3A_197] : memref<10240x128xbf16, #tpu.memory_space<hbm>> -> memref<10240x128xbf16, #tpu.memory_space<hbm>>
    tpu.wait_indirect_dma semaphore(%arg15 : memref<!tpu.dma_semaphore, #tpu.memory_space<semaphore_mem>>) src(%dma_wait3A_198 : memref<10240x128xbf16, #tpu.memory_space<hbm>>) dst(%dma_wait3A_192 : memref<200x128xbf16, #tpu.memory_space<vmem>>)
    %dma_start3A_199 = arith.constant 1 : i32
    %dma_start3A_200 = arith.constant 49 : i32
    %dma_start3A_201 = arith.constant 0 : i32
    %dma_start3A_202 = arith.constant 0 : i32
    %dma_start3A_203 = tpu.memref_slice %arg10[%dma_start3A_199, %dma_start3A_201, %dma_start3A_202] : memref<3x200x128xbf16, #tpu.memory_space<vmem>> -> memref<1x200x128xbf16, #tpu.memory_space<vmem>>
    %dma_start3A_204 = tpu.memref_squeeze %dma_start3A_203 : memref<1x200x128xbf16, #tpu.memory_space<vmem>> -> memref<200x128xbf16, #tpu.memory_space<vmem>>
    %dma_start3A_205 = arith.constant 0 : i32
    %dma_start3A_206 = tpu.memref_slice %arg9[%dma_start3A_200, %dma_start3A_205] : memref<50x200xi32, #tpu.memory_space<vmem>> -> memref<1x200xi32, #tpu.memory_space<vmem>>
    %dma_start3A_207 = tpu.memref_squeeze %dma_start3A_206 : memref<1x200xi32, #tpu.memory_space<vmem>> -> memref<200xi32, #tpu.memory_space<vmem>>
    %dma_start3A_208 = arith.constant 0 : i32
    %dma_start3A_209 = arith.constant 0 : i32
    %dma_start3A_210 = tpu.memref_slice %arg12[%dma_start3A_208, %dma_start3A_209] : memref<10240x128xbf16, #tpu.memory_space<vmem_shared>> -> memref<10240x128xbf16, #tpu.memory_space<vmem_shared>>
    tpu.enqueue_indirect_dma source(%dma_start3A_204 : memref<200x128xbf16, #tpu.memory_space<vmem>>) target(%dma_start3A_210 : memref<10240x128xbf16, #tpu.memory_space<vmem_shared>>) offsets(%dma_start3A_207 : memref<200xi32, #tpu.memory_space<vmem>>) semaphore(%arg18 : memref<!tpu.dma_semaphore, #tpu.memory_space<semaphore_mem>>) {add = true}
    %dma_wait3A_211 = arith.constant 2 : i32
    %dma_wait3A_212 = arith.constant 47 : i32
    %dma_wait3A_213 = arith.constant 0 : i32
    %dma_wait3A_214 = arith.constant 0 : i32
    %dma_wait3A_215 = tpu.memref_slice %arg10[%dma_wait3A_211, %dma_wait3A_213, %dma_wait3A_214] : memref<3x200x128xbf16, #tpu.memory_space<vmem>> -> memref<1x200x128xbf16, #tpu.memory_space<vmem>>
    %dma_wait3A_216 = tpu.memref_squeeze %dma_wait3A_215 : memref<1x200x128xbf16, #tpu.memory_space<vmem>> -> memref<200x128xbf16, #tpu.memory_space<vmem>>
    %dma_wait3A_217 = arith.constant 0 : i32
    %dma_wait3A_218 = tpu.memref_slice %arg9[%dma_wait3A_212, %dma_wait3A_217] : memref<50x200xi32, #tpu.memory_space<vmem>> -> memref<1x200xi32, #tpu.memory_space<vmem>>
    %dma_wait3A_219 = tpu.memref_squeeze %dma_wait3A_218 : memref<1x200xi32, #tpu.memory_space<vmem>> -> memref<200xi32, #tpu.memory_space<vmem>>
    %dma_wait3A_220 = arith.constant 0 : i32
    %dma_wait3A_221 = arith.constant 0 : i32
    %dma_wait3A_222 = tpu.memref_slice %arg12[%dma_wait3A_220, %dma_wait3A_221] : memref<10240x128xbf16, #tpu.memory_space<vmem_shared>> -> memref<10240x128xbf16, #tpu.memory_space<vmem_shared>>
    tpu.wait_indirect_dma semaphore(%arg19 : memref<!tpu.dma_semaphore, #tpu.memory_space<semaphore_mem>>) src(%dma_wait3A_216 : memref<200x128xbf16, #tpu.memory_space<vmem>>) dst(%dma_wait3A_222 : memref<10240x128xbf16, #tpu.memory_space<vmem_shared>>)
    %dma_wait3A_223 = arith.constant 0 : i32
    %dma_wait3A_224 = arith.constant 48 : i32
    %dma_wait3A_225 = arith.constant 0 : i32
    %dma_wait3A_226 = arith.constant 0 : i32
    %dma_wait3A_227 = tpu.memref_slice %arg10[%dma_wait3A_223, %dma_wait3A_225, %dma_wait3A_226] : memref<3x200x128xbf16, #tpu.memory_space<vmem>> -> memref<1x200x128xbf16, #tpu.memory_space<vmem>>
    %dma_wait3A_228 = tpu.memref_squeeze %dma_wait3A_227 : memref<1x200x128xbf16, #tpu.memory_space<vmem>> -> memref<200x128xbf16, #tpu.memory_space<vmem>>
    %dma_wait3A_229 = arith.constant 0 : i32
    %dma_wait3A_230 = tpu.memref_slice %arg9[%dma_wait3A_224, %dma_wait3A_229] : memref<50x200xi32, #tpu.memory_space<vmem>> -> memref<1x200xi32, #tpu.memory_space<vmem>>
    %dma_wait3A_231 = tpu.memref_squeeze %dma_wait3A_230 : memref<1x200xi32, #tpu.memory_space<vmem>> -> memref<200xi32, #tpu.memory_space<vmem>>
    %dma_wait3A_232 = arith.constant 0 : i32
    %dma_wait3A_233 = arith.constant 0 : i32
    %dma_wait3A_234 = tpu.memref_slice %arg12[%dma_wait3A_232, %dma_wait3A_233] : memref<10240x128xbf16, #tpu.memory_space<vmem_shared>> -> memref<10240x128xbf16, #tpu.memory_space<vmem_shared>>
    tpu.wait_indirect_dma semaphore(%arg17 : memref<!tpu.dma_semaphore, #tpu.memory_space<semaphore_mem>>) src(%dma_wait3A_228 : memref<200x128xbf16, #tpu.memory_space<vmem>>) dst(%dma_wait3A_234 : memref<10240x128xbf16, #tpu.memory_space<vmem_shared>>)
    %dma_wait3A_235 = arith.constant 1 : i32
    %dma_wait3A_236 = arith.constant 49 : i32
    %dma_wait3A_237 = arith.constant 0 : i32
    %dma_wait3A_238 = arith.constant 0 : i32
    %dma_wait3A_239 = tpu.memref_slice %arg10[%dma_wait3A_235, %dma_wait3A_237, %dma_wait3A_238] : memref<3x200x128xbf16, #tpu.memory_space<vmem>> -> memref<1x200x128xbf16, #tpu.memory_space<vmem>>
    %dma_wait3A_240 = tpu.memref_squeeze %dma_wait3A_239 : memref<1x200x128xbf16, #tpu.memory_space<vmem>> -> memref<200x128xbf16, #tpu.memory_space<vmem>>
    %dma_wait3A_241 = arith.constant 0 : i32
    %dma_wait3A_242 = tpu.memref_slice %arg9[%dma_wait3A_236, %dma_wait3A_241] : memref<50x200xi32, #tpu.memory_space<vmem>> -> memref<1x200xi32, #tpu.memory_space<vmem>>
    %dma_wait3A_243 = tpu.memref_squeeze %dma_wait3A_242 : memref<1x200xi32, #tpu.memory_space<vmem>> -> memref<200xi32, #tpu.memory_space<vmem>>
    %dma_wait3A_244 = arith.constant 0 : i32
    %dma_wait3A_245 = arith.constant 0 : i32
    %dma_wait3A_246 = tpu.memref_slice %arg12[%dma_wait3A_244, %dma_wait3A_245] : memref<10240x128xbf16, #tpu.memory_space<vmem_shared>> -> memref<10240x128xbf16, #tpu.memory_space<vmem_shared>>
    tpu.wait_indirect_dma semaphore(%arg18 : memref<!tpu.dma_semaphore, #tpu.memory_space<semaphore_mem>>) src(%dma_wait3A_240 : memref<200x128xbf16, #tpu.memory_space<vmem>>) dst(%dma_wait3A_246 : memref<10240x128xbf16, #tpu.memory_space<vmem_shared>>)
    %barrier3A_247 = arith.constant 0 : index
    tpu.barrier barrier_id(%barrier3A_247)
    %mul3A_248 = arith.constant 640 : i32
    %mul3A_249 = arith.muli %arg1, %mul3A_248 : i32
    %mul3A_250 = arith.constant 640 : i32
    %mul3A_251 = arith.muli %arg1, %mul3A_250 : i32
    "tpu.region"() ({
      %run_scoped3A_252 = tpu.sem_alloc : memref<!tpu.dma_semaphore, #tpu.memory_space<semaphore_mem>>
      %dma_start3A_253 = arith.constant 0 : i32
      %dma_start3A_254 = tpu.memref_slice %arg7[%arg0, %mul3A_251, %dma_start3A_253] : memref<2x10240x128xbf16, #tpu.memory_space<hbm>> -> memref<1x640x128xbf16, #tpu.memory_space<hbm>>
      %dma_start3A_255 = tpu.memref_squeeze %dma_start3A_254 : memref<1x640x128xbf16, #tpu.memory_space<hbm>> -> memref<640x128xbf16, #tpu.memory_space<hbm>>
      %dma_start3A_256 = arith.constant 0 : i32
      %dma_start3A_257 = tpu.memref_slice %arg12[%mul3A_249, %dma_start3A_256] : memref<10240x128xbf16, #tpu.memory_space<vmem_shared>> -> memref<640x128xbf16, #tpu.memory_space<vmem_shared>>
      tpu.enqueue_dma source(%dma_start3A_257 : memref<640x128xbf16, #tpu.memory_space<vmem_shared>>) target(%dma_start3A_255 : memref<640x128xbf16, #tpu.memory_space<hbm>>) target_semaphore(%run_scoped3A_252 : memref<!tpu.dma_semaphore, #tpu.memory_space<semaphore_mem>>)
      %dma_wait3A_258 = arith.constant 0 : i32
      %dma_wait3A_259 = tpu.memref_slice %arg7[%arg0, %mul3A_251, %dma_wait3A_258] : memref<2x10240x128xbf16, #tpu.memory_space<hbm>> -> memref<1x640x128xbf16, #tpu.memory_space<hbm>>
      %dma_wait3A_260 = tpu.memref_squeeze %dma_wait3A_259 : memref<1x640x128xbf16, #tpu.memory_space<hbm>> -> memref<640x128xbf16, #tpu.memory_space<hbm>>
      %dma_wait3A_261 = arith.constant 0 : i32
      %dma_wait3A_262 = tpu.memref_slice %arg12[%mul3A_249, %dma_wait3A_261] : memref<10240x128xbf16, #tpu.memory_space<vmem_shared>> -> memref<640x128xbf16, #tpu.memory_space<vmem_shared>>
      tpu.wait_dma2 semaphore(%run_scoped3A_252 : memref<!tpu.dma_semaphore, #tpu.memory_space<semaphore_mem>>) src(%dma_wait3A_262 : memref<640x128xbf16, #tpu.memory_space<vmem_shared>>) dst(%dma_wait3A_260 : memref<640x128xbf16, #tpu.memory_space<hbm>>)
      tpu.yield
    }) : () -> ()
    return
  }
}

module attributes {stable_mosaic.version = 14 : i64} {
  func.func @_xr_body(%arg0: i32, %arg1: memref<2048x128xbf16, #tpu.memory_space<vmem>>, %arg2: memref<128x128xf32, #tpu.memory_space<vmem>>, %arg3: memref<1x128xf32, #tpu.memory_space<vmem>>, %arg4: memref<2048x128xf32, #tpu.memory_space<vmem>>) attributes {dimension_semantics = [#tpu.dimension_semantics<arbitrary>], iteration_bounds = array<i64: 5>, scalar_prefetch = 0 : i64, scratch_operands = 0 : i64, tpu.core_type = #tpu.core_type<tc>, window_params = [{transform_indices = @transform_0, window_bounds = array<i64: 2048, 128>}, {pipeline_mode = #tpu.pipeline_mode<synchronous>, transform_indices = @transform_1, window_bounds = array<i64: 128, 128>}, {pipeline_mode = #tpu.pipeline_mode<synchronous>, transform_indices = @transform_2, window_bounds = array<i64: 1, 128>}, {transform_indices = @transform_3, window_bounds = array<i64: 2048, 128>}]} {
    %get3A = arith.constant 0 : index
    %get3A_0 = arith.constant 0 : index
    %get3A_1 = vector.load %arg1[%get3A, %get3A_0] : memref<2048x128xbf16, #tpu.memory_space<vmem>>, vector<2048x128xbf16>
    %get3A_2 = arith.constant 0 : index
    %get3A_3 = arith.constant 0 : index
    %get3A_4 = vector.load %arg2[%get3A_2, %get3A_3] : memref<128x128xf32, #tpu.memory_space<vmem>>, vector<128x128xf32>
    %dot_general3A = arith.constant dense<0.000000e+00> : vector<2048x128xf32>
    %dot_general3A_5 = tpu.matmul %get3A_1, %get3A_4, %dot_general3A {dimension_numbers = #tpu.dot_dimension_numbers<[1], [0], [0], [1], [0, 0, 1, 1], [], []>, transpose_lhs_hint = false} : vector<2048x128xbf16>, vector<128x128xf32>, vector<2048x128xf32> -> vector<2048x128xf32>
    %get3A_6 = arith.constant 0 : index
    %get3A_7 = arith.constant 0 : index
    %get3A_8 = vector.load %arg3[%get3A_6, %get3A_7] : memref<1x128xf32, #tpu.memory_space<vmem>>, vector<1x128xf32>
    %add3A = vector.broadcast %get3A_8 : vector<1x128xf32> to vector<2048x128xf32>
    %add3A_9 = arith.addf %dot_general3A_5, %add3A : vector<2048x128xf32>
    %swap3A = arith.constant 0 : index
    %swap3A_10 = arith.constant 0 : index
    %swap3A_11 = vector.load %arg4[%swap3A, %swap3A_10] : memref<2048x128xf32, #tpu.memory_space<vmem>>, vector<2048x128xf32>
    tpu.vector_store %arg4[%swap3A, %swap3A_10], %add3A_9 {strides = array<i32>} : memref<2048x128xf32, #tpu.memory_space<vmem>>, vector<2048x128xf32>,
    return
  }
  func.func @transform_0(%arg0: i32) -> (i32, i32) {
    %c0_i32 = arith.constant 0 : i32
    %c0_i32_0 = arith.constant 0 : i32
    return %arg0, %c0_i32 : i32, i32
  }
  func.func @transform_1(%arg0: i32) -> (i32, i32) {
    %c0_i32 = arith.constant 0 : i32
    %c0_i32_0 = arith.constant 0 : i32
    %c0_i32_1 = arith.constant 0 : i32
    return %c0_i32, %c0_i32_0 : i32, i32
  }
  func.func @transform_2(%arg0: i32) -> (i32, i32) {
    %c0_i32 = arith.constant 0 : i32
    %c0_i32_0 = arith.constant 0 : i32
    %c0_i32_1 = arith.constant 0 : i32
    return %c0_i32, %c0_i32_0 : i32, i32
  }
  func.func @transform_3(%arg0: i32) -> (i32, i32) {
    %c0_i32 = arith.constant 0 : i32
    %c0_i32_0 = arith.constant 0 : i32
    return %arg0, %c0_i32 : i32, i32
  }
}

module attributes {stable_mosaic.version = 14 : i64} {
  func.func @_comb_body(%arg0: i32, %arg1: memref<2x2048x128xbf16, #tpu.memory_space<vmem>>, %arg2: memref<2x2048x128xbf16, #tpu.memory_space<vmem>>, %arg3: memref<2048x128xf32, #tpu.memory_space<vmem>>, %arg4: memref<128x128xf32, #tpu.memory_space<vmem>>, %arg5: memref<2048x128xbf16, #tpu.memory_space<vmem>>) attributes {dimension_semantics = [#tpu.dimension_semantics<arbitrary>], iteration_bounds = array<i64: 5>, scalar_prefetch = 0 : i64, scratch_operands = 0 : i64, tpu.core_type = #tpu.core_type<tc>, window_params = [{transform_indices = @transform_0, window_bounds = array<i64: 2, 2048, 128>}, {transform_indices = @transform_1, window_bounds = array<i64: 2, 2048, 128>}, {transform_indices = @transform_2, window_bounds = array<i64: 2048, 128>}, {pipeline_mode = #tpu.pipeline_mode<synchronous>, transform_indices = @transform_3, window_bounds = array<i64: 128, 128>}, {transform_indices = @transform_4, window_bounds = array<i64: 2048, 128>}]} {
    %get3A = arith.constant 0 : index
    %get3A_0 = arith.constant 0 : index
    %get3A_1 = arith.constant 0 : index
    %get3A_2 = vector.load %arg2[%get3A, %get3A_0, %get3A_1] : memref<2x2048x128xbf16, #tpu.memory_space<vmem>>, vector<1x2048x128xbf16>
    %get3A_3 = vector.shape_cast %get3A_2 : vector<1x2048x128xbf16> to vector<2048x128xbf16>
    %convert_element_type3A = arith.extf %get3A_3 : vector<2048x128xbf16> to vector<2048x128xf32>
    %get3A_4 = arith.constant 1 : index
    %get3A_5 = arith.constant 0 : index
    %get3A_6 = arith.constant 0 : index
    %get3A_7 = vector.load %arg2[%get3A_4, %get3A_5, %get3A_6] : memref<2x2048x128xbf16, #tpu.memory_space<vmem>>, vector<1x2048x128xbf16>
    %get3A_8 = vector.shape_cast %get3A_7 : vector<1x2048x128xbf16> to vector<2048x128xbf16>
    %convert_element_type3A_9 = arith.extf %get3A_8 : vector<2048x128xbf16> to vector<2048x128xf32>
    %add3A = arith.addf %convert_element_type3A, %convert_element_type3A_9 : vector<2048x128xf32>
    %get3A_10 = arith.constant 0 : index
    %get3A_11 = arith.constant 0 : index
    %get3A_12 = arith.constant 0 : index
    %get3A_13 = vector.load %arg1[%get3A_10, %get3A_11, %get3A_12] : memref<2x2048x128xbf16, #tpu.memory_space<vmem>>, vector<1x2048x128xbf16>
    %get3A_14 = vector.shape_cast %get3A_13 : vector<1x2048x128xbf16> to vector<2048x128xbf16>
    %convert_element_type3A_15 = arith.extf %get3A_14 : vector<2048x128xbf16> to vector<2048x128xf32>
    %get3A_16 = arith.constant 1 : index
    %get3A_17 = arith.constant 0 : index
    %get3A_18 = arith.constant 0 : index
    %get3A_19 = vector.load %arg1[%get3A_16, %get3A_17, %get3A_18] : memref<2x2048x128xbf16, #tpu.memory_space<vmem>>, vector<1x2048x128xbf16>
    %get3A_20 = vector.shape_cast %get3A_19 : vector<1x2048x128xbf16> to vector<2048x128xbf16>
    %convert_element_type3A_21 = arith.extf %get3A_20 : vector<2048x128xbf16> to vector<2048x128xf32>
    %add3A_22 = arith.addf %convert_element_type3A_15, %convert_element_type3A_21 : vector<2048x128xf32>
    %max3A = arith.constant 1.000000e+00 : f32
    %max3A_23 = vector.broadcast %max3A : f32 to vector<2048x128xf32>
    %max3A_24 = arith.maximumf %add3A, %max3A_23 : vector<2048x128xf32>
    %div3A = arith.divf %add3A_22, %max3A_24 : vector<2048x128xf32>
    %get3A_25 = arith.constant 0 : index
    %get3A_26 = arith.constant 0 : index
    %get3A_27 = vector.load %arg4[%get3A_25, %get3A_26] : memref<128x128xf32, #tpu.memory_space<vmem>>, vector<128x128xf32>
    %dot_general3A = arith.constant dense<0.000000e+00> : vector<2048x128xf32>
    %dot_general3A_28 = tpu.matmul %div3A, %get3A_27, %dot_general3A {dimension_numbers = #tpu.dot_dimension_numbers<[1], [0], [0], [1], [0, 0, 1, 1], [], []>, transpose_lhs_hint = false} : vector<2048x128xf32>, vector<128x128xf32>, vector<2048x128xf32> -> vector<2048x128xf32>
    %get3A_29 = arith.constant 0 : index
    %get3A_30 = arith.constant 0 : index
    %get3A_31 = vector.load %arg3[%get3A_29, %get3A_30] : memref<2048x128xf32, #tpu.memory_space<vmem>>, vector<2048x128xf32>
    %add3A_32 = arith.addf %dot_general3A_28, %get3A_31 : vector<2048x128xf32>
    %max3A_33 = arith.constant 0.000000e+00 : f32
    %max3A_34 = vector.broadcast %max3A_33 : f32 to vector<2048x128xf32>
    %max3A_35 = arith.maximumf %add3A_32, %max3A_34 : vector<2048x128xf32>
    %convert_element_type3A_36 = arith.truncf %max3A_35 : vector<2048x128xf32> to vector<2048x128xbf16>
    %swap3A = arith.constant 0 : index
    %swap3A_37 = arith.constant 0 : index
    %swap3A_38 = vector.load %arg5[%swap3A, %swap3A_37] : memref<2048x128xbf16, #tpu.memory_space<vmem>>, vector<2048x128xbf16>
    tpu.vector_store %arg5[%swap3A, %swap3A_37], %convert_element_type3A_36 {strides = array<i32>} : memref<2048x128xbf16, #tpu.memory_space<vmem>>, vector<2048x128xbf16>,
    return
  }
  func.func @transform_0(%arg0: i32) -> (i32, i32, i32) {
    %c0_i32 = arith.constant 0 : i32
    %c0_i32_0 = arith.constant 0 : i32
    %c0_i32_1 = arith.constant 0 : i32
    return %c0_i32, %arg0, %c0_i32_0 : i32, i32, i32
  }
  func.func @transform_1(%arg0: i32) -> (i32, i32, i32) {
    %c0_i32 = arith.constant 0 : i32
    %c0_i32_0 = arith.constant 0 : i32
    %c0_i32_1 = arith.constant 0 : i32
    return %c0_i32, %arg0, %c0_i32_0 : i32, i32, i32
  }
  func.func @transform_2(%arg0: i32) -> (i32, i32) {
    %c0_i32 = arith.constant 0 : i32
    %c0_i32_0 = arith.constant 0 : i32
    return %arg0, %c0_i32 : i32, i32
  }
  func.func @transform_3(%arg0: i32) -> (i32, i32) {
    %c0_i32 = arith.constant 0 : i32
    %c0_i32_0 = arith.constant 0 : i32
    %c0_i32_1 = arith.constant 0 : i32
    return %c0_i32, %c0_i32_0 : i32, i32
  }
  func.func @transform_4(%arg0: i32) -> (i32, i32) {
    %c0_i32 = arith.constant 0 : i32
    %c0_i32_0 = arith.constant 0 : i32
    return %arg0, %c0_i32 : i32, i32
  }
}

module attributes {stable_mosaic.version = 14 : i64} {
  func.func @_final_body(%arg0: i32, %arg1: memref<2x2048x128xbf16, #tpu.memory_space<vmem>>, %arg2: memref<2x2048x128xbf16, #tpu.memory_space<vmem>>, %arg3: memref<2048x128xf32, #tpu.memory_space<vmem>>, %arg4: memref<128x128xf32, #tpu.memory_space<vmem>>, %arg5: memref<128x128xf32, #tpu.memory_space<vmem>>, %arg6: memref<1x128xf32, #tpu.memory_space<vmem>>, %arg7: memref<2048x128xf32, #tpu.memory_space<vmem>>) attributes {dimension_semantics = [#tpu.dimension_semantics<arbitrary>], iteration_bounds = array<i64: 5>, scalar_prefetch = 0 : i64, scratch_operands = 0 : i64, tpu.core_type = #tpu.core_type<tc>, window_params = [{transform_indices = @transform_0, window_bounds = array<i64: 2, 2048, 128>}, {transform_indices = @transform_1, window_bounds = array<i64: 2, 2048, 128>}, {transform_indices = @transform_2, window_bounds = array<i64: 2048, 128>}, {pipeline_mode = #tpu.pipeline_mode<synchronous>, transform_indices = @transform_3, window_bounds = array<i64: 128, 128>}, {pipeline_mode = #tpu.pipeline_mode<synchronous>, transform_indices = @transform_4, window_bounds = array<i64: 128, 128>}, {pipeline_mode = #tpu.pipeline_mode<synchronous>, transform_indices = @transform_5, window_bounds = array<i64: 1, 128>}, {transform_indices = @transform_6, window_bounds = array<i64: 2048, 128>}]} {
    %get3A = arith.constant 0 : index
    %get3A_0 = arith.constant 0 : index
    %get3A_1 = arith.constant 0 : index
    %get3A_2 = vector.load %arg2[%get3A, %get3A_0, %get3A_1] : memref<2x2048x128xbf16, #tpu.memory_space<vmem>>, vector<1x2048x128xbf16>
    %get3A_3 = vector.shape_cast %get3A_2 : vector<1x2048x128xbf16> to vector<2048x128xbf16>
    %convert_element_type3A = arith.extf %get3A_3 : vector<2048x128xbf16> to vector<2048x128xf32>
    %get3A_4 = arith.constant 1 : index
    %get3A_5 = arith.constant 0 : index
    %get3A_6 = arith.constant 0 : index
    %get3A_7 = vector.load %arg2[%get3A_4, %get3A_5, %get3A_6] : memref<2x2048x128xbf16, #tpu.memory_space<vmem>>, vector<1x2048x128xbf16>
    %get3A_8 = vector.shape_cast %get3A_7 : vector<1x2048x128xbf16> to vector<2048x128xbf16>
    %convert_element_type3A_9 = arith.extf %get3A_8 : vector<2048x128xbf16> to vector<2048x128xf32>
    %add3A = arith.addf %convert_element_type3A, %convert_element_type3A_9 : vector<2048x128xf32>
    %get3A_10 = arith.constant 0 : index
    %get3A_11 = arith.constant 0 : index
    %get3A_12 = arith.constant 0 : index
    %get3A_13 = vector.load %arg1[%get3A_10, %get3A_11, %get3A_12] : memref<2x2048x128xbf16, #tpu.memory_space<vmem>>, vector<1x2048x128xbf16>
    %get3A_14 = vector.shape_cast %get3A_13 : vector<1x2048x128xbf16> to vector<2048x128xbf16>
    %convert_element_type3A_15 = arith.extf %get3A_14 : vector<2048x128xbf16> to vector<2048x128xf32>
    %get3A_16 = arith.constant 1 : index
    %get3A_17 = arith.constant 0 : index
    %get3A_18 = arith.constant 0 : index
    %get3A_19 = vector.load %arg1[%get3A_16, %get3A_17, %get3A_18] : memref<2x2048x128xbf16, #tpu.memory_space<vmem>>, vector<1x2048x128xbf16>
    %get3A_20 = vector.shape_cast %get3A_19 : vector<1x2048x128xbf16> to vector<2048x128xbf16>
    %convert_element_type3A_21 = arith.extf %get3A_20 : vector<2048x128xbf16> to vector<2048x128xf32>
    %add3A_22 = arith.addf %convert_element_type3A_15, %convert_element_type3A_21 : vector<2048x128xf32>
    %max3A = arith.constant 1.000000e+00 : f32
    %max3A_23 = vector.broadcast %max3A : f32 to vector<2048x128xf32>
    %max3A_24 = arith.maximumf %add3A, %max3A_23 : vector<2048x128xf32>
    %div3A = arith.divf %add3A_22, %max3A_24 : vector<2048x128xf32>
    %get3A_25 = arith.constant 0 : index
    %get3A_26 = arith.constant 0 : index
    %get3A_27 = vector.load %arg4[%get3A_25, %get3A_26] : memref<128x128xf32, #tpu.memory_space<vmem>>, vector<128x128xf32>
    %dot_general3A = arith.constant dense<0.000000e+00> : vector<2048x128xf32>
    %dot_general3A_28 = tpu.matmul %div3A, %get3A_27, %dot_general3A {dimension_numbers = #tpu.dot_dimension_numbers<[1], [0], [0], [1], [0, 0, 1, 1], [], []>, transpose_lhs_hint = false} : vector<2048x128xf32>, vector<128x128xf32>, vector<2048x128xf32> -> vector<2048x128xf32>
    %get3A_29 = arith.constant 0 : index
    %get3A_30 = arith.constant 0 : index
    %get3A_31 = vector.load %arg3[%get3A_29, %get3A_30] : memref<2048x128xf32, #tpu.memory_space<vmem>>, vector<2048x128xf32>
    %add3A_32 = arith.addf %dot_general3A_28, %get3A_31 : vector<2048x128xf32>
    %max3A_33 = arith.constant 0.000000e+00 : f32
    %max3A_34 = vector.broadcast %max3A_33 : f32 to vector<2048x128xf32>
    %max3A_35 = arith.maximumf %add3A_32, %max3A_34 : vector<2048x128xf32>
    %get3A_36 = arith.constant 0 : index
    %get3A_37 = arith.constant 0 : index
    %get3A_38 = vector.load %arg5[%get3A_36, %get3A_37] : memref<128x128xf32, #tpu.memory_space<vmem>>, vector<128x128xf32>
    %dot_general3A_39 = arith.constant dense<0.000000e+00> : vector<2048x128xf32>
    %dot_general3A_40 = tpu.matmul %max3A_35, %get3A_38, %dot_general3A_39 {dimension_numbers = #tpu.dot_dimension_numbers<[1], [0], [0], [1], [0, 0, 1, 1], [], []>, transpose_lhs_hint = false} : vector<2048x128xf32>, vector<128x128xf32>, vector<2048x128xf32> -> vector<2048x128xf32>
    %get3A_41 = arith.constant 0 : index
    %get3A_42 = arith.constant 0 : index
    %get3A_43 = vector.load %arg6[%get3A_41, %get3A_42] : memref<1x128xf32, #tpu.memory_space<vmem>>, vector<1x128xf32>
    %add3A_44 = vector.broadcast %get3A_43 : vector<1x128xf32> to vector<2048x128xf32>
    %add3A_45 = arith.addf %dot_general3A_40, %add3A_44 : vector<2048x128xf32>
    %swap3A = arith.constant 0 : index
    %swap3A_46 = arith.constant 0 : index
    %swap3A_47 = vector.load %arg7[%swap3A, %swap3A_46] : memref<2048x128xf32, #tpu.memory_space<vmem>>, vector<2048x128xf32>
    tpu.vector_store %arg7[%swap3A, %swap3A_46], %add3A_45 {strides = array<i32>} : memref<2048x128xf32, #tpu.memory_space<vmem>>, vector<2048x128xf32>,
    return
  }
  func.func @transform_0(%arg0: i32) -> (i32, i32, i32) {
    %c0_i32 = arith.constant 0 : i32
    %c0_i32_0 = arith.constant 0 : i32
    %c0_i32_1 = arith.constant 0 : i32
    return %c0_i32, %arg0, %c0_i32_0 : i32, i32, i32
  }
  func.func @transform_1(%arg0: i32) -> (i32, i32, i32) {
    %c0_i32 = arith.constant 0 : i32
    %c0_i32_0 = arith.constant 0 : i32
    %c0_i32_1 = arith.constant 0 : i32
    return %c0_i32, %arg0, %c0_i32_0 : i32, i32, i32
  }
  func.func @transform_2(%arg0: i32) -> (i32, i32) {
    %c0_i32 = arith.constant 0 : i32
    %c0_i32_0 = arith.constant 0 : i32
    return %arg0, %c0_i32 : i32, i32
  }
  func.func @transform_3(%arg0: i32) -> (i32, i32) {
    %c0_i32 = arith.constant 0 : i32
    %c0_i32_0 = arith.constant 0 : i32
    %c0_i32_1 = arith.constant 0 : i32
    return %c0_i32, %c0_i32_0 : i32, i32
  }
  func.func @transform_4(%arg0: i32) -> (i32, i32) {
    %c0_i32 = arith.constant 0 : i32
    %c0_i32_0 = arith.constant 0 : i32
    %c0_i32_1 = arith.constant 0 : i32
    return %c0_i32, %c0_i32_0 : i32, i32
  }
  func.func @transform_5(%arg0: i32) -> (i32, i32) {
    %c0_i32 = arith.constant 0 : i32
    %c0_i32_0 = arith.constant 0 : i32
    %c0_i32_1 = arith.constant 0 : i32
    return %c0_i32, %c0_i32_0 : i32, i32
  }
  func.func @transform_6(%arg0: i32) -> (i32, i32) {
    %c0_i32 = arith.constant 0 : i32
    %c0_i32_0 = arith.constant 0 : i32
    return %arg0, %c0_i32 : i32, i32
  }
}

</mosaic_0001>

<sc_bundles>
// kernel: kernel.11.cloned.1.call-start
scs
__scs_entry_jumppad:
0x0: {  	(pc) =	sbr.rel $0x88, $3  }
0x1: {  	(tag) =	ssettag $0x0;
	lr =	simm.s32 $0x1  }
0x2: {  	[smem:$0x3F97] =	sst lr;
	_ =	strace $0xD0000000  }
0x3: {  	_ = 	snop  }
0x4: {  	_ = 	snop  }
0x5: {  	_ = 	snop  }
0x6: {  	_ = 	snop  }
0x7: {  	_ = 	snop  }
__scs_overlays_trampoline_lowered:
0x8: {  	[smem:$0x3FA6] =	sst s0  }
0x9: {  	[smem:$0x3FA7] =	sst s1  }
0xa: {  	[smem:$0x3FA8] =	sst s2  }
0xb: {  	[smem:$0x3FA9] =	sst s3  }
0xc: {  	[smem:$0x3FAA] =	sst s4  }
0xd: {  	[smem:$0x3FAB] =	sst s5  }
0xe: {  	[smem:$0x3FAC] =	sst s6  }
0xf: {  	[smem:$0x3FAD] =	sst s7  }
0x10: {  	[smem:$0x3FAE] =	sst s8  }
0x11: {  	[smem:$0x3FAF] =	sst s9;
	s0 =	simm.s32 @!p0 $0x0  }
0x12: {  	s1 =	sld [smem:$0x3F95];
	s0 =	simm.s32 @p0 $0x1  }
0x13: {  	[smem:$0x3FB0] =	sst s0;
	s0 =	simm.s32 @!p1 $0x0  }
0x14: {  	s2 =	sld [smem:$0x3F94];
	s0 =	simm.s32 @p1 $0x1  }
0x15: {  	[smem:$0x3FB1] =	sst s0;
	s0 =	simm.s32 @!p2 $0x0  }
0x16: {  	s3 =	sld [smem:$0x3FDB];
	s0 =	simm.s32 @p2 $0x1  }
0x17: {  	s4 =	simm.s32 $0x1BF5;
	[smem:$0x3FB3] =	sst s0  }
0x18: {  	s0 =	sld [smem:$0x3F96];
	_ =	swait.ge [sflag:s4], $0x0  }
0x19: {  	s7 =	sld [smem:$0x3F97]  }
0x1a: {  	s8 =	sadd.s32 $0xFFFFE003, lr  }
0x1b: {  	s9 =	sadd.s32 $0xFFFFFEF7, lr;
	s5 =	simm.s32 $0xFFFFFFFF;
	p2 =	slt.u32 s8, $0xFFFFF086  }
0x1c: {  	p1 =	slt.u32 s9, $0xF7A;
	s5 =	simm.s32 @!p2 $0x0  }
0x1d: {  	s5 =	simm.s32 @p1 $0x1;
	p0 =	seq.s32 s7, s2  }
0x1e: {  	s7 =	smul.u32 @!p0 $0xF7A, s2;
	p2 =	seq.s32 @!p0 s5, $0x0  }
0x1f: {  	s9 =	smul.u32 $0xF7A, s1;
	s8 =	simm.s32 @!p0 $0x1BF5;
	p2 =	por !p2, p0  }
0x20: {  	[sflag:s8] =	ssyncset.s32 @!p0 $0xFFFFF086;
	s6 =	sadd.s32 @!p0 s3, s7;
	s7 =	simm.s32 @!p0 $0x108  }
0x21: {  	s3 =	sadd.s32 s3, s9;
	s6 =	sadd.s32 @!p0 $0x88, s6;
	s7 =	simm.s32 @p2 $0x1082  }
0x22: {  	[simem:s7], [sflag:s8] =	dma.local @!p0 [hbm:s6], $0xF7A  }
0x23: {  	s9 =	sor.u32 $0xD0000000, s2;
	s6 =	simm.s32 $0x108;
	_ =	swait.ge @!p0 [sflag:s8], $0x0  }
0x24: {  	s3 =	sadd.s32 $0x88, s3;
	s6 =	simm.s32 @!p1 $0x1082;
	[sflag:s4] =	ssyncset.s32 $0xFFFFF086  }
0x25: {  	[simem:s6], [sflag:s4] =	dma.local [hbm:s3], $0xF7A  }
0x26: {  	[smem:$0x3F97] =	sst s1;
	(tag) =	ssettag s2;
	_ =	strace s9  }
0x27: {  	s1 =	sld [smem:$0x3FA7]  }
0x28: {  	s2 =	sld [smem:$0x3FA8]  }
0x29: {  	s4 =	sld [smem:$0x3FAA]  }
0x2a: {  	p0 =	seq.s32 s5, $0x0;
	s5 =	sld [smem:$0x3FAB]  }
0x2b: {  	s6 =	sld [smem:$0x3FAC]  }
0x2c: {  	s7 =	sld [smem:$0x3FAD]  }
0x2d: {  	s3 =	simm.s32 $0x108;
	s8 =	sld [smem:$0x3FAE]  }
0x2e: {  	s3 =	simm.s32 @!p0 $0x1082;
	s9 =	sld [smem:$0x3FAF]  }
0x2f: {  	lr =	sadd.s32 s0, s3;
	s0 =	sld [smem:$0x3FA6]  }
0x30: {  	s3 =	sld [smem:$0x3FA9]  }
0x31: {  	[smem:$0x3FB2] =	sst s10  }
0x32: {  	s10 =	sld [smem:$0x3FB0];
	_ =	sdelay $0x3  }
0x33: {  	p0 =	seq.s32 s10, $0x1;
	s10 =	sld [smem:$0x3FB2];
	_ =	sdelay $0x3  }
0x34: {  	[smem:$0x3FB2] =	sst s10  }
0x35: {  	s10 =	sld [smem:$0x3FB1];
	_ =	sdelay $0x3  }
0x36: {  	p1 =	seq.s32 s10, $0x1;
	s10 =	sld [smem:$0x3FB2];
	_ =	sdelay $0x3  }
0x37: {  	[smem:$0x3FB2] =	sst s10  }
0x38: {  	s10 =	sld [smem:$0x3FB3]  }
0x39: {  	_ = 	snop;
	(pc) =	sbr.ind lr, $3  }
0x3a: {  	_ = 	snop  }
0x3b: {  	_ = 	snop  }
0x3c: {  	p2 =	seq.s32 s10, $0x1;
	s10 =	sld [smem:$0x3FB2]  }
0x3d: {  	_ =	shalt  }
0x3e: {  	_ =	shalt  }
0x3f: {  	_ =	shalt  }
0x40: {  	_ =	shalt  }
0x41: {  	_ =	shalt  }
0x42: {  	_ =	shalt  }
0x43: {  	_ =	shalt  }
0x44: {  	_ =	shalt  }
0x45: {  	_ =	shalt  }
0x46: {  	_ =	shalt  }
0x47: {  	_ =	shalt  }
0x48: {  	_ =	shalt  }
0x49: {  	_ =	shalt  }
0x4a: {  	_ =	shalt  }
0x4b: {  	_ =	shalt  }
0x4c: {  	_ =	shalt  }
0x4d: {  	_ =	shalt  }
0x4e: {  	_ =	shalt  }
0x4f: {  	_ =	shalt  }
0x50: {  	_ =	shalt  }
0x51: {  	_ =	shalt  }
0x52: {  	_ =	shalt  }
0x53: {  	_ =	shalt  }
0x54: {  	_ =	shalt  }
0x55: {  	_ =	shalt  }
0x56: {  	_ =	shalt  }
0x57: {  	_ =	shalt  }
0x58: {  	_ =	shalt  }
0x59: {  	_ =	shalt  }
0x5a: {  	_ =	shalt  }
0x5b: {  	_ =	shalt  }
0x5c: {  	_ =	shalt  }
0x5d: {  	_ =	shalt  }
0x5e: {  	_ =	shalt  }
0x5f: {  	_ =	shalt  }
0x60: {  	_ =	shalt  }
0x61: {  	_ =	shalt  }
0x62: {  	_ =	shalt  }
0x63: {  	_ =	shalt  }
0x64: {  	_ =	shalt  }
0x65: {  	_ =	shalt  }
0x66: {  	_ =	shalt  }
0x67: {  	_ =	shalt  }
0x68: {  	_ =	shalt  }
0x69: {  	_ =	shalt  }
0x6a: {  	_ =	shalt  }
0x6b: {  	_ =	shalt  }
0x6c: {  	_ =	shalt  }
0x6d: {  	_ =	shalt  }
0x6e: {  	_ =	shalt  }
0x6f: {  	_ =	shalt  }
0x70: {  	_ =	shalt  }
0x71: {  	_ =	shalt  }
0x72: {  	_ =	shalt  }
0x73: {  	_ =	shalt  }
0x74: {  	_ =	shalt  }
0x75: {  	_ =	shalt  }
0x76: {  	_ =	shalt  }
0x77: {  	_ =	shalt  }
0x78: {  	_ =	shalt  }
0x79: {  	_ =	shalt  }
0x7a: {  	_ =	shalt  }
0x7b: {  	_ =	shalt  }
0x7c: {  	_ =	shalt  }
0x7d: {  	_ =	shalt  }
0x7e: {  	_ =	shalt  }
0x7f: {  	_ =	shalt  }
0x80: {  	_ =	shalt  }
0x81: {  	_ =	shalt  }
0x82: {  	_ =	shalt  }
0x83: {  	_ =	shalt  }
0x84: {  	_ =	shalt  }
0x85: {  	_ =	shalt  }
0x86: {  	_ =	shalt  }
0x87: {  	_ =	shalt  }
.Lfunc_end0:
.L_simem_size_0:
called_computation.1_lowered:
.L_overlay_start_0:
0x88: {  	s2 =	sld [smem:$0x3FD9]  }
0x89: {  	s3 =	sld [smem:$0x3FFE];
	_ =	sdelay $0x1  }
0x8a: {  	s1 =	srdreg.scid  }
0x8b: {  	s0 =	sand.u32 $0x1, s1  }
0x8c: {  	s17 =	sshll.u32 s0, $0xA;
	s2 =	sadd.s32 s3, s2  }
0x8d: {  	s2 =	sadd.s32 s2, s17  }
0x8e: {  	[smem:$0x3FBE] =	sst s2  }
0x8f: {  	_ = 	snop  }
0x90: {  	s2 =	sld [smem:$0x3FD0];
	(tm) =	ssettm $0x1  }
0x91: {  	s18 =	sld [smem:$0x3FFB];
	_ =	sdelay $0x3  }
0x92: {  	_ =	strace s18  }
0x93: {  	s3 =	sld [smem:$0x3FFC];
	_ =	sdelay $0x3  }
0x94: {  	_ =	strace s3  }
0x95: {  	s3 =	sld [smem:$0x3FFD];
	_ =	sdelay $0x3  }
0x96: {  	_ =	strace s3  }
0x97: {  	_ =	strace $0x8FFFFFFF  }
0x98: {  	s19 =	sld [smem:$0x3FDB];
	_ =	sdelay $0x1  }
0x99: {  	s4 =	simm.s32 $_scs_section_size  }
0x9a: {  	s5 =	simm.s32 $_size__tile_overlayer_lowered;
	s6 =	simm.s32 $_tile_overlayer_lowered  }
0x9b: {  	s22 =	simm.s32 $0x1BFF;
	s21 =	sshll.u32 s6, $0x1;
	s3 =	sadd.s32 s4, s19  }
0x9c: {  	s7 =	simm.s32 $0x0;
	s20 =	sshll.u32 s5, $0x1;
	s5 =	sadd.s32 s21, s3  }
0x9d: {  	[timem:s7], [sflag:s22] =	dma.local [hbm:s5], s20  }
0x9e: {  	_ =	swait.ge [sflag:s22], s20  }
0x9f: {  	s4 =	ssub.s32 $0x0, s20;
	[sflag:s22] =	ssyncset.done $0x0  }
0xa0: {  	[sflag:s22] =	ssyncadd.s32 s4;
	_ =	sdelay $0x1  }
0xa1: {  	s23 =	simm.s32 $0x1B8B  }
0xa2: {  	_ =	swait.ge [sflag:s23], $0x1  }
0xa3: {  	[sflag:s23] =	ssyncset.done $0x0  }
0xa4: {  	s25 =	simm.s32 $0x1B8E;
	s24 =	sld [smem:$0x3FFE];
	[sflag:s23] =	ssyncadd.s32 $0xFFFFFFFF  }
0xa5: {  	s26 =	simm.s32 $execute0_lowered;
	[smem:$0x3FD2] =	sst s25  }
0xa6: {  	s5 =	sshll.u32 s26, $0x1;
	_ =	strace $0x80000049;
	[dreg:$0x1] =	wrdreg $0xFFFFFFFF  }
0xa7: {  	s28 =	simm.s32 $_size_execute0_lowered;
	s3 =	sadd.s32 s3, s5;
	[dreg:$0x0] =	wrdreg $0x0  }
0xa8: {  	s5 =	sshll.u32 s28, $0x1;
	[dreg:$0x2] =	wrdreg s3  }
0xa9: {  	[dreg:$0x3] =	wrdreg s5  }
0xaa: {  	[dreg:$0x4] =	wrdreg $0xC0  }
0xab: {  	_ =	task [dreg:s7], $0x5FFFF  }
0xac: {  	[dreg:$0x1] =	wrdreg $0xFFFFFFFF  }
0xad: {  	[dreg:$0x0] =	wrdreg $0x60  }
0xae: {  	[dreg:$0x2] =	wrdreg s2  }
0xaf: {  	[dreg:$0x3] =	wrdreg s24  }
0xb0: {  	[dreg:$0x4] =	wrdreg $0xE4200  }
0xb1: {  	[dreg:$0x5] =	wrdreg $0x9  }
0xb2: {  	_ =	task.clear_ibuf [dreg:s7], $0x6FFFF;
	_ =	strace $0x90000049  }
0xb3: {  	s29 =	simm.s32 $0x9;
	_ =	strace $0x8000004B  }
0xb4: {  	_ =	swait.ge [sflag:s29], $0x1  }
0xb5: {  	[sflag:s29] =	ssyncadd.s32 $0xFFFFFFFF  }
0xb6: {  	_ =	strace $0x9000004B  }
0xb7: {  	_ =	sfence  }
0xb8: {  	s30 =	sld [smem:$0x0];
	_ =	sdelay $0x2  }
0xb9: {  	s31 =	sshll.u32 s1, $0xD;
	s1 =	sshrl.u32 s1, $0x2  }
0xba: {  	s3 =	sand.u32 $0x4000, s31;
	s1 =	sadd.s32 s1, s30  }
0xbb: {  	s0 =	sor.u32 s3, s0;
	s1 =	sshll.u32 s1, $0x11  }
0xbc: {  	s0 =	sor.u32 s1, s0  }
0xbd: {  	s0 =	sadd.s32 $0x8F2B, s0  }
0xbe: {  	[sflag:s0] =	ssyncadd.remote.s32 $0x1  }
0xbf: {  	_ =	sfence.sel $0xFFFF  }
0xc0: {  	[dreg:$0x0] =	wrdreg $0xFFFFFFFF;
	(pc) =	sbr.abs _section_cstart, $3  }
0xc1: {  	[dreg:$0x1] =	wrdreg $0xFFFFFFFF  }
0xc2: {  	_ =	task.clear_ibuf [dreg:s7], $0x2FFFF;
	_ =	strace $0x9FFFFFFF  }
0xc3: {  	(tm) =	ssettm $0x7FFFFFFF  }
tec
execute0_lowered:
.L_overlay_start_1:
0x0: {  	(tag) =	ssettag $0x1  }
0x1: {  	s2 =	rddreg [dreg:$0x0]  }
0x2: {  	s0 =	srdreg.scid;
	s6 =	rddreg [dreg:$0x1]  }
0x3: {  	s11 =	stileid.u32;
	s3 =	rddreg [dreg:$0x2]  }
0x4: {  	s4 =	simm.s32 $0x0;
	s10 =	simm.s32 $0x7;
	s14 =	simm.s32 $0xC8  }
0x5: {  	s15 =	simm.s32 $0x4E20;
	s16 =	simm.s32 $0x8020;
	s17 =	simm.s32 $0x1  }
0x6: {  	s19 =	simm.s32 $0xB220;
	s20 =	simm.s32 $0x2;
	s22 =	simm.s32 $0x4  }
0x7: {  	s23 =	simm.s32 $0x258;
	s28 =	simm.s32 $0x4BC8;
	s29 =	simm.s32 $0x2648  }
0x8: {  	s30 =	simm.s32 $0x4C90;
	s31 =	simm.s32 $0x4D58;
	s0 =	sand.u32 $0x1, s0  }
0x9: {  	s7 =	smul.u32 $0x14000, s11;
	[smem:$0x7FF] =	sst s4;
	s26 =	sshll.u32 s11, $0x6  }
0xa: {  	s1 =	sshll.u32 s0, $0x4;
	s5 =	smul.u32 $0x140000, s0;
	_ =	strace $0x8000004A  }
0xb: {  	s0 =	ssub.s32 $0x2, s0;
	s12 =	sor.u32 $0x1C07, s26;
	s26 =	simm.s32 $0x6  }
0xc: {  	s1 =	sor.u32 s11, s1;
	s24 =	sshrl.u32 s0, $0x1;
	s9 =	sshrl.u32 s7, $0x1  }
0xd: {  	s11 =	simm.s32 $0x2710;
	s1 =	smul.u32 $0x2710, s1;
	s5 =	sadd.s32 s7, s5  }
0xe: {  	s0 =	ssub.s32 s0, s24;
	s25 =	sadd.s32 s9, s3;
	s24 =	simm.s32 $0x3  }
0xf: {  	s8 =	sshrl.u32 s5, $0x4;
	s5 =	sadd.s32 $0x15C00, s6;
	s9 =	smax.u32 s0, $0x1  }
0x10: {  	s13 =	sshrl.u32 s25, $0x3;
	s1 =	sshrl.u32 s1, $0x3;
	s8 =	sadd.s32 s8, s6  }
0x11: {  	s25 =	simm.s32 $0x5;
	s1 =	sadd.s32 s1, s6;
	s8 =	sadd.s32 $0x17800, s8  }
0x12: {  	s6 =	sadd.s32 $0x2200, s1;
	s7 =	sadd.s32 $0xBE40, s1;
	s1 =	simm.s32 $0x0  }
.LBB2_1:
0x13: {  	[tilespmem:s4], [sflag:$0x7] =	stream.linear.gather [hbm4b:s6+s4], $0x2710, $0x38;
	[tilespmem:$0x18420] =	vst v63  }
0x14: {  	_ =	swait.ge [sflag:s10], $0x2710  }
0x15: {  	[sflag:s10] =	ssyncset.done $0x0  }
0x16: {  	[sflag:s10] =	ssyncadd.s32 $0xFFFFD8F0  }
0x17: {  	[tilespmem:s11], [sflag:$0x7] =	stream.linear.gather [hbm4b:s7+s4], $0x2710, $0x38;
	[tilespmem:$0x18420] =	vst v63  }
0x18: {  	_ =	swait.ge [sflag:s10], $0x2710  }
0x19: {  	[sflag:s10] =	ssyncset.done $0x0  }
0x1a: {  	[sflag:s10] =	ssyncadd.s32 $0xFFFFD8F0  }
0x1b: {  	[spmem:s13], [sflag:s12] =	dma.local [hbm:s5], $0x1400  }
0x1c: {  	_ =	swait.ge [sflag:s10], $0x1400  }
0x1d: {  	[sflag:s10] =	ssyncset.done $0x0  }
0x1e: {  	[sflag:s10] =	ssyncadd.s32 $0xFFFFEC00  }
0x1f: {  	[bflag:$0x0] =	sbarrier.arrive $0xFFFF  }
0x20: {  	[tilespmem:s15], [sflag:$0x1] =	stream.indirect.gather [hbm4b:s2+s14], $0x40, s4, s14, $0xb8;
	[tilespmem:$0x18420] =	vst v63  }
0x21: {  	_ = 	snop  }
0x22: {  	[tilespmem:s16], [sflag:$0x2] =	stream.indirect.gather [hbm4b:s2+s14], $0x40, s14, s14, $0xb8;
	[tilespmem:$0x18420] =	vst v63  }
0x23: {  	_ =	swait.ge [sflag:s17], $0x3200  }
0x24: {  	[sflag:s17] =	ssyncset.done $0x0  }
0x25: {  	[sflag:s17] =	ssyncadd.s32 $0xFFFFCE00  }
0x26: {  	[spmem:s3] =	stream.indirect.scatter.add.bf16 [tilespmem:s15], [sflag:$0x4], $0x40, s11, s14, $0xb8;
	[tilespmem:$0x18420] =	vst v63  }
0x27: {  	s0 =	simm.s32 $0x190  }
0x28: {  	[tilespmem:s19], [sflag:$0x3] =	stream.indirect.gather [hbm4b:s2+s14], $0x40, s0, s14, $0xb8;
	[tilespmem:$0x18420] =	vst v63  }
0x29: {  	_ =	swait.ge [sflag:s20], $0x3200  }
0x2a: {  	[sflag:s20] =	ssyncset.done $0x0  }
0x2b: {  	s18 =	simm.s32 $0x27D8;
	[sflag:s20] =	ssyncadd.s32 $0xFFFFCE00  }
0x2c: {  	[spmem:s3] =	stream.indirect.scatter.add.bf16 [tilespmem:s16], [sflag:$0x5], $0x40, s18, s14, $0xb8;
	[tilespmem:$0x18420] =	vst v63  }
0x2d: {  	_ =	swait.ge [sflag:s22], $0x3200  }
0x2e: {  	[sflag:s22] =	ssyncset.done $0x0  }
0x2f: {  	[sflag:s22] =	ssyncadd.s32 $0xFFFFCE00  }
0x30: {  	[tilespmem:s15], [sflag:$0x1] =	stream.indirect.gather [hbm4b:s2+s14], $0x40, s23, s14, $0xb8;
	[tilespmem:$0x18420] =	vst v63  }
0x31: {  	_ =	swait.ge [sflag:s24], $0x3200  }
0x32: {  	[sflag:s24] =	ssyncset.done $0x0  }
0x33: {  	s21 =	simm.s32 $0x28A0;
	[sflag:s24] =	ssyncadd.s32 $0xFFFFCE00  }
0x34: {  	[spmem:s3] =	stream.indirect.scatter.add.bf16 [tilespmem:s19], [sflag:$0x6], $0x40, s21, s14, $0xb8;
	[tilespmem:$0x18420] =	vst v63  }
0x35: {  	_ =	swait.ge [sflag:s25], $0x3200  }
0x36: {  	[sflag:s25] =	ssyncset.done $0x0  }
0x37: {  	s18 =	simm.s32 $0x320;
	[sflag:s25] =	ssyncadd.s32 $0xFFFFCE00  }
0x38: {  	[tilespmem:s16], [sflag:$0x2] =	stream.indirect.gather [hbm4b:s2+s14], $0x40, s18, s14, $0xb8;
	[tilespmem:$0x18420] =	vst v63  }
0x39: {  	_ =	swait.ge [sflag:s17], $0x3200  }
0x3a: {  	[sflag:s17] =	ssyncset.done $0x0  }
0x3b: {  	s21 =	simm.s32 $0x2968;
	[sflag:s17] =	ssyncadd.s32 $0xFFFFCE00  }
0x3c: {  	[spmem:s3] =	stream.indirect.scatter.add.bf16 [tilespmem:s15], [sflag:$0x4], $0x40, s21, s14, $0xb8;
	[tilespmem:$0x18420] =	vst v63  }
0x3d: {  	_ =	swait.ge [sflag:s26], $0x3200  }
0x3e: {  	[sflag:s26] =	ssyncset.done $0x0  }
0x3f: {  	s18 =	simm.s32 $0x3E8;
	[sflag:s26] =	ssyncadd.s32 $0xFFFFCE00  }
0x40: {  	[tilespmem:s19], [sflag:$0x3] =	stream.indirect.gather [hbm4b:s2+s14], $0x40, s18, s14, $0xb8;
	[tilespmem:$0x18420] =	vst v63  }
0x41: {  	_ =	swait.ge [sflag:s20], $0x3200  }
0x42: {  	[sflag:s20] =	ssyncset.done $0x0  }
0x43: {  	s21 =	simm.s32 $0x2A30;
	[sflag:s20] =	ssyncadd.s32 $0xFFFFCE00  }
0x44: {  	[spmem:s3] =	stream.indirect.scatter.add.bf16 [tilespmem:s16], [sflag:$0x5], $0x40, s21, s14, $0xb8;
	[tilespmem:$0x18420] =	vst v63  }
0x45: {  	_ =	swait.ge [sflag:s22], $0x3200  }
0x46: {  	[sflag:s22] =	ssyncset.done $0x0  }
0x47: {  	s0 =	simm.s32 $0x960;
	s18 =	simm.s32 $0x4B0;
	[sflag:s22] =	ssyncadd.s32 $0xFFFFCE00  }
.LBB2_2:
0x48: {  	[tilespmem:s15], [sflag:$0x1] =	stream.indirect.gather [hbm4b:s2+s14], $0x40, s18, s14, $0xb8;
	[tilespmem:$0x18420] =	vst v63  }
0x49: {  	s18 =	smov.u32 s0  }
0x4a: {  	p0 =	sne.s32 s0, $0x8340;
	s0 =	sadd.s32 $0x960, s0;
	_ =	swait.ge [sflag:s24], $0x3200  }
0x4b: {  	s18 =	sshra.s32 s18, $0x2;
	[sflag:s24] =	ssyncset.done $0x0  }
0x4c: {  	s21 =	sadd.s32 $0x28A0, s18;
	[sflag:s24] =	ssyncadd.s32 $0xFFFFCE00  }
0x4d: {  	[spmem:s3] =	stream.indirect.scatter.add.bf16 [tilespmem:s19], [sflag:$0x6], $0x40, s21, s14, $0xb8;
	[tilespmem:$0x18420] =	vst v63  }
0x4e: {  	_ =	swait.ge [sflag:s25], $0x3200  }
0x4f: {  	[sflag:s25] =	ssyncset.done $0x0  }
0x50: {  	s21 =	sadd.s32 $0x320, s18;
	[sflag:s25] =	ssyncadd.s32 $0xFFFFCE00  }
0x51: {  	[tilespmem:s16], [sflag:$0x2] =	stream.indirect.gather [hbm4b:s2+s14], $0x40, s21, s14, $0xb8;
	[tilespmem:$0x18420] =	vst v63  }
0x52: {  	_ =	swait.ge [sflag:s17], $0x3200  }
0x53: {  	[sflag:s17] =	ssyncset.done $0x0  }
0x54: {  	s21 =	sadd.s32 $0x2968, s18;
	[sflag:s17] =	ssyncadd.s32 $0xFFFFCE00  }
0x55: {  	[spmem:s3] =	stream.indirect.scatter.add.bf16 [tilespmem:s15], [sflag:$0x4], $0x40, s21, s14, $0xb8;
	[tilespmem:$0x18420] =	vst v63  }
0x56: {  	_ =	swait.ge [sflag:s26], $0x3200  }
0x57: {  	[sflag:s26] =	ssyncset.done $0x0  }
0x58: {  	s21 =	sadd.s32 $0x3E8, s18;
	[sflag:s26] =	ssyncadd.s32 $0xFFFFCE00  }
0x59: {  	[tilespmem:s19], [sflag:$0x3] =	stream.indirect.gather [hbm4b:s2+s14], $0x40, s21, s14, $0xb8;
	[tilespmem:$0x18420] =	vst v63  }
0x5a: {  	_ =	swait.ge [sflag:s20], $0x3200  }
0x5b: {  	[sflag:s20] =	ssyncset.done $0x0  }
.Ltmp0:
0x5c: {  	s21 =	sadd.s32 $0x2A30, s18;
	[sflag:s20] =	ssyncadd.s32 $0xFFFFCE00;
	(pc) =	sbr.rel @p0 .LBB2_2-.Ltmp0, $4  }
0x5d: {  	[spmem:s3] =	stream.indirect.scatter.add.bf16 [tilespmem:s16], [sflag:$0x5], $0x40, s21, s14, $0xb8;
	[tilespmem:$0x18420] =	vst v63  }
0x5e: {  	_ =	swait.ge [sflag:s22], $0x3200  }
0x5f: {  	[sflag:s22] =	ssyncset.done $0x0  }
0x60: {  	s18 =	sadd.s32 $0x4B0, s18;
	[sflag:s22] =	ssyncadd.s32 $0xFFFFCE00  }
0x61: {  	[tilespmem:s15], [sflag:$0x1] =	stream.indirect.gather [hbm4b:s2+s14], $0x40, s18, s14, $0xb8;
	[tilespmem:$0x18420] =	vst v63  }
0x62: {  	_ =	swait.ge [sflag:s24], $0x3200  }
0x63: {  	[sflag:s24] =	ssyncset.done $0x0  }
0x64: {  	[sflag:s24] =	ssyncadd.s32 $0xFFFFCE00  }
0x65: {  	[spmem:s3] =	stream.indirect.scatter.add.bf16 [tilespmem:s19], [sflag:$0x6], $0x40, s28, s14, $0xb8;
	[tilespmem:$0x18420] =	vst v63  }
0x66: {  	_ =	swait.ge [sflag:s25], $0x3200  }
0x67: {  	[sflag:s25] =	ssyncset.done $0x0  }
0x68: {  	[sflag:s25] =	ssyncadd.s32 $0xFFFFCE00  }
0x69: {  	[tilespmem:s16], [sflag:$0x2] =	stream.indirect.gather [hbm4b:s2+s14], $0x40, s29, s14, $0xb8;
	[tilespmem:$0x18420] =	vst v63  }
0x6a: {  	_ =	swait.ge [sflag:s17], $0x3200  }
0x6b: {  	[sflag:s17] =	ssyncset.done $0x0  }
0x6c: {  	[sflag:s17] =	ssyncadd.s32 $0xFFFFCE00  }
0x6d: {  	[spmem:s3] =	stream.indirect.scatter.add.bf16 [tilespmem:s15], [sflag:$0x4], $0x40, s30, s14, $0xb8;
	[tilespmem:$0x18420] =	vst v63  }
0x6e: {  	_ =	swait.ge [sflag:s20], $0x3200  }
0x6f: {  	[sflag:s20] =	ssyncset.done $0x0  }
0x70: {  	[sflag:s20] =	ssyncadd.s32 $0xFFFFCE00  }
0x71: {  	[spmem:s3] =	stream.indirect.scatter.add.bf16 [tilespmem:s16], [sflag:$0x5], $0x40, s31, s14, $0xb8;
	[tilespmem:$0x18420] =	vst v63  }
0x72: {  	_ =	swait.ge [sflag:s26], $0x3200  }
0x73: {  	[sflag:s26] =	ssyncset.done $0x0  }
0x74: {  	[sflag:s26] =	ssyncadd.s32 $0xFFFFCE00  }
0x75: {  	_ =	swait.ge [sflag:s22], $0x3200  }
0x76: {  	[sflag:s22] =	ssyncset.done $0x0  }
0x77: {  	[sflag:s22] =	ssyncadd.s32 $0xFFFFCE00  }
0x78: {  	_ =	swait.ge [sflag:s25], $0x3200  }
0x79: {  	s1 =	sadd.s32 $0x1, s1;
	[sflag:s25] =	ssyncset.done $0x0  }
0x7a: {  	p0 =	sne.s32 s1, s9;
	[sflag:s25] =	ssyncadd.s32 $0xFFFFCE00  }
.Ltmp1:
0x7b: {  	[bflag:$0x0] =	sbarrier.arrive $0xFFFF;
	(pc) =	sbr.rel @p0 .LBB2_1-.Ltmp1, $4  }
0x7c: {  	[hbm:s8], [sflag:s12] =	dma.local [spmem:s13], $0x1400  }
0x7d: {  	_ =	swait.ge [sflag:s10], $0x1400  }
0x7e: {  	[sflag:s10] =	ssyncset.done $0x0  }
0x7f: {  	[sflag:s10] =	ssyncadd.s32 $0xFFFFEC00  }
0x80: {  	_ =	sfence.sel $0x180000  }
0x81: {  	[bflag:$0x0] =	sbarrier.arrive $0xFFFF  }
0x82: {  	_ =	strace $0x9000004A  }
0x83: {  	s0 =	stileid.u32;
	[bflag:$0x2] =	sbarrier.arrive $0xFFFF  }
0x84: {  	p0 =	sne.s32 s0, $0x0;
	s0 =	rddreg [dreg:$0x3]  }
0x85: {  	s0 =	sadd.s32 @!p0 $0x100000, s0  }
0x86: {  	[sflag:s0] =	ssyncadd.tile.s32 @!p0 $0x1;
	_ =	shalt  }
.Lfunc_end2:
_tile_overlayer_lowered:
.L_overlay_start_2:
0x87: {  	(tag) =	ssettag $0x2  }
0x88: {  	s0 =	rddreg [dreg:$0x0];
	s2 =	stileid.u32  }
0x89: {  	s1 =	rddreg [dreg:$0x1];
	p0 =	sne.s32 s2, $0x0  }
0x8a: {  	s3 =	rddreg [dreg:$0x2];
	[bflag:$0x3] =	sbarrier.arrive $0xFFFF;
	s2 =	simm.s32 @!p0 $0x1C07  }
0x8b: {  	[timem:s3], [sflag:s2] =	dma.local @!p0 [hbm:s0], s1  }
0x8c: {  	s0 =	simm.s32 @!p0 $0x7  }
0x8d: {  	_ =	swait.ge @!p0 [sflag:s0], s1  }
0x8e: {  	s1 =	ssub.s32 @!p0 $0x0, s1;
	[sflag:s0] =	ssyncset.done @!p0 $0x0  }
0x8f: {  	[sflag:s0] =	ssyncadd.s32 @!p0 s1  }
0x90: {  	[bflag:$0x3] =	sbarrier.arrive $0xFFFF  }
0x91: {  	_ =	shalt  }

// kernel: kernel.8.cloned.1.call-start
scs
__scs_entry_jumppad:
0x0: {  	(pc) =	sbr.rel $0x88, $3  }
0x1: {  	(tag) =	ssettag $0x0;
	lr =	simm.s32 $0x1  }
0x2: {  	[smem:$0x3F97] =	sst lr;
	_ =	strace $0xD0000000  }
0x3: {  	_ = 	snop  }
0x4: {  	_ = 	snop  }
0x5: {  	_ = 	snop  }
0x6: {  	_ = 	snop  }
0x7: {  	_ = 	snop  }
__scs_overlays_trampoline_lowered:
0x8: {  	[smem:$0x3FA6] =	sst s0  }
0x9: {  	[smem:$0x3FA7] =	sst s1  }
0xa: {  	[smem:$0x3FA8] =	sst s2  }
0xb: {  	[smem:$0x3FA9] =	sst s3  }
0xc: {  	[smem:$0x3FAA] =	sst s4  }
0xd: {  	[smem:$0x3FAB] =	sst s5  }
0xe: {  	[smem:$0x3FAC] =	sst s6  }
0xf: {  	[smem:$0x3FAD] =	sst s7  }
0x10: {  	[smem:$0x3FAE] =	sst s8  }
0x11: {  	[smem:$0x3FAF] =	sst s9;
	s0 =	simm.s32 @!p0 $0x0  }
0x12: {  	s1 =	sld [smem:$0x3F95];
	s0 =	simm.s32 @p0 $0x1  }
0x13: {  	[smem:$0x3FB0] =	sst s0;
	s0 =	simm.s32 @!p1 $0x0  }
0x14: {  	s2 =	sld [smem:$0x3F94];
	s0 =	simm.s32 @p1 $0x1  }
0x15: {  	[smem:$0x3FB1] =	sst s0;
	s0 =	simm.s32 @!p2 $0x0  }
0x16: {  	s3 =	sld [smem:$0x3FDB];
	s0 =	simm.s32 @p2 $0x1  }
0x17: {  	s4 =	simm.s32 $0x1BF5;
	[smem:$0x3FB3] =	sst s0  }
0x18: {  	s0 =	sld [smem:$0x3F96];
	_ =	swait.ge [sflag:s4], $0x0  }
0x19: {  	s7 =	sld [smem:$0x3F97]  }
0x1a: {  	s8 =	sadd.s32 $0xFFFFE003, lr  }
0x1b: {  	s9 =	sadd.s32 $0xFFFFFEF7, lr;
	s5 =	simm.s32 $0xFFFFFFFF;
	p2 =	slt.u32 s8, $0xFFFFF086  }
0x1c: {  	p1 =	slt.u32 s9, $0xF7A;
	s5 =	simm.s32 @!p2 $0x0  }
0x1d: {  	s5 =	simm.s32 @p1 $0x1;
	p0 =	seq.s32 s7, s2  }
0x1e: {  	s7 =	smul.u32 @!p0 $0xF7A, s2;
	p2 =	seq.s32 @!p0 s5, $0x0  }
0x1f: {  	s9 =	smul.u32 $0xF7A, s1;
	s8 =	simm.s32 @!p0 $0x1BF5;
	p2 =	por !p2, p0  }
0x20: {  	[sflag:s8] =	ssyncset.s32 @!p0 $0xFFFFF086;
	s6 =	sadd.s32 @!p0 s3, s7;
	s7 =	simm.s32 @!p0 $0x108  }
0x21: {  	s3 =	sadd.s32 s3, s9;
	s6 =	sadd.s32 @!p0 $0x88, s6;
	s7 =	simm.s32 @p2 $0x1082  }
0x22: {  	[simem:s7], [sflag:s8] =	dma.local @!p0 [hbm:s6], $0xF7A  }
0x23: {  	s9 =	sor.u32 $0xD0000000, s2;
	s6 =	simm.s32 $0x108;
	_ =	swait.ge @!p0 [sflag:s8], $0x0  }
0x24: {  	s3 =	sadd.s32 $0x88, s3;
	s6 =	simm.s32 @!p1 $0x1082;
	[sflag:s4] =	ssyncset.s32 $0xFFFFF086  }
0x25: {  	[simem:s6], [sflag:s4] =	dma.local [hbm:s3], $0xF7A  }
0x26: {  	[smem:$0x3F97] =	sst s1;
	(tag) =	ssettag s2;
	_ =	strace s9  }
0x27: {  	s1 =	sld [smem:$0x3FA7]  }
0x28: {  	s2 =	sld [smem:$0x3FA8]  }
0x29: {  	s4 =	sld [smem:$0x3FAA]  }
0x2a: {  	p0 =	seq.s32 s5, $0x0;
	s5 =	sld [smem:$0x3FAB]  }
0x2b: {  	s6 =	sld [smem:$0x3FAC]  }
0x2c: {  	s7 =	sld [smem:$0x3FAD]  }
0x2d: {  	s3 =	simm.s32 $0x108;
	s8 =	sld [smem:$0x3FAE]  }
0x2e: {  	s3 =	simm.s32 @!p0 $0x1082;
	s9 =	sld [smem:$0x3FAF]  }
0x2f: {  	lr =	sadd.s32 s0, s3;
	s0 =	sld [smem:$0x3FA6]  }
0x30: {  	s3 =	sld [smem:$0x3FA9]  }
0x31: {  	[smem:$0x3FB2] =	sst s10  }
0x32: {  	s10 =	sld [smem:$0x3FB0];
	_ =	sdelay $0x3  }
0x33: {  	p0 =	seq.s32 s10, $0x1;
	s10 =	sld [smem:$0x3FB2];
	_ =	sdelay $0x3  }
0x34: {  	[smem:$0x3FB2] =	sst s10  }
0x35: {  	s10 =	sld [smem:$0x3FB1];
	_ =	sdelay $0x3  }
0x36: {  	p1 =	seq.s32 s10, $0x1;
	s10 =	sld [smem:$0x3FB2];
	_ =	sdelay $0x3  }
0x37: {  	[smem:$0x3FB2] =	sst s10  }
0x38: {  	s10 =	sld [smem:$0x3FB3]  }
0x39: {  	_ = 	snop;
	(pc) =	sbr.ind lr, $3  }
0x3a: {  	_ = 	snop  }
0x3b: {  	_ = 	snop  }
0x3c: {  	p2 =	seq.s32 s10, $0x1;
	s10 =	sld [smem:$0x3FB2]  }
0x3d: {  	_ =	shalt  }
0x3e: {  	_ =	shalt  }
0x3f: {  	_ =	shalt  }
0x40: {  	_ =	shalt  }
0x41: {  	_ =	shalt  }
0x42: {  	_ =	shalt  }
0x43: {  	_ =	shalt  }
0x44: {  	_ =	shalt  }
0x45: {  	_ =	shalt  }
0x46: {  	_ =	shalt  }
0x47: {  	_ =	shalt  }
0x48: {  	_ =	shalt  }
0x49: {  	_ =	shalt  }
0x4a: {  	_ =	shalt  }
0x4b: {  	_ =	shalt  }
0x4c: {  	_ =	shalt  }
0x4d: {  	_ =	shalt  }
0x4e: {  	_ =	shalt  }
0x4f: {  	_ =	shalt  }
0x50: {  	_ =	shalt  }
0x51: {  	_ =	shalt  }
0x52: {  	_ =	shalt  }
0x53: {  	_ =	shalt  }
0x54: {  	_ =	shalt  }
0x55: {  	_ =	shalt  }
0x56: {  	_ =	shalt  }
0x57: {  	_ =	shalt  }
0x58: {  	_ =	shalt  }
0x59: {  	_ =	shalt  }
0x5a: {  	_ =	shalt  }
0x5b: {  	_ =	shalt  }
0x5c: {  	_ =	shalt  }
0x5d: {  	_ =	shalt  }
0x5e: {  	_ =	shalt  }
0x5f: {  	_ =	shalt  }
0x60: {  	_ =	shalt  }
0x61: {  	_ =	shalt  }
0x62: {  	_ =	shalt  }
0x63: {  	_ =	shalt  }
0x64: {  	_ =	shalt  }
0x65: {  	_ =	shalt  }
0x66: {  	_ =	shalt  }
0x67: {  	_ =	shalt  }
0x68: {  	_ =	shalt  }
0x69: {  	_ =	shalt  }
0x6a: {  	_ =	shalt  }
0x6b: {  	_ =	shalt  }
0x6c: {  	_ =	shalt  }
0x6d: {  	_ =	shalt  }
0x6e: {  	_ =	shalt  }
0x6f: {  	_ =	shalt  }
0x70: {  	_ =	shalt  }
0x71: {  	_ =	shalt  }
0x72: {  	_ =	shalt  }
0x73: {  	_ =	shalt  }
0x74: {  	_ =	shalt  }
0x75: {  	_ =	shalt  }
0x76: {  	_ =	shalt  }
0x77: {  	_ =	shalt  }
0x78: {  	_ =	shalt  }
0x79: {  	_ =	shalt  }
0x7a: {  	_ =	shalt  }
0x7b: {  	_ =	shalt  }
0x7c: {  	_ =	shalt  }
0x7d: {  	_ =	shalt  }
0x7e: {  	_ =	shalt  }
0x7f: {  	_ =	shalt  }
0x80: {  	_ =	shalt  }
0x81: {  	_ =	shalt  }
0x82: {  	_ =	shalt  }
0x83: {  	_ =	shalt  }
0x84: {  	_ =	shalt  }
0x85: {  	_ =	shalt  }
0x86: {  	_ =	shalt  }
0x87: {  	_ =	shalt  }
.Lfunc_end0:
.L_simem_size_0:
called_computation_lowered:
.L_overlay_start_0:
0x88: {  	s2 =	sld [smem:$0x3FD9]  }
0x89: {  	s3 =	sld [smem:$0x3FFE];
	_ =	sdelay $0x1  }
0x8a: {  	s1 =	srdreg.scid  }
0x8b: {  	s0 =	sand.u32 $0x1, s1  }
0x8c: {  	s17 =	sshll.u32 s0, $0xA;
	s2 =	sadd.s32 s3, s2  }
0x8d: {  	s2 =	sadd.s32 s2, s17  }
0x8e: {  	[smem:$0x3FBE] =	sst s2  }
0x8f: {  	_ = 	snop  }
0x90: {  	s2 =	sld [smem:$0x3FD0];
	(tm) =	ssettm $0x1  }
0x91: {  	s18 =	sld [smem:$0x3FFB];
	_ =	sdelay $0x3  }
0x92: {  	_ =	strace s18  }
0x93: {  	s3 =	sld [smem:$0x3FFC];
	_ =	sdelay $0x3  }
0x94: {  	_ =	strace s3  }
0x95: {  	s3 =	sld [smem:$0x3FFD];
	_ =	sdelay $0x3  }
0x96: {  	_ =	strace s3  }
0x97: {  	_ =	strace $0x8FFFFFFF  }
0x98: {  	s19 =	sld [smem:$0x3FDB];
	_ =	sdelay $0x1  }
0x99: {  	s4 =	simm.s32 $_scs_section_size  }
0x9a: {  	s5 =	simm.s32 $_size__tile_overlayer_lowered;
	s6 =	simm.s32 $_tile_overlayer_lowered  }
0x9b: {  	s22 =	simm.s32 $0x1BFF;
	s21 =	sshll.u32 s6, $0x1;
	s3 =	sadd.s32 s4, s19  }
0x9c: {  	s7 =	simm.s32 $0x0;
	s20 =	sshll.u32 s5, $0x1;
	s5 =	sadd.s32 s21, s3  }
0x9d: {  	[timem:s7], [sflag:s22] =	dma.local [hbm:s5], s20  }
0x9e: {  	_ =	swait.ge [sflag:s22], s20  }
0x9f: {  	s4 =	ssub.s32 $0x0, s20;
	[sflag:s22] =	ssyncset.done $0x0  }
0xa0: {  	[sflag:s22] =	ssyncadd.s32 s4;
	_ =	sdelay $0x1  }
0xa1: {  	s23 =	simm.s32 $0x1B8B  }
0xa2: {  	_ =	swait.ge [sflag:s23], $0x1  }
0xa3: {  	[sflag:s23] =	ssyncset.done $0x0  }
0xa4: {  	s25 =	simm.s32 $0x1B8E;
	s24 =	sld [smem:$0x3FFE];
	[sflag:s23] =	ssyncadd.s32 $0xFFFFFFFF  }
0xa5: {  	s26 =	simm.s32 $execute0_lowered;
	[smem:$0x3FD2] =	sst s25  }
0xa6: {  	s5 =	sshll.u32 s26, $0x1;
	_ =	strace $0x80000046;
	[dreg:$0x1] =	wrdreg $0xFFFFFFFF  }
0xa7: {  	s28 =	simm.s32 $_size_execute0_lowered;
	s3 =	sadd.s32 s3, s5;
	[dreg:$0x0] =	wrdreg $0x0  }
0xa8: {  	s5 =	sshll.u32 s28, $0x1;
	[dreg:$0x2] =	wrdreg s3  }
0xa9: {  	[dreg:$0x3] =	wrdreg s5  }
0xaa: {  	[dreg:$0x4] =	wrdreg $0xC0  }
0xab: {  	_ =	task [dreg:s7], $0x5FFFF  }
0xac: {  	[dreg:$0x1] =	wrdreg $0xFFFFFFFF  }
0xad: {  	[dreg:$0x0] =	wrdreg $0x60  }
0xae: {  	[dreg:$0x2] =	wrdreg s2  }
0xaf: {  	[dreg:$0x3] =	wrdreg s24  }
0xb0: {  	[dreg:$0x4] =	wrdreg $0xE4E80  }
0xb1: {  	[dreg:$0x5] =	wrdreg $0x184E80  }
0xb2: {  	[dreg:$0x6] =	wrdreg $0x9  }
0xb3: {  	_ =	task.clear_ibuf [dreg:s7], $0x7FFFF;
	_ =	strace $0x90000046  }
0xb4: {  	s29 =	simm.s32 $0x9;
	_ =	strace $0x80000048  }
0xb5: {  	_ =	swait.ge [sflag:s29], $0x1  }
0xb6: {  	[sflag:s29] =	ssyncadd.s32 $0xFFFFFFFF  }
0xb7: {  	_ =	strace $0x90000048  }
0xb8: {  	_ =	sfence  }
0xb9: {  	s30 =	sld [smem:$0x0];
	_ =	sdelay $0x2  }
0xba: {  	s31 =	sshll.u32 s1, $0xD;
	s1 =	sshrl.u32 s1, $0x2  }
0xbb: {  	s3 =	sand.u32 $0x4000, s31;
	s1 =	sadd.s32 s1, s30  }
0xbc: {  	s0 =	sor.u32 s3, s0;
	s1 =	sshll.u32 s1, $0x11  }
0xbd: {  	s0 =	sor.u32 s1, s0  }
0xbe: {  	s0 =	sadd.s32 $0x8F2B, s0  }
0xbf: {  	[sflag:s0] =	ssyncadd.remote.s32 $0x1  }
0xc0: {  	_ =	sfence.sel $0xFFFF  }
0xc1: {  	[dreg:$0x0] =	wrdreg $0xFFFFFFFF;
	(pc) =	sbr.abs _section_cstart, $3  }
0xc2: {  	[dreg:$0x1] =	wrdreg $0xFFFFFFFF  }
0xc3: {  	_ =	task.clear_ibuf [dreg:s7], $0x2FFFF;
	_ =	strace $0x9FFFFFFF  }
0xc4: {  	(tm) =	ssettm $0x7FFFFFFF  }
0xc5: {  	_ =	shalt  }
tec
execute0_lowered:
.L_overlay_start_1:
0x0: {  	(tag) =	ssettag $0x1  }
0x1: {  	s0 =	rddreg [dreg:$0x0]  }
0x2: {  	s5 =	rddreg [dreg:$0x1]  }
0x3: {  	s1 =	srdreg.scid;
	s2 =	rddreg [dreg:$0x2]  }
0x4: {  	s6 =	stileid.u32;
	s3 =	rddreg [dreg:$0x3]  }
0x5: {  	s13 =	simm.s32 $0xA;
	s14 =	simm.s32 $0x2710;
	s17 =	simm.s32 $0xE420  }
0x6: {  	s19 =	simm.s32 $0xC8;
	s28 =	simm.s32 $0x4;
	s29 =	simm.s32 $0x7  }
0x7: {  	s31 =	simm.s32 $0x3;
	s30 =	simm.s32 $0x6;
	s1 =	sand.u32 $0x1, s1  }
0x8: {  	s8 =	smul.u32 $0x14000, s6;
	s10 =	sadd.s32 $0x15C00, s5;
	s20 =	sadd.s32 $0x17000, s5  }
0x9: {  	s11 =	sadd.s32 $0x17600, s5;
	p0 =	sne.s32 s6, $0x0;
	s9 =	smul.u32 $0x140000, s1  }
0xa: {  	s26 =	sshll.u32 s6, $0x6;
	s4 =	sshll.u32 s1, $0x4;
	s21 =	smul.u32 $0x500, s1  }
0xb: {  	s1 =	ssub.s32 $0x2, s1;
	s15 =	sor.u32 $0x1C0A, s26;
	s18 =	sshrl.u32 @!p0 s3, $0x3  }
0xc: {  	s26 =	simm.s32 $0x27D8;
	s7 =	sor.u32 s6, s4;
	s4 =	simm.s32 $0x0  }
0xd: {  	s22 =	sshrl.u32 s1, $0x1;
	s24 =	sshrl.u32 s8, $0x1;
	s6 =	simm.s32 $0x4BC8  }
0xe: {  	s7 =	smul.u32 $0x2710, s7;
	[smem:$0x7FF] =	sst s4;
	s9 =	sadd.s32 s8, s9  }
0xf: {  	s1 =	ssub.s32 s1, s22;
	_ =	strace $0x80000047;
	[dreg:$0x5] =	wrdreg s10  }
0x10: {  	s22 =	simm.s32 $0x1;
	s8 =	simm.s32 $0x4D58;
	[dreg:$0x6] =	wrdreg s20  }
0x11: {  	[dreg:$0x7] =	wrdreg s11;
	s9 =	sshrl.u32 s9, $0x4;
	s1 =	smax.u32 s1, $0x1  }
0x12: {  	s20 =	simm.s32 $0x4E20;
	s7 =	sshrl.u32 s7, $0x3;
	s9 =	sadd.s32 s9, s5  }
0x13: {  	[dreg:$0xc] =	wrdreg s1;
	s1 =	simm.s32 $0x5;
	s7 =	sadd.s32 s7, s5  }
0x14: {  	s5 =	sadd.s32 s21, s5;
	s25 =	sadd.s32 $0x17800, s9;
	s21 =	simm.s32 $0x8020  }
0x15: {  	s9 =	simm.s32 $0x0;
	s23 =	sadd.s32 $0x2200, s7;
	[dreg:$0xa] =	wrdreg s25  }
0x16: {  	s7 =	sadd.s32 $0xBE40, s7;
	s5 =	sadd.s32 $0x3F800, s5;
	[dreg:$0x8] =	wrdreg s23  }
0x17: {  	s25 =	simm.s32 $0x2;
	[dreg:$0x9] =	wrdreg s7;
	s7 =	sadd.s32 s24, s2  }
0x18: {  	[dreg:$0xb] =	wrdreg s5;
	s24 =	simm.s32 $0xB220;
	s23 =	simm.s32 $0x8  }
0x19: {  	s5 =	simm.s32 $0x9;
	s16 =	sshrl.u32 s7, $0x3;
	s7 =	simm.s32 $0x4C90  }
.LBB2_1:
0x1a: {  	s10 =	rddreg [dreg:$0x8]  }
0x1b: {  	[tilespmem:s4], [sflag:$0xA] =	stream.linear.gather [hbm4b:s10+s4], $0x2710, $0x38;
	[tilespmem:$0x18768] =	vst v63  }
0x1c: {  	_ =	swait.ge [sflag:s13], $0x2710  }
0x1d: {  	[sflag:s13] =	ssyncset.done $0x0  }
0x1e: {  	s11 =	rddreg [dreg:$0x9];
	[sflag:s13] =	ssyncadd.s32 $0xFFFFD8F0  }
0x1f: {  	[tilespmem:s14], [sflag:$0xA] =	stream.linear.gather [hbm4b:s11+s4], $0x2710, $0x38;
	[tilespmem:$0x18768] =	vst v63  }
0x20: {  	_ =	swait.ge [sflag:s13], $0x2710  }
0x21: {  	[sflag:s13] =	ssyncset.done $0x0  }
0x22: {  	s12 =	rddreg [dreg:$0x5];
	[sflag:s13] =	ssyncadd.s32 $0xFFFFD8F0  }
0x23: {  	[spmem:s16], [sflag:s15] =	dma.local [hbm:s12], $0x1400  }
0x24: {  	_ =	swait.ge [sflag:s13], $0x1400  }
0x25: {  	[sflag:s13] =	ssyncset.done $0x0  }
0x26: {  	s11 =	rddreg [dreg:$0x7];
	[sflag:s13] =	ssyncadd.s32 $0xFFFFEC00  }
0x27: {  	[tilespmem:s17], [sflag:$0xA] =	stream.linear.gather [hbm4b:s11+s4], $0xC8, $0x38;
	[tilespmem:$0x18768] =	vst v63  }
0x28: {  	_ =	swait.ge [sflag:s13], $0xC8  }
0x29: {  	[sflag:s13] =	ssyncset.done $0x0  }
0x2a: {  	s10 =	rddreg [dreg:$0x6];
	[sflag:s13] =	ssyncadd.s32 $0xFFFFFF38  }
0x2b: {  	[spmem:s18], [sflag:s15] =	dma.local @!p0 [hbm:s10], $0x500  }
0x2c: {  	s10 =	simm.s32 @!p0 $0xA  }
0x2d: {  	_ =	swait.ge @!p0 [sflag:s10], $0x500  }
0x2e: {  	[sflag:s10] =	ssyncset.done @!p0 $0x0  }
0x2f: {  	[sflag:s10] =	ssyncadd.s32 @!p0 $0xFFFFFB00  }
0x30: {  	[bflag:$0x0] =	sbarrier.arrive $0xFFFF  }
0x31: {  	[tilespmem:s20], [sflag:$0x1] =	stream.indirect.gather [hbm4b:s0+s19], $0x40, s4, s19, $0xb8;
	[tilespmem:$0x18768] =	vst v63  }
0x32: {  	_ = 	snop  }
0x33: {  	[tilespmem:s21], [sflag:$0x2] =	stream.indirect.gather [hbm4b:s0+s19], $0x40, s19, s19, $0xb8;
	[tilespmem:$0x18768] =	vst v63  }
0x34: {  	_ =	swait.ge [sflag:s22], $0x3200  }
0x35: {  	[sflag:s22] =	ssyncset.done $0x0  }
0x36: {  	[sflag:s22] =	ssyncadd.s32 $0xFFFFCE00  }
0x37: {  	[spmem:s2] =	stream.indirect.scatter.add.bf16 [tilespmem:s20], [sflag:$0x4], $0x40, s14, s19, $0xb8;
	[tilespmem:$0x18768] =	vst v63  }
0x38: {  	_ = 	snop  }
0x39: {  	[spmem:s3] =	stream.indirect.scatter.add.f32 [tilespmem:s17], [sflag:$0x7], $0x1, s14, s19, $0xb8;
	[tilespmem:$0x18768] =	vst v63  }
0x3a: {  	s12 =	simm.s32 $0x190  }
0x3b: {  	[tilespmem:s24], [sflag:$0x3] =	stream.indirect.gather [hbm4b:s0+s19], $0x40, s12, s19, $0xb8;
	[tilespmem:$0x18768] =	vst v63  }
0x3c: {  	_ =	swait.ge [sflag:s25], $0x3200  }
0x3d: {  	[sflag:s25] =	ssyncset.done $0x0  }
0x3e: {  	[sflag:s25] =	ssyncadd.s32 $0xFFFFCE00  }
0x3f: {  	[spmem:s2] =	stream.indirect.scatter.add.bf16 [tilespmem:s21], [sflag:$0x5], $0x40, s26, s19, $0xb8;
	[tilespmem:$0x18768] =	vst v63  }
0x40: {  	_ = 	snop  }
0x41: {  	[spmem:s3] =	stream.indirect.scatter.add.f32 [tilespmem:s17], [sflag:$0x8], $0x1, s26, s19, $0xb8;
	[tilespmem:$0x18768] =	vst v63  }
0x42: {  	_ =	swait.ge [sflag:s28], $0x3200  }
0x43: {  	[sflag:s28] =	ssyncset.done $0x0  }
0x44: {  	[sflag:s28] =	ssyncadd.s32 $0xFFFFCE00  }
0x45: {  	_ =	swait.ge [sflag:s29], $0xC8  }
0x46: {  	[sflag:s29] =	ssyncset.done $0x0  }
0x47: {  	s11 =	simm.s32 $0x258;
	[sflag:s29] =	ssyncadd.s32 $0xFFFFFF38  }
0x48: {  	[tilespmem:s20], [sflag:$0x1] =	stream.indirect.gather [hbm4b:s0+s19], $0x40, s11, s19, $0xb8;
	[tilespmem:$0x18768] =	vst v63  }
0x49: {  	_ =	swait.ge [sflag:s31], $0x3200  }
0x4a: {  	[sflag:s31] =	ssyncset.done $0x0  }
0x4b: {  	s12 =	simm.s32 $0x28A0;
	[sflag:s31] =	ssyncadd.s32 $0xFFFFCE00  }
0x4c: {  	[spmem:s2] =	stream.indirect.scatter.add.bf16 [tilespmem:s24], [sflag:$0x6], $0x40, s12, s19, $0xb8;
	[tilespmem:$0x18768] =	vst v63  }
0x4d: {  	_ = 	snop  }
0x4e: {  	[spmem:s3] =	stream.indirect.scatter.add.f32 [tilespmem:s17], [sflag:$0x9], $0x1, s12, s19, $0xb8;
	[tilespmem:$0x18768] =	vst v63  }
0x4f: {  	_ =	swait.ge [sflag:s1], $0x3200  }
0x50: {  	[sflag:s1] =	ssyncset.done $0x0  }
0x51: {  	[sflag:s1] =	ssyncadd.s32 $0xFFFFCE00  }
0x52: {  	_ =	swait.ge [sflag:s23], $0xC8  }
0x53: {  	[sflag:s23] =	ssyncset.done $0x0  }
0x54: {  	s11 =	simm.s32 $0x320;
	[sflag:s23] =	ssyncadd.s32 $0xFFFFFF38  }
0x55: {  	[tilespmem:s21], [sflag:$0x2] =	stream.indirect.gather [hbm4b:s0+s19], $0x40, s11, s19, $0xb8;
	[tilespmem:$0x18768] =	vst v63  }
0x56: {  	_ =	swait.ge [sflag:s22], $0x3200  }
0x57: {  	[sflag:s22] =	ssyncset.done $0x0  }
0x58: {  	s12 =	simm.s32 $0x2968;
	[sflag:s22] =	ssyncadd.s32 $0xFFFFCE00  }
0x59: {  	[spmem:s2] =	stream.indirect.scatter.add.bf16 [tilespmem:s20], [sflag:$0x4], $0x40, s12, s19, $0xb8;
	[tilespmem:$0x18768] =	vst v63  }
0x5a: {  	_ = 	snop  }
0x5b: {  	[spmem:s3] =	stream.indirect.scatter.add.f32 [tilespmem:s17], [sflag:$0x7], $0x1, s12, s19, $0xb8;
	[tilespmem:$0x18768] =	vst v63  }
0x5c: {  	_ =	swait.ge [sflag:s30], $0x3200  }
0x5d: {  	[sflag:s30] =	ssyncset.done $0x0  }
0x5e: {  	[sflag:s30] =	ssyncadd.s32 $0xFFFFCE00  }
0x5f: {  	_ =	swait.ge [sflag:s5], $0xC8  }
0x60: {  	[sflag:s5] =	ssyncset.done $0x0  }
0x61: {  	s11 =	simm.s32 $0x3E8;
	[sflag:s5] =	ssyncadd.s32 $0xFFFFFF38  }
0x62: {  	[tilespmem:s24], [sflag:$0x3] =	stream.indirect.gather [hbm4b:s0+s19], $0x40, s11, s19, $0xb8;
	[tilespmem:$0x18768] =	vst v63  }
0x63: {  	_ =	swait.ge [sflag:s25], $0x3200  }
0x64: {  	[sflag:s25] =	ssyncset.done $0x0  }
0x65: {  	s12 =	simm.s32 $0x2A30;
	[sflag:s25] =	ssyncadd.s32 $0xFFFFCE00  }
0x66: {  	[spmem:s2] =	stream.indirect.scatter.add.bf16 [tilespmem:s21], [sflag:$0x5], $0x40, s12, s19, $0xb8;
	[tilespmem:$0x18768] =	vst v63  }
0x67: {  	_ = 	snop  }
0x68: {  	[spmem:s3] =	stream.indirect.scatter.add.f32 [tilespmem:s17], [sflag:$0x8], $0x1, s12, s19, $0xb8;
	[tilespmem:$0x18768] =	vst v63  }
0x69: {  	_ =	swait.ge [sflag:s28], $0x3200  }
0x6a: {  	[sflag:s28] =	ssyncset.done $0x0  }
0x6b: {  	[sflag:s28] =	ssyncadd.s32 $0xFFFFCE00  }
0x6c: {  	_ =	swait.ge [sflag:s29], $0xC8  }
0x6d: {  	[sflag:s29] =	ssyncset.done $0x0  }
0x6e: {  	s10 =	simm.s32 $0x960;
	s11 =	simm.s32 $0x4B0;
	[sflag:s29] =	ssyncadd.s32 $0xFFFFFF38  }
.LBB2_2:
0x6f: {  	[tilespmem:s20], [sflag:$0x1] =	stream.indirect.gather [hbm4b:s0+s19], $0x40, s11, s19, $0xb8;
	[tilespmem:$0x18768] =	vst v63  }
0x70: {  	s11 =	smov.u32 s10  }
0x71: {  	p1 =	sne.s32 s10, $0x8340;
	s10 =	sadd.s32 $0x960, s10;
	_ =	swait.ge [sflag:s31], $0x3200  }
0x72: {  	s11 =	sshra.s32 s11, $0x2;
	[sflag:s31] =	ssyncset.done $0x0  }
0x73: {  	s12 =	sadd.s32 $0x28A0, s11;
	[sflag:s31] =	ssyncadd.s32 $0xFFFFCE00  }
0x74: {  	[spmem:s2] =	stream.indirect.scatter.add.bf16 [tilespmem:s24], [sflag:$0x6], $0x40, s12, s19, $0xb8;
	[tilespmem:$0x18768] =	vst v63  }
0x75: {  	_ = 	snop  }
0x76: {  	[spmem:s3] =	stream.indirect.scatter.add.f32 [tilespmem:s17], [sflag:$0x9], $0x1, s12, s19, $0xb8;
	[tilespmem:$0x18768] =	vst v63  }
0x77: {  	_ =	swait.ge [sflag:s1], $0x3200  }
0x78: {  	[sflag:s1] =	ssyncset.done $0x0  }
0x79: {  	[sflag:s1] =	ssyncadd.s32 $0xFFFFCE00  }
0x7a: {  	_ =	swait.ge [sflag:s23], $0xC8  }
0x7b: {  	[sflag:s23] =	ssyncset.done $0x0  }
0x7c: {  	s12 =	sadd.s32 $0x320, s11;
	[sflag:s23] =	ssyncadd.s32 $0xFFFFFF38  }
0x7d: {  	[tilespmem:s21], [sflag:$0x2] =	stream.indirect.gather [hbm4b:s0+s19], $0x40, s12, s19, $0xb8;
	[tilespmem:$0x18768] =	vst v63  }
0x7e: {  	_ =	swait.ge [sflag:s22], $0x3200  }
0x7f: {  	[sflag:s22] =	ssyncset.done $0x0  }
0x80: {  	s12 =	sadd.s32 $0x2968, s11;
	[sflag:s22] =	ssyncadd.s32 $0xFFFFCE00  }
0x81: {  	[spmem:s2] =	stream.indirect.scatter.add.bf16 [tilespmem:s20], [sflag:$0x4], $0x40, s12, s19, $0xb8;
	[tilespmem:$0x18768] =	vst v63  }
0x82: {  	_ = 	snop  }
0x83: {  	[spmem:s3] =	stream.indirect.scatter.add.f32 [tilespmem:s17], [sflag:$0x7], $0x1, s12, s19, $0xb8;
	[tilespmem:$0x18768] =	vst v63  }
0x84: {  	_ =	swait.ge [sflag:s30], $0x3200  }
0x85: {  	[sflag:s30] =	ssyncset.done $0x0  }
0x86: {  	[sflag:s30] =	ssyncadd.s32 $0xFFFFCE00  }
0x87: {  	_ =	swait.ge [sflag:s5], $0xC8  }
0x88: {  	[sflag:s5] =	ssyncset.done $0x0  }
0x89: {  	s12 =	sadd.s32 $0x3E8, s11;
	[sflag:s5] =	ssyncadd.s32 $0xFFFFFF38  }
0x8a: {  	[tilespmem:s24], [sflag:$0x3] =	stream.indirect.gather [hbm4b:s0+s19], $0x40, s12, s19, $0xb8;
	[tilespmem:$0x18768] =	vst v63  }
0x8b: {  	_ =	swait.ge [sflag:s25], $0x3200  }
0x8c: {  	[sflag:s25] =	ssyncset.done $0x0  }
0x8d: {  	s12 =	sadd.s32 $0x2A30, s11;
	[sflag:s25] =	ssyncadd.s32 $0xFFFFCE00  }
0x8e: {  	[spmem:s2] =	stream.indirect.scatter.add.bf16 [tilespmem:s21], [sflag:$0x5], $0x40, s12, s19, $0xb8;
	[tilespmem:$0x18768] =	vst v63  }
0x8f: {  	_ = 	snop  }
0x90: {  	[spmem:s3] =	stream.indirect.scatter.add.f32 [tilespmem:s17], [sflag:$0x8], $0x1, s12, s19, $0xb8;
	[tilespmem:$0x18768] =	vst v63  }
0x91: {  	_ =	swait.ge [sflag:s28], $0x3200  }
.Ltmp0:
0x92: {  	[sflag:s28] =	ssyncset.done $0x0;
	(pc) =	sbr.rel @p1 .LBB2_2-.Ltmp0, $4  }
0x93: {  	[sflag:s28] =	ssyncadd.s32 $0xFFFFCE00  }
0x94: {  	_ =	swait.ge [sflag:s29], $0xC8  }
0x95: {  	[sflag:s29] =	ssyncset.done $0x0  }
0x96: {  	s11 =	sadd.s32 $0x4B0, s11;
	[sflag:s29] =	ssyncadd.s32 $0xFFFFFF38  }
0x97: {  	[tilespmem:s20], [sflag:$0x1] =	stream.indirect.gather [hbm4b:s0+s19], $0x40, s11, s19, $0xb8;
	[tilespmem:$0x18768] =	vst v63  }
0x98: {  	_ =	swait.ge [sflag:s31], $0x3200  }
0x99: {  	[sflag:s31] =	ssyncset.done $0x0  }
0x9a: {  	[sflag:s31] =	ssyncadd.s32 $0xFFFFCE00  }
0x9b: {  	[spmem:s2] =	stream.indirect.scatter.add.bf16 [tilespmem:s24], [sflag:$0x6], $0x40, s6, s19, $0xb8;
	[tilespmem:$0x18768] =	vst v63  }
0x9c: {  	_ = 	snop  }
0x9d: {  	[spmem:s3] =	stream.indirect.scatter.add.f32 [tilespmem:s17], [sflag:$0x9], $0x1, s6, s19, $0xb8;
	[tilespmem:$0x18768] =	vst v63  }
0x9e: {  	_ =	swait.ge [sflag:s1], $0x3200  }
0x9f: {  	[sflag:s1] =	ssyncset.done $0x0  }
0xa0: {  	[sflag:s1] =	ssyncadd.s32 $0xFFFFCE00  }
0xa1: {  	_ =	swait.ge [sflag:s23], $0xC8  }
0xa2: {  	[sflag:s23] =	ssyncset.done $0x0  }
0xa3: {  	s10 =	simm.s32 $0x2648;
	[sflag:s23] =	ssyncadd.s32 $0xFFFFFF38  }
0xa4: {  	[tilespmem:s21], [sflag:$0x2] =	stream.indirect.gather [hbm4b:s0+s19], $0x40, s10, s19, $0xb8;
	[tilespmem:$0x18768] =	vst v63  }
0xa5: {  	_ =	swait.ge [sflag:s22], $0x3200  }
0xa6: {  	[sflag:s22] =	ssyncset.done $0x0  }
0xa7: {  	[sflag:s22] =	ssyncadd.s32 $0xFFFFCE00  }
0xa8: {  	[spmem:s2] =	stream.indirect.scatter.add.bf16 [tilespmem:s20], [sflag:$0x4], $0x40, s7, s19, $0xb8;
	[tilespmem:$0x18768] =	vst v63  }
0xa9: {  	_ = 	snop  }
0xaa: {  	[spmem:s3] =	stream.indirect.scatter.add.f32 [tilespmem:s17], [sflag:$0x7], $0x1, s7, s19, $0xb8;
	[tilespmem:$0x18768] =	vst v63  }
0xab: {  	_ =	swait.ge [sflag:s25], $0x3200  }
0xac: {  	[sflag:s25] =	ssyncset.done $0x0  }
0xad: {  	[sflag:s25] =	ssyncadd.s32 $0xFFFFCE00  }
0xae: {  	[spmem:s2] =	stream.indirect.scatter.add.bf16 [tilespmem:s21], [sflag:$0x5], $0x40, s8, s19, $0xb8;
	[tilespmem:$0x18768] =	vst v63  }
0xaf: {  	_ = 	snop  }
0xb0: {  	[spmem:s3] =	stream.indirect.scatter.add.f32 [tilespmem:s17], [sflag:$0x8], $0x1, s8, s19, $0xb8;
	[tilespmem:$0x18768] =	vst v63  }
0xb1: {  	_ =	swait.ge [sflag:s30], $0x3200  }
0xb2: {  	[sflag:s30] =	ssyncset.done $0x0  }
0xb3: {  	[sflag:s30] =	ssyncadd.s32 $0xFFFFCE00  }
0xb4: {  	_ =	swait.ge [sflag:s5], $0xC8  }
0xb5: {  	[sflag:s5] =	ssyncset.done $0x0  }
0xb6: {  	[sflag:s5] =	ssyncadd.s32 $0xFFFFFF38  }
0xb7: {  	_ =	swait.ge [sflag:s28], $0x3200  }
0xb8: {  	[sflag:s28] =	ssyncset.done $0x0  }
0xb9: {  	[sflag:s28] =	ssyncadd.s32 $0xFFFFCE00  }
0xba: {  	_ =	swait.ge [sflag:s29], $0xC8  }
0xbb: {  	[sflag:s29] =	ssyncset.done $0x0  }
0xbc: {  	[sflag:s29] =	ssyncadd.s32 $0xFFFFFF38  }
0xbd: {  	_ =	swait.ge [sflag:s1], $0x3200  }
0xbe: {  	[sflag:s1] =	ssyncset.done $0x0  }
0xbf: {  	[sflag:s1] =	ssyncadd.s32 $0xFFFFCE00  }
0xc0: {  	_ =	swait.ge [sflag:s23], $0xC8  }
0xc1: {  	[sflag:s23] =	ssyncset.done $0x0  }
0xc2: {  	[sflag:s23] =	ssyncadd.s32 $0xFFFFFF38  }
0xc3: {  	[bflag:$0x0] =	sbarrier.arrive $0xFFFF  }
0xc4: {  	s11 =	rddreg [dreg:$0xa]  }
0xc5: {  	[hbm:s11], [sflag:s15] =	dma.local [spmem:s16], $0x1400  }
0xc6: {  	_ =	swait.ge [sflag:s13], $0x1400  }
0xc7: {  	[sflag:s13] =	ssyncset.done $0x0  }
0xc8: {  	s10 =	rddreg [dreg:$0xb];
	[sflag:s13] =	ssyncadd.s32 $0xFFFFEC00  }
0xc9: {  	[hbm:s10], [sflag:s15] =	dma.local @!p0 [spmem:s18], $0x500  }
0xca: {  	s10 =	simm.s32 @!p0 $0xA  }
0xcb: {  	_ =	swait.ge @!p0 [sflag:s10], $0x500  }
0xcc: {  	s9 =	sadd.s32 $0x1, s9;
	s12 =	rddreg [dreg:$0xc]  }
0xcd: {  	p1 =	sne.s32 s9, s12  }
.Ltmp1:
0xce: {  	_ = 	snop;
	(pc) =	sbr.rel @p1 .LBB2_1-.Ltmp1, $3  }
0xcf: {  	_ =	sdelay $0x1  }
0xd0: {  	[sflag:s10] =	ssyncset.done @!p0 $0x0  }
0xd1: {  	[sflag:s10] =	ssyncadd.s32 @!p0 $0xFFFFFB00  }
0xd2: {  	_ =	sfence.sel $0x180000  }
0xd3: {  	[bflag:$0x0] =	sbarrier.arrive $0xFFFF  }
0xd4: {  	_ =	strace $0x90000047  }
0xd5: {  	[bflag:$0x2] =	sbarrier.arrive $0xFFFF  }
0xd6: {  	s0 =	rddreg [dreg:$0x4]  }
0xd7: {  	s0 =	sadd.s32 @!p0 $0x100000, s0  }
0xd8: {  	[sflag:s0] =	ssyncadd.tile.s32 @!p0 $0x1;
	_ =	shalt  }
.Lfunc_end2:
_tile_overlayer_lowered:
.L_overlay_start_2:
0xd9: {  	(tag) =	ssettag $0x2  }
0xda: {  	s0 =	rddreg [dreg:$0x0];
	s2 =	stileid.u32  }
0xdb: {  	s1 =	rddreg [dreg:$0x1];
	p0 =	sne.s32 s2, $0x0  }
0xdc: {  	s3 =	rddreg [dreg:$0x2];
	[bflag:$0x3] =	sbarrier.arrive $0xFFFF;
	s2 =	simm.s32 @!p0 $0x1C0A  }
0xdd: {  	[timem:s3], [sflag:s2] =	dma.local @!p0 [hbm:s0], s1  }
0xde: {  	s0 =	simm.s32 @!p0 $0xA  }
0xdf: {  	_ =	swait.ge @!p0 [sflag:s0], s1  }
0xe0: {  	s1 =	ssub.s32 @!p0 $0x0, s1;
	[sflag:s0] =	ssyncset.done @!p0 $0x0  }
0xe1: {  	[sflag:s0] =	ssyncadd.s32 @!p0 s1  }
0xe2: {  	[bflag:$0x3] =	sbarrier.arrive $0xFFFF  }
0xe3: {  	_ =	shalt  }

</sc_bundles>
